<compile_context>
chip_gen: v7x
topology: tpu7x:2x2x1
jax: 0.10.2.dev20260603
libtpu: 0.0.44.dev20260713+nightly
codegen_flags: <defaults>
</compile_context>

<pallas_src>
import jax
import jax.numpy as jnp
from jax import lax
from jax.experimental import pallas as pl
from jax.experimental.pallas import tpu as pltpu
from jax.experimental.pallas import tpu_sc as plsc

N = 10000
E = 320000
D = 128
H = 32
ACT = 8

NC = 2
NS = 16
NW = NC * NS
NPAD = 10240
RPT = NPAD // NS
EPT = E // NW
EB = 128
NB = 80
EB2 = 64
NB2 = 160
QB2 = NB2 // 4

f32 = jnp.float32
i32 = jnp.int32


def _deg_body(dstp, cnt0, cnt1, idx_v, ones_v, zb_v, cnt_sh):
    cid = lax.axis_index("c")
    sid = lax.axis_index("s")
    wid = cid * NS + sid

    def zstep(j, _):
        zb_v[pl.ds(j * 16, 16)] = jnp.zeros((16,), f32)
        return 0

    lax.fori_loop(0, RPT // 16, zstep, 0)
    pltpu.sync_copy(zb_v, cnt_sh.at[pl.ds(sid * RPT, RPT)])

    def ostep(j, _):
        ones_v[pl.ds(j * 16, 16)] = jnp.ones((16,), f32)
        return 0

    lax.fori_loop(0, EB // 16, ostep, 0)
    pltpu.sync_copy(dstp.at[wid], idx_v)
    plsc.subcore_barrier()

    def step(j, _):
        pltpu.sync_copy(ones_v, cnt_sh.at[idx_v.at[j]], add=True)
        return 0

    lax.fori_loop(0, NB, step, 0)
    plsc.subcore_barrier()

    sl = pl.ds(sid * RPT, RPT)

    @pl.when(cid == 0)
    def _():
        pltpu.sync_copy(cnt_sh.at[sl], cnt0.at[sl])

    @pl.when(cid == 1)
    def _():
        pltpu.sync_copy(cnt_sh.at[sl], cnt1.at[sl])


def _count_deg(dstp):
    mesh = plsc.VectorSubcoreMesh(
        core_axis_name="c", subcore_axis_name="s", num_cores=NC, num_subcores=NS
    )
    return pl.kernel(
        _deg_body,
        out_type=(
            jax.ShapeDtypeStruct((NPAD,), f32),
            jax.ShapeDtypeStruct((NPAD,), f32),
        ),
        mesh=mesh,
        scratch_types=[
            pltpu.VMEM((NB, EB), i32),
            pltpu.VMEM((EB,), f32),
            pltpu.VMEM((RPT,), f32),
            pltpu.VMEM_SHARED((NPAD,), f32),
        ],
    )(dstp)


def _edge_body(
    g_hbm, srcp, dstp, out0, out1,
    srcv, dstv, rows0, rows1, rows2, rows3, acc_sh, sem0, sem1, sem2, sem3
):
    cid = lax.axis_index("c")
    sid = lax.axis_index("s")
    wid = cid * NS + sid
    ring = ((rows0, sem0), (rows1, sem1), (rows2, sem2), (rows3, sem3))

    def zrow(r, _):
        for k in range(D // 16):
            rows0[r, pl.ds(k * 16, 16)] = jnp.zeros((16,), f32)
            rows1[r, pl.ds(k * 16, 16)] = jnp.zeros((16,), f32)
        return 0

    lax.fori_loop(0, EB2, zrow, 0)
    for k in range(RPT // (2 * EB2)):
        pltpu.sync_copy(rows0, acc_sh.at[pl.ds(sid * RPT + 2 * k * EB2, EB2)])
        pltpu.sync_copy(
            rows1, acc_sh.at[pl.ds(sid * RPT + (2 * k + 1) * EB2, EB2)]
        )

    plsc.subcore_barrier()

    for ph in range(4):
        pltpu.sync_copy(srcp.at[wid, pl.ds(ph * QB2, QB2)], srcv)
        pltpu.sync_copy(dstp.at[wid, pl.ds(ph * QB2, QB2)], dstv)
        for b, (rows, sem) in enumerate(ring):
            pltpu.async_copy(g_hbm.at[srcv.at[b]], rows, sem)

        def step(jj, _):
            for b, (rows, sem) in enumerate(ring):
                batch = jj * 4 + b
                pltpu.make_async_copy(g_hbm.at[srcv.at[batch]], rows, sem).wait()
                pltpu.sync_copy(rows, acc_sh.at[dstv.at[batch]], add=True)

                @pl.when(batch + 4 < QB2)
                def _():
                    pltpu.async_copy(g_hbm.at[srcv.at[batch + 4]], rows, sem)

            return 0

        lax.fori_loop(0, QB2 // 4, step, 0)
    plsc.subcore_barrier()

    sl = pl.ds(sid * RPT, RPT)

    @pl.when(cid == 0)
    def _():
        pltpu.sync_copy(acc_sh.at[sl], out0.at[sl])

    @pl.when(cid == 1)
    def _():
        pltpu.sync_copy(acc_sh.at[sl], out1.at[sl])


def _edge_pass(g, srcp, dstp):
    mesh = plsc.VectorSubcoreMesh(
        core_axis_name="c", subcore_axis_name="s", num_cores=NC, num_subcores=NS
    )
    return pl.kernel(
        _edge_body,
        out_type=(
            jax.ShapeDtypeStruct((NPAD, D), f32),
            jax.ShapeDtypeStruct((NPAD, D), f32),
        ),
        mesh=mesh,
        scratch_types=[
            pltpu.VMEM((QB2, EB2), i32),
            pltpu.VMEM((QB2, EB2), i32),
            pltpu.VMEM((EB2, D), f32),
            pltpu.VMEM((EB2, D), f32),
            pltpu.VMEM((EB2, D), f32),
            pltpu.VMEM((EB2, D), f32),
            pltpu.VMEM_SHARED((NPAD, D), f32),
            pltpu.SemaphoreType.DMA,
            pltpu.SemaphoreType.DMA,
            pltpu.SemaphoreType.DMA,
            pltpu.SemaphoreType.DMA,
        ],
    )(g, srcp, dstp)


_BR = 2000
_GRID = N // _BR


def _b_body(x_ref, wc_ref, c0_ref, c1_ref, g_ref, d_ref):
    h = jnp.dot(x_ref[...], wc_ref[...], preferred_element_type=f32)
    deg = 1.0 + c0_ref[...] + c1_ref[...]
    dv = lax.rsqrt(deg)
    d_ref[...] = dv
    g_ref[...] = h * dv


def _premix(state, Wc, c0, c1):
    return pl.pallas_call(
        _b_body,
        grid=(_GRID,),
        in_specs=[
            pl.BlockSpec((_BR, D), lambda i: (i, 0)),
            pl.BlockSpec((D, D), lambda i: (0, 0)),
            pl.BlockSpec((_BR, 1), lambda i: (i, 0)),
            pl.BlockSpec((_BR, 1), lambda i: (i, 0)),
        ],
        out_specs=[
            pl.BlockSpec((_BR, D), lambda i: (i, 0)),
            pl.BlockSpec((_BR, 1), lambda i: (i, 0)),
        ],
        out_shape=[
            jax.ShapeDtypeStruct((N, D), f32),
            jax.ShapeDtypeStruct((N, 1), f32),
        ],
    )(state, Wc, c0, c1)


def _d_body(a0, a1, g, x0, d, bc, w1, b1, w2, b2, w3, b3, act_ref, conc_vmem, acc):
    p = pl.program_id(0)
    i = pl.program_id(1)

    @pl.when(p == 0)
    def _():
        a = a0[...] + a1[...] + g[...]
        out = jnp.maximum(d[...] * a + bc[...], 0.0)
        x = out + x0[...]
        y = jnp.dot(x, w1[...], preferred_element_type=f32) + b1[...]
        y = jnp.where(y >= 0, y, 0.01 * y)
        y = jnp.dot(y, w2[...], preferred_element_type=f32) + b2[...]
        y = jnp.where(y >= 0, y, 0.01 * y)
        z = jnp.dot(y, w3[...], preferred_element_type=f32) + b3[...]
        sp = jnp.maximum(z, 0.0) + jnp.log(1.0 + jnp.exp(-jnp.abs(z)))
        conc_vmem[pl.ds(i * _BR, _BR), :] = sp
        prev = jnp.where(i == 0, 0.0, acc[0, 0])
        acc[0, 0] = prev + jnp.sum(sp)

    @pl.when(p == 1)
    def _():
        act_ref[...] = conc_vmem[pl.ds(i * _BR, _BR), :] / (acc[0, 0] + 1e-20)


def _head(a0, a1, g, state, d, bc2, W1, b12, W2, b22, W3, b32):
    blk = lambda p, i: (i * (1 - p) + (_GRID - 1) * p, 0)
    fix = lambda p, i: (0, 0)
    return pl.pallas_call(
        _d_body,
        grid=(2, _GRID),
        in_specs=[
            pl.BlockSpec((_BR, D), blk),
            pl.BlockSpec((_BR, D), blk),
            pl.BlockSpec((_BR, D), blk),
            pl.BlockSpec((_BR, D), blk),
            pl.BlockSpec((_BR, 1), blk),
            pl.BlockSpec((1, D), fix),
            pl.BlockSpec((D, H), fix),
            pl.BlockSpec((1, H), fix),
            pl.BlockSpec((H, H), fix),
            pl.BlockSpec((1, H), fix),
            pl.BlockSpec((H, 1), fix),
            pl.BlockSpec((1, 1), fix),
        ],
        out_specs=pl.BlockSpec((_BR, 1), lambda p, i: (i, 0)),
        out_shape=jax.ShapeDtypeStruct((N, 1), f32),
        scratch_shapes=[pltpu.VMEM((N, 1), f32), pltpu.SMEM((1, 1), f32)],
    )(a0, a1, g, state, d, bc2, W1, b12, W2, b22, W3, b32)


def kernel(state, edge_index, deterministic, Wc, bc, W1, b1, W2, b2, W3, b3):
    src = edge_index[0].reshape(NW, EPT)
    dst = edge_index[1].reshape(NW, EPT)
    padw = NB * EB - EPT
    srcf = jnp.concatenate([src, jnp.zeros((NW, padw), i32)], axis=1)
    dstf = jnp.concatenate([dst, jnp.full((NW, padw), N, i32)], axis=1)
    srcp = srcf.reshape(NW, NB2, EB2)
    dstp = dstf.reshape(NW, NB2, EB2)

    c0, c1 = _count_deg(dstf.reshape(NW, NB, EB))
    g, d = _premix(state, Wc, c0.reshape(NPAD, 1), c1.reshape(NPAD, 1))
    a0, a1 = _edge_pass(g, srcp, dstp)
    act = _head(
        a0, a1, g, state, d,
        bc.reshape(1, D),
        W1, b1.reshape(1, H),
        W2, b2.reshape(1, H),
        W3, b3.reshape(1, 1),
    )
    return act[:, 0].reshape(N // ACT, ACT)

# --- scband reference (transcript-rebuilt; emitter-appended) ---
"""Pipeline reference for scband-gnnactor-27195732918295 (READ-ONLY COPY).

The authoritative reference and input builder live on the scoring server;
editing this copy changes nothing except your own understanding.
"""

import jax, jax.numpy as jnp
import numpy as np

N = 10000
E = 320000
D = 128
H = 32
ACT = 8

def setup_inputs(seed: int = 0):
    key = jax.random.key(seed)
    ks = jax.random.split(key, 8)
    state = jax.random.normal(ks[0], (N, D), dtype=jnp.float32)
    edge_index = jax.random.randint(ks[1], (2, E), 0, N, dtype=jnp.int32)
    Wc = jax.random.normal(ks[2], (D, D), dtype=jnp.float32) / np.sqrt(D)
    bc = jnp.zeros((D,), dtype=jnp.float32)
    W1 = jax.random.normal(ks[3], (D, H), dtype=jnp.float32) / np.sqrt(D)
    b1 = jnp.zeros((H,), dtype=jnp.float32)
    W2 = jax.random.normal(ks[4], (H, H), dtype=jnp.float32) / np.sqrt(H)
    b2 = jnp.zeros((H,), dtype=jnp.float32)
    W3 = jax.random.normal(ks[5], (H, 1), dtype=jnp.float32) / np.sqrt(H)
    b3 = jnp.zeros((1,), dtype=jnp.float32)
    return {"state": state, "edge_index": edge_index, "deterministic": 1,
            "Wc": Wc, "bc": bc, "W1": W1, "b1": b1, "W2": W2, "b2": b2,
            "W3": W3, "b3": b3}

def _gcn_conv(x, edge_index, W, b):
    # PyG-style GCNConv: add self loops, symmetric normalization, x @ W then scatter-add
    n = x.shape[0]
    loop = jnp.arange(n, dtype=edge_index.dtype)
    src = jnp.concatenate([edge_index[0], loop])
    dst = jnp.concatenate([edge_index[1], loop])
    deg = jnp.zeros((n,), dtype=x.dtype).at[dst].add(jnp.float32(1.0))
    deg_inv_sqrt = jnp.where(deg > 0, 1.0 / jnp.sqrt(deg), 0.0)
    norm = deg_inv_sqrt[src] * deg_inv_sqrt[dst]
    h = x @ W
    msg = h[src] * norm[:, None]
    out = jnp.zeros_like(h).at[dst].add(msg)
    return out + b

def reference(state, edge_index, deterministic, Wc, bc, W1, b1, W2, b2, W3, b3):
    out = jax.nn.relu(_gcn_conv(state, edge_index, Wc, bc))
    x = out + state
    x = x.reshape(-1, ACT, D)
    x = jax.nn.leaky_relu(x @ W1 + b1, negative_slope=0.01)
    x = jax.nn.leaky_relu(x @ W2 + b2, negative_slope=0.01)
    x = jax.nn.softplus(x @ W3 + b3)
    concentration = jnp.squeeze(x, -1)
    # deterministic mode 0 branch: action = concentration / (sum + eps), log_prob = None
    action = concentration / (concentration.sum() + 1e-20)
    return action

if __name__ == "__main__":
    import jax
    _d = setup_inputs()
    print(jax.jit(kernel)(*tuple(_d.values())))

</pallas_src>

<mosaic_0001>
#map = affine_map<(d0, d1) -> (0, 0, 0)>
#map1 = affine_map<(d0, d1) -> (0)>
module attributes {stable_mosaic.version = 14 : i64} {
  func.func @_deg_body(%arg0: i32, %arg1: i32, %arg2: memref<32x80x128xi32, #tpu.memory_space<hbm>>, %arg3: memref<10240xf32, #tpu.memory_space<hbm>>, %arg4: memref<10240xf32, #tpu.memory_space<hbm>>, %arg5: memref<80x128xi32, #tpu.memory_space<vmem>>, %arg6: memref<128xf32, #tpu.memory_space<vmem>>, %arg7: memref<640xf32, #tpu.memory_space<vmem>>, %arg8: memref<10240xf32, #tpu.memory_space<vmem_shared>>) attributes {dimension_semantics = [#tpu.dimension_semantics<core_parallel>, #tpu.dimension_semantics<subcore_parallel>], iteration_bounds = array<i64: 2, 16>, scalar_prefetch = 0 : i64, scratch_operands = 4 : i64, tpu.core_type = #tpu.core_type<sc_vector_subcore>, window_params = [{transform_indices = #map}, {transform_indices = #map1}, {transform_indices = #map1}]} {
    %mul3A = arith.constant 16 : i32
    %mul3A_0 = arith.muli %arg0, %mul3A : i32
    %add3A = arith.addi %mul3A_0, %arg1 : i32
    %scan3A = arith.constant 0 : i32
    %scan3A_1 = arith.constant 0 : i32
    %scan3A_2 = arith.constant 40 : i32
    %scan3A_3 = arith.addi %scan3A_1, %scan3A_2 : i32
    %scan3A_4 = arith.constant 1 : i32
    %scan3A_5 = scf.for %scan3A_33 = %scan3A_1 to %scan3A_3 step %scan3A_4 iter_args(%scan3A_34 = %scan3A) -> (i32)  : i32 {
      %broadcast_in_dim3A = arith.constant 0.000000e+00 : f32
      %broadcast_in_dim3A_35 = vector.broadcast %broadcast_in_dim3A : f32 to vector<16xf32>
      %mul3A_36 = arith.constant 16 : i32
      %mul3A_37 = arith.muli %scan3A_33, %mul3A_36 : i32
      %swap3A = arith.index_cast %mul3A_37 : i32 to index
      %swap3A_38 = tpu.vector_load %arg7[%swap3A] {strides = array<i32>} : memref<640xf32, #tpu.memory_space<vmem>>, vector<16xf32>,
      %swap3A_39 = vector.shape_cast %swap3A_38 : vector<16xf32> to vector<16xf32>
      %swap3A_40 = vector.shape_cast %broadcast_in_dim3A_35 : vector<16xf32> to vector<16xf32>
      tpu.vector_store %arg7[%swap3A], %swap3A_40 {strides = array<i32>} : memref<640xf32, #tpu.memory_space<vmem>>, vector<16xf32>,
      %scan3A_41 = arith.constant 0 : i32
      scf.yield %scan3A_41 : i32
    }
    %scan3A_6 = arith.constant 40 : i32
    %mul3A_7 = arith.constant 640 : i32
    %mul3A_8 = arith.muli %arg1, %mul3A_7 : i32
    "tpu.region"() ({
      %run_scoped3A = tpu.sem_alloc : memref<!tpu.dma_semaphore, #tpu.memory_space<semaphore_mem>>
      %dma_start3A = tpu.memref_slice %arg8[%mul3A_8] : memref<10240xf32, #tpu.memory_space<vmem_shared>> -> memref<640xf32, #tpu.memory_space<vmem_shared>>
      %dma_start3A_33 = tpu.memref_slice %arg8[%mul3A_8] : memref<10240xf32, #tpu.memory_space<vmem_shared>> -> memref<640xf32, #tpu.memory_space<vmem_shared>>
      tpu.enqueue_dma source(%arg7 : memref<640xf32, #tpu.memory_space<vmem>>) target(%dma_start3A_33 : memref<640xf32, #tpu.memory_space<vmem_shared>>) target_semaphore(%run_scoped3A : memref<!tpu.dma_semaphore, #tpu.memory_space<semaphore_mem>>)
      %dma_wait3A = tpu.memref_slice %arg8[%mul3A_8] : memref<10240xf32, #tpu.memory_space<vmem_shared>> -> memref<640xf32, #tpu.memory_space<vmem_shared>>
      %dma_wait3A_34 = tpu.memref_slice %arg8[%mul3A_8] : memref<10240xf32, #tpu.memory_space<vmem_shared>> -> memref<640xf32, #tpu.memory_space<vmem_shared>>
      tpu.wait_dma2 semaphore(%run_scoped3A : memref<!tpu.dma_semaphore, #tpu.memory_space<semaphore_mem>>) src(%arg7 : memref<640xf32, #tpu.memory_space<vmem>>) dst(%dma_wait3A_34 : memref<640xf32, #tpu.memory_space<vmem_shared>>)
      tpu.yield
    }) : () -> ()
    %scan3A_9 = arith.constant 0 : i32
    %scan3A_10 = arith.constant 0 : i32
    %scan3A_11 = arith.constant 8 : i32
    %scan3A_12 = arith.addi %scan3A_10, %scan3A_11 : i32
    %scan3A_13 = arith.constant 1 : i32
    %scan3A_14 = scf.for %scan3A_33 = %scan3A_10 to %scan3A_12 step %scan3A_13 iter_args(%scan3A_34 = %scan3A_9) -> (i32)  : i32 {
      %broadcast_in_dim3A = arith.constant 1.000000e+00 : f32
      %broadcast_in_dim3A_35 = vector.broadcast %broadcast_in_dim3A : f32 to vector<16xf32>
      %mul3A_36 = arith.constant 16 : i32
      %mul3A_37 = arith.muli %scan3A_33, %mul3A_36 : i32
      %swap3A = arith.index_cast %mul3A_37 : i32 to index
      %swap3A_38 = tpu.vector_load %arg6[%swap3A] {strides = array<i32>} : memref<128xf32, #tpu.memory_space<vmem>>, vector<16xf32>,
      %swap3A_39 = vector.shape_cast %swap3A_38 : vector<16xf32> to vector<16xf32>
      %swap3A_40 = vector.shape_cast %broadcast_in_dim3A_35 : vector<16xf32> to vector<16xf32>
      tpu.vector_store %arg6[%swap3A], %swap3A_40 {strides = array<i32>} : memref<128xf32, #tpu.memory_space<vmem>>, vector<16xf32>,
      %scan3A_41 = arith.constant 0 : i32
      scf.yield %scan3A_41 : i32
    }
    %scan3A_15 = arith.constant 8 : i32
    "tpu.region"() ({
      %run_scoped3A = tpu.sem_alloc : memref<!tpu.dma_semaphore, #tpu.memory_space<semaphore_mem>>
      %dma_start3A = arith.constant 0 : i32
      %dma_start3A_33 = arith.constant 0 : i32
      %dma_start3A_34 = tpu.memref_slice %arg2[%add3A, %dma_start3A, %dma_start3A_33] : memref<32x80x128xi32, #tpu.memory_space<hbm>> -> memref<1x80x128xi32, #tpu.memory_space<hbm>>
      %dma_start3A_35 = tpu.memref_squeeze %dma_start3A_34 : memref<1x80x128xi32, #tpu.memory_space<hbm>> -> memref<80x128xi32, #tpu.memory_space<hbm>>
      %dma_start3A_36 = arith.constant 0 : i32
      %dma_start3A_37 = arith.constant 0 : i32
      %dma_start3A_38 = tpu.memref_slice %arg2[%add3A, %dma_start3A_36, %dma_start3A_37] : memref<32x80x128xi32, #tpu.memory_space<hbm>> -> memref<1x80x128xi32, #tpu.memory_space<hbm>>
      %dma_start3A_39 = tpu.memref_squeeze %dma_start3A_38 : memref<1x80x128xi32, #tpu.memory_space<hbm>> -> memref<80x128xi32, #tpu.memory_space<hbm>>
      tpu.enqueue_dma source(%dma_start3A_39 : memref<80x128xi32, #tpu.memory_space<hbm>>) target(%arg5 : memref<80x128xi32, #tpu.memory_space<vmem>>) target_semaphore(%run_scoped3A : memref<!tpu.dma_semaphore, #tpu.memory_space<semaphore_mem>>)
      %dma_wait3A = arith.constant 0 : i32
      %dma_wait3A_40 = arith.constant 0 : i32
      %dma_wait3A_41 = tpu.memref_slice %arg2[%add3A, %dma_wait3A, %dma_wait3A_40] : memref<32x80x128xi32, #tpu.memory_space<hbm>> -> memref<1x80x128xi32, #tpu.memory_space<hbm>>
      %dma_wait3A_42 = tpu.memref_squeeze %dma_wait3A_41 : memref<1x80x128xi32, #tpu.memory_space<hbm>> -> memref<80x128xi32, #tpu.memory_space<hbm>>
      %dma_wait3A_43 = arith.constant 0 : i32
      %dma_wait3A_44 = arith.constant 0 : i32
      %dma_wait3A_45 = tpu.memref_slice %arg2[%add3A, %dma_wait3A_43, %dma_wait3A_44] : memref<32x80x128xi32, #tpu.memory_space<hbm>> -> memref<1x80x128xi32, #tpu.memory_space<hbm>>
      %dma_wait3A_46 = tpu.memref_squeeze %dma_wait3A_45 : memref<1x80x128xi32, #tpu.memory_space<hbm>> -> memref<80x128xi32, #tpu.memory_space<hbm>>
      tpu.wait_dma2 semaphore(%run_scoped3A : memref<!tpu.dma_semaphore, #tpu.memory_space<semaphore_mem>>) src(%dma_wait3A_46 : memref<80x128xi32, #tpu.memory_space<hbm>>) dst(%arg5 : memref<80x128xi32, #tpu.memory_space<vmem>>)
      tpu.yield
    }) : () -> ()
    %barrier3A = arith.constant 0 : index
    tpu.barrier barrier_id(%barrier3A)
    %scan3A_16 = arith.constant 0 : i32
    %scan3A_17 = arith.constant 0 : i32
    %scan3A_18 = arith.constant 80 : i32
    %scan3A_19 = arith.addi %scan3A_17, %scan3A_18 : i32
    %scan3A_20 = arith.constant 1 : i32
    %scan3A_21 = scf.for %scan3A_33 = %scan3A_17 to %scan3A_19 step %scan3A_20 iter_args(%scan3A_34 = %scan3A_16) -> (i32)  : i32 {
      "tpu.region"() ({
        %run_scoped3A = tpu.sem_alloc : memref<!tpu.dma_semaphore, #tpu.memory_space<semaphore_mem>>
        %dma_start3A = arith.constant 0 : i32
        %dma_start3A_36 = tpu.memref_slice %arg5[%scan3A_33, %dma_start3A] : memref<80x128xi32, #tpu.memory_space<vmem>> -> memref<1x128xi32, #tpu.memory_space<vmem>>
        %dma_start3A_37 = tpu.memref_squeeze %dma_start3A_36 : memref<1x128xi32, #tpu.memory_space<vmem>> -> memref<128xi32, #tpu.memory_space<vmem>>
        %dma_start3A_38 = arith.constant 0 : i32
        %dma_start3A_39 = tpu.memref_slice %arg8[%dma_start3A_38] : memref<10240xf32, #tpu.memory_space<vmem_shared>> -> memref<10240xf32, #tpu.memory_space<vmem_shared>>
        tpu.enqueue_indirect_dma source(%arg6 : memref<128xf32, #tpu.memory_space<vmem>>) target(%dma_start3A_39 : memref<10240xf32, #tpu.memory_space<vmem_shared>>) offsets(%dma_start3A_37 : memref<128xi32, #tpu.memory_space<vmem>>) semaphore(%run_scoped3A : memref<!tpu.dma_semaphore, #tpu.memory_space<semaphore_mem>>) {add = true}
        %dma_wait3A = arith.constant 0 : i32
        %dma_wait3A_40 = tpu.memref_slice %arg5[%scan3A_33, %dma_wait3A] : memref<80x128xi32, #tpu.memory_space<vmem>> -> memref<1x128xi32, #tpu.memory_space<vmem>>
        %dma_wait3A_41 = tpu.memref_squeeze %dma_wait3A_40 : memref<1x128xi32, #tpu.memory_space<vmem>> -> memref<128xi32, #tpu.memory_space<vmem>>
        %dma_wait3A_42 = arith.constant 0 : i32
        %dma_wait3A_43 = tpu.memref_slice %arg8[%dma_wait3A_42] : memref<10240xf32, #tpu.memory_space<vmem_shared>> -> memref<10240xf32, #tpu.memory_space<vmem_shared>>
        tpu.wait_indirect_dma semaphore(%run_scoped3A : memref<!tpu.dma_semaphore, #tpu.memory_space<semaphore_mem>>) src(%arg6 : memref<128xf32, #tpu.memory_space<vmem>>) dst(%dma_wait3A_43 : memref<10240xf32, #tpu.memory_space<vmem_shared>>)
        tpu.yield
      }) : () -> ()
      %scan3A_35 = arith.constant 0 : i32
      scf.yield %scan3A_35 : i32
    }
    %scan3A_22 = arith.constant 80 : i32
    %barrier3A_23 = arith.constant 0 : index
    tpu.barrier barrier_id(%barrier3A_23)
    %mul3A_24 = arith.constant 640 : i32
    %mul3A_25 = arith.muli %arg1, %mul3A_24 : i32
    %eq3A = arith.constant 0 : i32
    %eq3A_26 = arith.cmpi eq, %arg0, %eq3A : i32
    %convert_element_type3A = arith.extui %eq3A_26 : i1 to i32
    %cond3A = arith.constant 0 : i32
    %cond3A_27 = arith.cmpi ne, %convert_element_type3A, %cond3A : i32
    scf.if %cond3A_27 {
      "tpu.region"() ({
        %run_scoped3A = tpu.sem_alloc : memref<!tpu.dma_semaphore, #tpu.memory_space<semaphore_mem>>
        %dma_start3A = tpu.memref_slice %arg3[%mul3A_25] : memref<10240xf32, #tpu.memory_space<hbm>> -> memref<640xf32, #tpu.memory_space<hbm>>
        %dma_start3A_33 = tpu.memref_slice %arg8[%mul3A_25] : memref<10240xf32, #tpu.memory_space<vmem_shared>> -> memref<640xf32, #tpu.memory_space<vmem_shared>>
        tpu.enqueue_dma source(%dma_start3A_33 : memref<640xf32, #tpu.memory_space<vmem_shared>>) target(%dma_start3A : memref<640xf32, #tpu.memory_space<hbm>>) target_semaphore(%run_scoped3A : memref<!tpu.dma_semaphore, #tpu.memory_space<semaphore_mem>>)
        %dma_wait3A = tpu.memref_slice %arg3[%mul3A_25] : memref<10240xf32, #tpu.memory_space<hbm>> -> memref<640xf32, #tpu.memory_space<hbm>>
        %dma_wait3A_34 = tpu.memref_slice %arg8[%mul3A_25] : memref<10240xf32, #tpu.memory_space<vmem_shared>> -> memref<640xf32, #tpu.memory_space<vmem_shared>>
        tpu.wait_dma2 semaphore(%run_scoped3A : memref<!tpu.dma_semaphore, #tpu.memory_space<semaphore_mem>>) src(%dma_wait3A_34 : memref<640xf32, #tpu.memory_space<vmem_shared>>) dst(%dma_wait3A : memref<640xf32, #tpu.memory_space<hbm>>)
        tpu.yield
      }) : () -> ()
    } else {
    }
    %eq3A_28 = arith.constant 1 : i32
    %eq3A_29 = arith.cmpi eq, %arg0, %eq3A_28 : i32
    %convert_element_type3A_30 = arith.extui %eq3A_29 : i1 to i32
    %cond3A_31 = arith.constant 0 : i32
    %cond3A_32 = arith.cmpi ne, %convert_element_type3A_30, %cond3A_31 : i32
    scf.if %cond3A_32 {
      "tpu.region"() ({
        %run_scoped3A = tpu.sem_alloc : memref<!tpu.dma_semaphore, #tpu.memory_space<semaphore_mem>>
        %dma_start3A = tpu.memref_slice %arg4[%mul3A_25] : memref<10240xf32, #tpu.memory_space<hbm>> -> memref<640xf32, #tpu.memory_space<hbm>>
        %dma_start3A_33 = tpu.memref_slice %arg8[%mul3A_25] : memref<10240xf32, #tpu.memory_space<vmem_shared>> -> memref<640xf32, #tpu.memory_space<vmem_shared>>
        tpu.enqueue_dma source(%dma_start3A_33 : memref<640xf32, #tpu.memory_space<vmem_shared>>) target(%dma_start3A : memref<640xf32, #tpu.memory_space<hbm>>) target_semaphore(%run_scoped3A : memref<!tpu.dma_semaphore, #tpu.memory_space<semaphore_mem>>)
        %dma_wait3A = tpu.memref_slice %arg4[%mul3A_25] : memref<10240xf32, #tpu.memory_space<hbm>> -> memref<640xf32, #tpu.memory_space<hbm>>
        %dma_wait3A_34 = tpu.memref_slice %arg8[%mul3A_25] : memref<10240xf32, #tpu.memory_space<vmem_shared>> -> memref<640xf32, #tpu.memory_space<vmem_shared>>
        tpu.wait_dma2 semaphore(%run_scoped3A : memref<!tpu.dma_semaphore, #tpu.memory_space<semaphore_mem>>) src(%dma_wait3A_34 : memref<640xf32, #tpu.memory_space<vmem_shared>>) dst(%dma_wait3A : memref<640xf32, #tpu.memory_space<hbm>>)
        tpu.yield
      }) : () -> ()
    } else {
    }
    return
  }
}

#map = affine_map<(d0, d1) -> (0, 0)>
#map1 = affine_map<(d0, d1) -> (0, 0, 0)>
module attributes {stable_mosaic.version = 14 : i64} {
  func.func @_edge_body(%arg0: i32, %arg1: i32, %arg2: memref<10000x128xf32, #tpu.memory_space<hbm>>, %arg3: memref<32x160x64xi32, #tpu.memory_space<hbm>>, %arg4: memref<32x160x64xi32, #tpu.memory_space<hbm>>, %arg5: memref<10240x128xf32, #tpu.memory_space<hbm>>, %arg6: memref<10240x128xf32, #tpu.memory_space<hbm>>, %arg7: memref<40x64xi32, #tpu.memory_space<vmem>>, %arg8: memref<40x64xi32, #tpu.memory_space<vmem>>, %arg9: memref<64x128xf32, #tpu.memory_space<vmem>>, %arg10: memref<64x128xf32, #tpu.memory_space<vmem>>, %arg11: memref<64x128xf32, #tpu.memory_space<vmem>>, %arg12: memref<64x128xf32, #tpu.memory_space<vmem>>, %arg13: memref<10240x128xf32, #tpu.memory_space<vmem_shared>>, %arg14: memref<!tpu.dma_semaphore, #tpu.memory_space<semaphore_mem>>, %arg15: memref<!tpu.dma_semaphore, #tpu.memory_space<semaphore_mem>>, %arg16: memref<!tpu.dma_semaphore, #tpu.memory_space<semaphore_mem>>, %arg17: memref<!tpu.dma_semaphore, #tpu.memory_space<semaphore_mem>>) attributes {dimension_semantics = [#tpu.dimension_semantics<core_parallel>, #tpu.dimension_semantics<subcore_parallel>], iteration_bounds = array<i64: 2, 16>, scalar_prefetch = 0 : i64, scratch_operands = 11 : i64, tpu.core_type = #tpu.core_type<sc_vector_subcore>, window_params = [{transform_indices = #map}, {transform_indices = #map1}, {transform_indices = #map1}, {transform_indices = #map}, {transform_indices = #map}]} {
    %mul3A = arith.constant 16 : i32
    %mul3A_0 = arith.muli %arg0, %mul3A : i32
    %add3A = arith.addi %mul3A_0, %arg1 : i32
    %scan3A = arith.constant 0 : i32
    %scan3A_1 = arith.constant 0 : i32
    %scan3A_2 = arith.constant 64 : i32
    %scan3A_3 = arith.addi %scan3A_1, %scan3A_2 : i32
    %scan3A_4 = arith.constant 1 : i32
    %scan3A_5 = scf.for %scan3A_196 = %scan3A_1 to %scan3A_3 step %scan3A_4 iter_args(%scan3A_197 = %scan3A) -> (i32)  : i32 {
      %broadcast_in_dim3A = arith.constant 0.000000e+00 : f32
      %broadcast_in_dim3A_198 = vector.broadcast %broadcast_in_dim3A : f32 to vector<16xf32>
      %swap3A = arith.index_cast %scan3A_196 : i32 to index
      %swap3A_199 = arith.constant 0 : index
      %swap3A_200 = tpu.vector_load %arg9[%swap3A, %swap3A_199] {strides = array<i32>} : memref<64x128xf32, #tpu.memory_space<vmem>>, vector<1x16xf32>,
      %swap3A_201 = vector.shape_cast %swap3A_200 : vector<1x16xf32> to vector<16xf32>
      %swap3A_202 = vector.shape_cast %broadcast_in_dim3A_198 : vector<16xf32> to vector<1x16xf32>
      tpu.vector_store %arg9[%swap3A, %swap3A_199], %swap3A_202 {strides = array<i32>} : memref<64x128xf32, #tpu.memory_space<vmem>>, vector<1x16xf32>,
      %broadcast_in_dim3A_203 = arith.constant 0.000000e+00 : f32
      %broadcast_in_dim3A_204 = vector.broadcast %broadcast_in_dim3A_203 : f32 to vector<16xf32>
      %swap3A_205 = arith.index_cast %scan3A_196 : i32 to index
      %swap3A_206 = arith.constant 0 : index
      %swap3A_207 = tpu.vector_load %arg10[%swap3A_205, %swap3A_206] {strides = array<i32>} : memref<64x128xf32, #tpu.memory_space<vmem>>, vector<1x16xf32>,
      %swap3A_208 = vector.shape_cast %swap3A_207 : vector<1x16xf32> to vector<16xf32>
      %swap3A_209 = vector.shape_cast %broadcast_in_dim3A_204 : vector<16xf32> to vector<1x16xf32>
      tpu.vector_store %arg10[%swap3A_205, %swap3A_206], %swap3A_209 {strides = array<i32>} : memref<64x128xf32, #tpu.memory_space<vmem>>, vector<1x16xf32>,
      %broadcast_in_dim3A_210 = arith.constant 0.000000e+00 : f32
      %broadcast_in_dim3A_211 = vector.broadcast %broadcast_in_dim3A_210 : f32 to vector<16xf32>
      %swap3A_212 = arith.index_cast %scan3A_196 : i32 to index
      %swap3A_213 = arith.constant 16 : index
      %swap3A_214 = tpu.vector_load %arg9[%swap3A_212, %swap3A_213] {strides = array<i32>} : memref<64x128xf32, #tpu.memory_space<vmem>>, vector<1x16xf32>,
      %swap3A_215 = vector.shape_cast %swap3A_214 : vector<1x16xf32> to vector<16xf32>
      %swap3A_216 = vector.shape_cast %broadcast_in_dim3A_211 : vector<16xf32> to vector<1x16xf32>
      tpu.vector_store %arg9[%swap3A_212, %swap3A_213], %swap3A_216 {strides = array<i32>} : memref<64x128xf32, #tpu.memory_space<vmem>>, vector<1x16xf32>,
      %broadcast_in_dim3A_217 = arith.constant 0.000000e+00 : f32
      %broadcast_in_dim3A_218 = vector.broadcast %broadcast_in_dim3A_217 : f32 to vector<16xf32>
      %swap3A_219 = arith.index_cast %scan3A_196 : i32 to index
      %swap3A_220 = arith.constant 16 : index
      %swap3A_221 = tpu.vector_load %arg10[%swap3A_219, %swap3A_220] {strides = array<i32>} : memref<64x128xf32, #tpu.memory_space<vmem>>, vector<1x16xf32>,
      %swap3A_222 = vector.shape_cast %swap3A_221 : vector<1x16xf32> to vector<16xf32>
      %swap3A_223 = vector.shape_cast %broadcast_in_dim3A_218 : vector<16xf32> to vector<1x16xf32>
      tpu.vector_store %arg10[%swap3A_219, %swap3A_220], %swap3A_223 {strides = array<i32>} : memref<64x128xf32, #tpu.memory_space<vmem>>, vector<1x16xf32>,
      %broadcast_in_dim3A_224 = arith.constant 0.000000e+00 : f32
      %broadcast_in_dim3A_225 = vector.broadcast %broadcast_in_dim3A_224 : f32 to vector<16xf32>
      %swap3A_226 = arith.index_cast %scan3A_196 : i32 to index
      %swap3A_227 = arith.constant 32 : index
      %swap3A_228 = tpu.vector_load %arg9[%swap3A_226, %swap3A_227] {strides = array<i32>} : memref<64x128xf32, #tpu.memory_space<vmem>>, vector<1x16xf32>,
      %swap3A_229 = vector.shape_cast %swap3A_228 : vector<1x16xf32> to vector<16xf32>
      %swap3A_230 = vector.shape_cast %broadcast_in_dim3A_225 : vector<16xf32> to vector<1x16xf32>
      tpu.vector_store %arg9[%swap3A_226, %swap3A_227], %swap3A_230 {strides = array<i32>} : memref<64x128xf32, #tpu.memory_space<vmem>>, vector<1x16xf32>,
      %broadcast_in_dim3A_231 = arith.constant 0.000000e+00 : f32
      %broadcast_in_dim3A_232 = vector.broadcast %broadcast_in_dim3A_231 : f32 to vector<16xf32>
      %swap3A_233 = arith.index_cast %scan3A_196 : i32 to index
      %swap3A_234 = arith.constant 32 : index
      %swap3A_235 = tpu.vector_load %arg10[%swap3A_233, %swap3A_234] {strides = array<i32>} : memref<64x128xf32, #tpu.memory_space<vmem>>, vector<1x16xf32>,
      %swap3A_236 = vector.shape_cast %swap3A_235 : vector<1x16xf32> to vector<16xf32>
      %swap3A_237 = vector.shape_cast %broadcast_in_dim3A_232 : vector<16xf32> to vector<1x16xf32>
      tpu.vector_store %arg10[%swap3A_233, %swap3A_234], %swap3A_237 {strides = array<i32>} : memref<64x128xf32, #tpu.memory_space<vmem>>, vector<1x16xf32>,
      %broadcast_in_dim3A_238 = arith.constant 0.000000e+00 : f32
      %broadcast_in_dim3A_239 = vector.broadcast %broadcast_in_dim3A_238 : f32 to vector<16xf32>
      %swap3A_240 = arith.index_cast %scan3A_196 : i32 to index
      %swap3A_241 = arith.constant 48 : index
      %swap3A_242 = tpu.vector_load %arg9[%swap3A_240, %swap3A_241] {strides = array<i32>} : memref<64x128xf32, #tpu.memory_space<vmem>>, vector<1x16xf32>,
      %swap3A_243 = vector.shape_cast %swap3A_242 : vector<1x16xf32> to vector<16xf32>
      %swap3A_244 = vector.shape_cast %broadcast_in_dim3A_239 : vector<16xf32> to vector<1x16xf32>
      tpu.vector_store %arg9[%swap3A_240, %swap3A_241], %swap3A_244 {strides = array<i32>} : memref<64x128xf32, #tpu.memory_space<vmem>>, vector<1x16xf32>,
      %broadcast_in_dim3A_245 = arith.constant 0.000000e+00 : f32
      %broadcast_in_dim3A_246 = vector.broadcast %broadcast_in_dim3A_245 : f32 to vector<16xf32>
      %swap3A_247 = arith.index_cast %scan3A_196 : i32 to index
      %swap3A_248 = arith.constant 48 : index
      %swap3A_249 = tpu.vector_load %arg10[%swap3A_247, %swap3A_248] {strides = array<i32>} : memref<64x128xf32, #tpu.memory_space<vmem>>, vector<1x16xf32>,
      %swap3A_250 = vector.shape_cast %swap3A_249 : vector<1x16xf32> to vector<16xf32>
      %swap3A_251 = vector.shape_cast %broadcast_in_dim3A_246 : vector<16xf32> to vector<1x16xf32>
      tpu.vector_store %arg10[%swap3A_247, %swap3A_248], %swap3A_251 {strides = array<i32>} : memref<64x128xf32, #tpu.memory_space<vmem>>, vector<1x16xf32>,
      %broadcast_in_dim3A_252 = arith.constant 0.000000e+00 : f32
      %broadcast_in_dim3A_253 = vector.broadcast %broadcast_in_dim3A_252 : f32 to vector<16xf32>
      %swap3A_254 = arith.index_cast %scan3A_196 : i32 to index
      %swap3A_255 = arith.constant 64 : index
      %swap3A_256 = tpu.vector_load %arg9[%swap3A_254, %swap3A_255] {strides = array<i32>} : memref<64x128xf32, #tpu.memory_space<vmem>>, vector<1x16xf32>,
      %swap3A_257 = vector.shape_cast %swap3A_256 : vector<1x16xf32> to vector<16xf32>
      %swap3A_258 = vector.shape_cast %broadcast_in_dim3A_253 : vector<16xf32> to vector<1x16xf32>
      tpu.vector_store %arg9[%swap3A_254, %swap3A_255], %swap3A_258 {strides = array<i32>} : memref<64x128xf32, #tpu.memory_space<vmem>>, vector<1x16xf32>,
      %broadcast_in_dim3A_259 = arith.constant 0.000000e+00 : f32
      %broadcast_in_dim3A_260 = vector.broadcast %broadcast_in_dim3A_259 : f32 to vector<16xf32>
      %swap3A_261 = arith.index_cast %scan3A_196 : i32 to index
      %swap3A_262 = arith.constant 64 : index
      %swap3A_263 = tpu.vector_load %arg10[%swap3A_261, %swap3A_262] {strides = array<i32>} : memref<64x128xf32, #tpu.memory_space<vmem>>, vector<1x16xf32>,
      %swap3A_264 = vector.shape_cast %swap3A_263 : vector<1x16xf32> to vector<16xf32>
      %swap3A_265 = vector.shape_cast %broadcast_in_dim3A_260 : vector<16xf32> to vector<1x16xf32>
      tpu.vector_store %arg10[%swap3A_261, %swap3A_262], %swap3A_265 {strides = array<i32>} : memref<64x128xf32, #tpu.memory_space<vmem>>, vector<1x16xf32>,
      %broadcast_in_dim3A_266 = arith.constant 0.000000e+00 : f32
      %broadcast_in_dim3A_267 = vector.broadcast %broadcast_in_dim3A_266 : f32 to vector<16xf32>
      %swap3A_268 = arith.index_cast %scan3A_196 : i32 to index
      %swap3A_269 = arith.constant 80 : index
      %swap3A_270 = tpu.vector_load %arg9[%swap3A_268, %swap3A_269] {strides = array<i32>} : memref<64x128xf32, #tpu.memory_space<vmem>>, vector<1x16xf32>,
      %swap3A_271 = vector.shape_cast %swap3A_270 : vector<1x16xf32> to vector<16xf32>
      %swap3A_272 = vector.shape_cast %broadcast_in_dim3A_267 : vector<16xf32> to vector<1x16xf32>
      tpu.vector_store %arg9[%swap3A_268, %swap3A_269], %swap3A_272 {strides = array<i32>} : memref<64x128xf32, #tpu.memory_space<vmem>>, vector<1x16xf32>,
      %broadcast_in_dim3A_273 = arith.constant 0.000000e+00 : f32
      %broadcast_in_dim3A_274 = vector.broadcast %broadcast_in_dim3A_273 : f32 to vector<16xf32>
      %swap3A_275 = arith.index_cast %scan3A_196 : i32 to index
      %swap3A_276 = arith.constant 80 : index
      %swap3A_277 = tpu.vector_load %arg10[%swap3A_275, %swap3A_276] {strides = array<i32>} : memref<64x128xf32, #tpu.memory_space<vmem>>, vector<1x16xf32>,
      %swap3A_278 = vector.shape_cast %swap3A_277 : vector<1x16xf32> to vector<16xf32>
      %swap3A_279 = vector.shape_cast %broadcast_in_dim3A_274 : vector<16xf32> to vector<1x16xf32>
      tpu.vector_store %arg10[%swap3A_275, %swap3A_276], %swap3A_279 {strides = array<i32>} : memref<64x128xf32, #tpu.memory_space<vmem>>, vector<1x16xf32>,
      %broadcast_in_dim3A_280 = arith.constant 0.000000e+00 : f32
      %broadcast_in_dim3A_281 = vector.broadcast %broadcast_in_dim3A_280 : f32 to vector<16xf32>
      %swap3A_282 = arith.index_cast %scan3A_196 : i32 to index
      %swap3A_283 = arith.constant 96 : index
      %swap3A_284 = tpu.vector_load %arg9[%swap3A_282, %swap3A_283] {strides = array<i32>} : memref<64x128xf32, #tpu.memory_space<vmem>>, vector<1x16xf32>,
      %swap3A_285 = vector.shape_cast %swap3A_284 : vector<1x16xf32> to vector<16xf32>
      %swap3A_286 = vector.shape_cast %broadcast_in_dim3A_281 : vector<16xf32> to vector<1x16xf32>
      tpu.vector_store %arg9[%swap3A_282, %swap3A_283], %swap3A_286 {strides = array<i32>} : memref<64x128xf32, #tpu.memory_space<vmem>>, vector<1x16xf32>,
      %broadcast_in_dim3A_287 = arith.constant 0.000000e+00 : f32
      %broadcast_in_dim3A_288 = vector.broadcast %broadcast_in_dim3A_287 : f32 to vector<16xf32>
      %swap3A_289 = arith.index_cast %scan3A_196 : i32 to index
      %swap3A_290 = arith.constant 96 : index
      %swap3A_291 = tpu.vector_load %arg10[%swap3A_289, %swap3A_290] {strides = array<i32>} : memref<64x128xf32, #tpu.memory_space<vmem>>, vector<1x16xf32>,
      %swap3A_292 = vector.shape_cast %swap3A_291 : vector<1x16xf32> to vector<16xf32>
      %swap3A_293 = vector.shape_cast %broadcast_in_dim3A_288 : vector<16xf32> to vector<1x16xf32>
      tpu.vector_store %arg10[%swap3A_289, %swap3A_290], %swap3A_293 {strides = array<i32>} : memref<64x128xf32, #tpu.memory_space<vmem>>, vector<1x16xf32>,
      %broadcast_in_dim3A_294 = arith.constant 0.000000e+00 : f32
      %broadcast_in_dim3A_295 = vector.broadcast %broadcast_in_dim3A_294 : f32 to vector<16xf32>
      %swap3A_296 = arith.index_cast %scan3A_196 : i32 to index
      %swap3A_297 = arith.constant 112 : index
      %swap3A_298 = tpu.vector_load %arg9[%swap3A_296, %swap3A_297] {strides = array<i32>} : memref<64x128xf32, #tpu.memory_space<vmem>>, vector<1x16xf32>,
      %swap3A_299 = vector.shape_cast %swap3A_298 : vector<1x16xf32> to vector<16xf32>
      %swap3A_300 = vector.shape_cast %broadcast_in_dim3A_295 : vector<16xf32> to vector<1x16xf32>
      tpu.vector_store %arg9[%swap3A_296, %swap3A_297], %swap3A_300 {strides = array<i32>} : memref<64x128xf32, #tpu.memory_space<vmem>>, vector<1x16xf32>,
      %broadcast_in_dim3A_301 = arith.constant 0.000000e+00 : f32
      %broadcast_in_dim3A_302 = vector.broadcast %broadcast_in_dim3A_301 : f32 to vector<16xf32>
      %swap3A_303 = arith.index_cast %scan3A_196 : i32 to index
      %swap3A_304 = arith.constant 112 : index
      %swap3A_305 = tpu.vector_load %arg10[%swap3A_303, %swap3A_304] {strides = array<i32>} : memref<64x128xf32, #tpu.memory_space<vmem>>, vector<1x16xf32>,
      %swap3A_306 = vector.shape_cast %swap3A_305 : vector<1x16xf32> to vector<16xf32>
      %swap3A_307 = vector.shape_cast %broadcast_in_dim3A_302 : vector<16xf32> to vector<1x16xf32>
      tpu.vector_store %arg10[%swap3A_303, %swap3A_304], %swap3A_307 {strides = array<i32>} : memref<64x128xf32, #tpu.memory_space<vmem>>, vector<1x16xf32>,
      %scan3A_308 = arith.constant 0 : i32
      scf.yield %scan3A_308 : i32
    }
    %scan3A_6 = arith.constant 64 : i32
    %mul3A_7 = arith.constant 640 : i32
    %mul3A_8 = arith.muli %arg1, %mul3A_7 : i32
    %add3A_9 = arith.constant 0 : i32
    %add3A_10 = arith.addi %mul3A_8, %add3A_9 : i32
    "tpu.region"() ({
      %run_scoped3A = tpu.sem_alloc : memref<!tpu.dma_semaphore, #tpu.memory_space<semaphore_mem>>
      %dma_start3A_196 = arith.constant 0 : i32
      %dma_start3A_197 = tpu.memref_slice %arg13[%add3A_10, %dma_start3A_196] : memref<10240x128xf32, #tpu.memory_space<vmem_shared>> -> memref<64x128xf32, #tpu.memory_space<vmem_shared>>
      %dma_start3A_198 = arith.constant 0 : i32
      %dma_start3A_199 = tpu.memref_slice %arg13[%add3A_10, %dma_start3A_198] : memref<10240x128xf32, #tpu.memory_space<vmem_shared>> -> memref<64x128xf32, #tpu.memory_space<vmem_shared>>
      tpu.enqueue_dma source(%arg9 : memref<64x128xf32, #tpu.memory_space<vmem>>) target(%dma_start3A_199 : memref<64x128xf32, #tpu.memory_space<vmem_shared>>) target_semaphore(%run_scoped3A : memref<!tpu.dma_semaphore, #tpu.memory_space<semaphore_mem>>)
      %dma_wait3A = arith.constant 0 : i32
      %dma_wait3A_200 = tpu.memref_slice %arg13[%add3A_10, %dma_wait3A] : memref<10240x128xf32, #tpu.memory_space<vmem_shared>> -> memref<64x128xf32, #tpu.memory_space<vmem_shared>>
      %dma_wait3A_201 = arith.constant 0 : i32
      %dma_wait3A_202 = tpu.memref_slice %arg13[%add3A_10, %dma_wait3A_201] : memref<10240x128xf32, #tpu.memory_space<vmem_shared>> -> memref<64x128xf32, #tpu.memory_space<vmem_shared>>
      tpu.wait_dma2 semaphore(%run_scoped3A : memref<!tpu.dma_semaphore, #tpu.memory_space<semaphore_mem>>) src(%arg9 : memref<64x128xf32, #tpu.memory_space<vmem>>) dst(%dma_wait3A_202 : memref<64x128xf32, #tpu.memory_space<vmem_shared>>)
      tpu.yield
    }) : () -> ()
    %mul3A_11 = arith.constant 640 : i32
    %mul3A_12 = arith.muli %arg1, %mul3A_11 : i32
    %add3A_13 = arith.constant 64 : i32
    %add3A_14 = arith.addi %mul3A_12, %add3A_13 : i32
    "tpu.region"() ({
      %run_scoped3A = tpu.sem_alloc : memref<!tpu.dma_semaphore, #tpu.memory_space<semaphore_mem>>
      %dma_start3A_196 = arith.constant 0 : i32
      %dma_start3A_197 = tpu.memref_slice %arg13[%add3A_14, %dma_start3A_196] : memref<10240x128xf32, #tpu.memory_space<vmem_shared>> -> memref<64x128xf32, #tpu.memory_space<vmem_shared>>
      %dma_start3A_198 = arith.constant 0 : i32
      %dma_start3A_199 = tpu.memref_slice %arg13[%add3A_14, %dma_start3A_198] : memref<10240x128xf32, #tpu.memory_space<vmem_shared>> -> memref<64x128xf32, #tpu.memory_space<vmem_shared>>
      tpu.enqueue_dma source(%arg10 : memref<64x128xf32, #tpu.memory_space<vmem>>) target(%dma_start3A_199 : memref<64x128xf32, #tpu.memory_space<vmem_shared>>) target_semaphore(%run_scoped3A : memref<!tpu.dma_semaphore, #tpu.memory_space<semaphore_mem>>)
      %dma_wait3A = arith.constant 0 : i32
      %dma_wait3A_200 = tpu.memref_slice %arg13[%add3A_14, %dma_wait3A] : memref<10240x128xf32, #tpu.memory_space<vmem_shared>> -> memref<64x128xf32, #tpu.memory_space<vmem_shared>>
      %dma_wait3A_201 = arith.constant 0 : i32
      %dma_wait3A_202 = tpu.memref_slice %arg13[%add3A_14, %dma_wait3A_201] : memref<10240x128xf32, #tpu.memory_space<vmem_shared>> -> memref<64x128xf32, #tpu.memory_space<vmem_shared>>
      tpu.wait_dma2 semaphore(%run_scoped3A : memref<!tpu.dma_semaphore, #tpu.memory_space<semaphore_mem>>) src(%arg10 : memref<64x128xf32, #tpu.memory_space<vmem>>) dst(%dma_wait3A_202 : memref<64x128xf32, #tpu.memory_space<vmem_shared>>)
      tpu.yield
    }) : () -> ()
    %mul3A_15 = arith.constant 640 : i32
    %mul3A_16 = arith.muli %arg1, %mul3A_15 : i32
    %add3A_17 = arith.constant 128 : i32
    %add3A_18 = arith.addi %mul3A_16, %add3A_17 : i32
    "tpu.region"() ({
      %run_scoped3A = tpu.sem_alloc : memref<!tpu.dma_semaphore, #tpu.memory_space<semaphore_mem>>
      %dma_start3A_196 = arith.constant 0 : i32
      %dma_start3A_197 = tpu.memref_slice %arg13[%add3A_18, %dma_start3A_196] : memref<10240x128xf32, #tpu.memory_space<vmem_shared>> -> memref<64x128xf32, #tpu.memory_space<vmem_shared>>
      %dma_start3A_198 = arith.constant 0 : i32
      %dma_start3A_199 = tpu.memref_slice %arg13[%add3A_18, %dma_start3A_198] : memref<10240x128xf32, #tpu.memory_space<vmem_shared>> -> memref<64x128xf32, #tpu.memory_space<vmem_shared>>
      tpu.enqueue_dma source(%arg9 : memref<64x128xf32, #tpu.memory_space<vmem>>) target(%dma_start3A_199 : memref<64x128xf32, #tpu.memory_space<vmem_shared>>) target_semaphore(%run_scoped3A : memref<!tpu.dma_semaphore, #tpu.memory_space<semaphore_mem>>)
      %dma_wait3A = arith.constant 0 : i32
      %dma_wait3A_200 = tpu.memref_slice %arg13[%add3A_18, %dma_wait3A] : memref<10240x128xf32, #tpu.memory_space<vmem_shared>> -> memref<64x128xf32, #tpu.memory_space<vmem_shared>>
      %dma_wait3A_201 = arith.constant 0 : i32
      %dma_wait3A_202 = tpu.memref_slice %arg13[%add3A_18, %dma_wait3A_201] : memref<10240x128xf32, #tpu.memory_space<vmem_shared>> -> memref<64x128xf32, #tpu.memory_space<vmem_shared>>
      tpu.wait_dma2 semaphore(%run_scoped3A : memref<!tpu.dma_semaphore, #tpu.memory_space<semaphore_mem>>) src(%arg9 : memref<64x128xf32, #tpu.memory_space<vmem>>) dst(%dma_wait3A_202 : memref<64x128xf32, #tpu.memory_space<vmem_shared>>)
      tpu.yield
    }) : () -> ()
    %mul3A_19 = arith.constant 640 : i32
    %mul3A_20 = arith.muli %arg1, %mul3A_19 : i32
    %add3A_21 = arith.constant 192 : i32
    %add3A_22 = arith.addi %mul3A_20, %add3A_21 : i32
    "tpu.region"() ({
      %run_scoped3A = tpu.sem_alloc : memref<!tpu.dma_semaphore, #tpu.memory_space<semaphore_mem>>
      %dma_start3A_196 = arith.constant 0 : i32
      %dma_start3A_197 = tpu.memref_slice %arg13[%add3A_22, %dma_start3A_196] : memref<10240x128xf32, #tpu.memory_space<vmem_shared>> -> memref<64x128xf32, #tpu.memory_space<vmem_shared>>
      %dma_start3A_198 = arith.constant 0 : i32
      %dma_start3A_199 = tpu.memref_slice %arg13[%add3A_22, %dma_start3A_198] : memref<10240x128xf32, #tpu.memory_space<vmem_shared>> -> memref<64x128xf32, #tpu.memory_space<vmem_shared>>
      tpu.enqueue_dma source(%arg10 : memref<64x128xf32, #tpu.memory_space<vmem>>) target(%dma_start3A_199 : memref<64x128xf32, #tpu.memory_space<vmem_shared>>) target_semaphore(%run_scoped3A : memref<!tpu.dma_semaphore, #tpu.memory_space<semaphore_mem>>)
      %dma_wait3A = arith.constant 0 : i32
      %dma_wait3A_200 = tpu.memref_slice %arg13[%add3A_22, %dma_wait3A] : memref<10240x128xf32, #tpu.memory_space<vmem_shared>> -> memref<64x128xf32, #tpu.memory_space<vmem_shared>>
      %dma_wait3A_201 = arith.constant 0 : i32
      %dma_wait3A_202 = tpu.memref_slice %arg13[%add3A_22, %dma_wait3A_201] : memref<10240x128xf32, #tpu.memory_space<vmem_shared>> -> memref<64x128xf32, #tpu.memory_space<vmem_shared>>
      tpu.wait_dma2 semaphore(%run_scoped3A : memref<!tpu.dma_semaphore, #tpu.memory_space<semaphore_mem>>) src(%arg10 : memref<64x128xf32, #tpu.memory_space<vmem>>) dst(%dma_wait3A_202 : memref<64x128xf32, #tpu.memory_space<vmem_shared>>)
      tpu.yield
    }) : () -> ()
    %mul3A_23 = arith.constant 640 : i32
    %mul3A_24 = arith.muli %arg1, %mul3A_23 : i32
    %add3A_25 = arith.constant 256 : i32
    %add3A_26 = arith.addi %mul3A_24, %add3A_25 : i32
    "tpu.region"() ({
      %run_scoped3A = tpu.sem_alloc : memref<!tpu.dma_semaphore, #tpu.memory_space<semaphore_mem>>
      %dma_start3A_196 = arith.constant 0 : i32
      %dma_start3A_197 = tpu.memref_slice %arg13[%add3A_26, %dma_start3A_196] : memref<10240x128xf32, #tpu.memory_space<vmem_shared>> -> memref<64x128xf32, #tpu.memory_space<vmem_shared>>
      %dma_start3A_198 = arith.constant 0 : i32
      %dma_start3A_199 = tpu.memref_slice %arg13[%add3A_26, %dma_start3A_198] : memref<10240x128xf32, #tpu.memory_space<vmem_shared>> -> memref<64x128xf32, #tpu.memory_space<vmem_shared>>
      tpu.enqueue_dma source(%arg9 : memref<64x128xf32, #tpu.memory_space<vmem>>) target(%dma_start3A_199 : memref<64x128xf32, #tpu.memory_space<vmem_shared>>) target_semaphore(%run_scoped3A : memref<!tpu.dma_semaphore, #tpu.memory_space<semaphore_mem>>)
      %dma_wait3A = arith.constant 0 : i32
      %dma_wait3A_200 = tpu.memref_slice %arg13[%add3A_26, %dma_wait3A] : memref<10240x128xf32, #tpu.memory_space<vmem_shared>> -> memref<64x128xf32, #tpu.memory_space<vmem_shared>>
      %dma_wait3A_201 = arith.constant 0 : i32
      %dma_wait3A_202 = tpu.memref_slice %arg13[%add3A_26, %dma_wait3A_201] : memref<10240x128xf32, #tpu.memory_space<vmem_shared>> -> memref<64x128xf32, #tpu.memory_space<vmem_shared>>
      tpu.wait_dma2 semaphore(%run_scoped3A : memref<!tpu.dma_semaphore, #tpu.memory_space<semaphore_mem>>) src(%arg9 : memref<64x128xf32, #tpu.memory_space<vmem>>) dst(%dma_wait3A_202 : memref<64x128xf32, #tpu.memory_space<vmem_shared>>)
      tpu.yield
    }) : () -> ()
    %mul3A_27 = arith.constant 640 : i32
    %mul3A_28 = arith.muli %arg1, %mul3A_27 : i32
    %add3A_29 = arith.constant 320 : i32
    %add3A_30 = arith.addi %mul3A_28, %add3A_29 : i32
    "tpu.region"() ({
      %run_scoped3A = tpu.sem_alloc : memref<!tpu.dma_semaphore, #tpu.memory_space<semaphore_mem>>
      %dma_start3A_196 = arith.constant 0 : i32
      %dma_start3A_197 = tpu.memref_slice %arg13[%add3A_30, %dma_start3A_196] : memref<10240x128xf32, #tpu.memory_space<vmem_shared>> -> memref<64x128xf32, #tpu.memory_space<vmem_shared>>
      %dma_start3A_198 = arith.constant 0 : i32
      %dma_start3A_199 = tpu.memref_slice %arg13[%add3A_30, %dma_start3A_198] : memref<10240x128xf32, #tpu.memory_space<vmem_shared>> -> memref<64x128xf32, #tpu.memory_space<vmem_shared>>
      tpu.enqueue_dma source(%arg10 : memref<64x128xf32, #tpu.memory_space<vmem>>) target(%dma_start3A_199 : memref<64x128xf32, #tpu.memory_space<vmem_shared>>) target_semaphore(%run_scoped3A : memref<!tpu.dma_semaphore, #tpu.memory_space<semaphore_mem>>)
      %dma_wait3A = arith.constant 0 : i32
      %dma_wait3A_200 = tpu.memref_slice %arg13[%add3A_30, %dma_wait3A] : memref<10240x128xf32, #tpu.memory_space<vmem_shared>> -> memref<64x128xf32, #tpu.memory_space<vmem_shared>>
      %dma_wait3A_201 = arith.constant 0 : i32
      %dma_wait3A_202 = tpu.memref_slice %arg13[%add3A_30, %dma_wait3A_201] : memref<10240x128xf32, #tpu.memory_space<vmem_shared>> -> memref<64x128xf32, #tpu.memory_space<vmem_shared>>
      tpu.wait_dma2 semaphore(%run_scoped3A : memref<!tpu.dma_semaphore, #tpu.memory_space<semaphore_mem>>) src(%arg10 : memref<64x128xf32, #tpu.memory_space<vmem>>) dst(%dma_wait3A_202 : memref<64x128xf32, #tpu.memory_space<vmem_shared>>)
      tpu.yield
    }) : () -> ()
    %mul3A_31 = arith.constant 640 : i32
    %mul3A_32 = arith.muli %arg1, %mul3A_31 : i32
    %add3A_33 = arith.constant 384 : i32
    %add3A_34 = arith.addi %mul3A_32, %add3A_33 : i32
    "tpu.region"() ({
      %run_scoped3A = tpu.sem_alloc : memref<!tpu.dma_semaphore, #tpu.memory_space<semaphore_mem>>
      %dma_start3A_196 = arith.constant 0 : i32
      %dma_start3A_197 = tpu.memref_slice %arg13[%add3A_34, %dma_start3A_196] : memref<10240x128xf32, #tpu.memory_space<vmem_shared>> -> memref<64x128xf32, #tpu.memory_space<vmem_shared>>
      %dma_start3A_198 = arith.constant 0 : i32
      %dma_start3A_199 = tpu.memref_slice %arg13[%add3A_34, %dma_start3A_198] : memref<10240x128xf32, #tpu.memory_space<vmem_shared>> -> memref<64x128xf32, #tpu.memory_space<vmem_shared>>
      tpu.enqueue_dma source(%arg9 : memref<64x128xf32, #tpu.memory_space<vmem>>) target(%dma_start3A_199 : memref<64x128xf32, #tpu.memory_space<vmem_shared>>) target_semaphore(%run_scoped3A : memref<!tpu.dma_semaphore, #tpu.memory_space<semaphore_mem>>)
      %dma_wait3A = arith.constant 0 : i32
      %dma_wait3A_200 = tpu.memref_slice %arg13[%add3A_34, %dma_wait3A] : memref<10240x128xf32, #tpu.memory_space<vmem_shared>> -> memref<64x128xf32, #tpu.memory_space<vmem_shared>>
      %dma_wait3A_201 = arith.constant 0 : i32
      %dma_wait3A_202 = tpu.memref_slice %arg13[%add3A_34, %dma_wait3A_201] : memref<10240x128xf32, #tpu.memory_space<vmem_shared>> -> memref<64x128xf32, #tpu.memory_space<vmem_shared>>
      tpu.wait_dma2 semaphore(%run_scoped3A : memref<!tpu.dma_semaphore, #tpu.memory_space<semaphore_mem>>) src(%arg9 : memref<64x128xf32, #tpu.memory_space<vmem>>) dst(%dma_wait3A_202 : memref<64x128xf32, #tpu.memory_space<vmem_shared>>)
      tpu.yield
    }) : () -> ()
    %mul3A_35 = arith.constant 640 : i32
    %mul3A_36 = arith.muli %arg1, %mul3A_35 : i32
    %add3A_37 = arith.constant 448 : i32
    %add3A_38 = arith.addi %mul3A_36, %add3A_37 : i32
    "tpu.region"() ({
      %run_scoped3A = tpu.sem_alloc : memref<!tpu.dma_semaphore, #tpu.memory_space<semaphore_mem>>
      %dma_start3A_196 = arith.constant 0 : i32
      %dma_start3A_197 = tpu.memref_slice %arg13[%add3A_38, %dma_start3A_196] : memref<10240x128xf32, #tpu.memory_space<vmem_shared>> -> memref<64x128xf32, #tpu.memory_space<vmem_shared>>
      %dma_start3A_198 = arith.constant 0 : i32
      %dma_start3A_199 = tpu.memref_slice %arg13[%add3A_38, %dma_start3A_198] : memref<10240x128xf32, #tpu.memory_space<vmem_shared>> -> memref<64x128xf32, #tpu.memory_space<vmem_shared>>
      tpu.enqueue_dma source(%arg10 : memref<64x128xf32, #tpu.memory_space<vmem>>) target(%dma_start3A_199 : memref<64x128xf32, #tpu.memory_space<vmem_shared>>) target_semaphore(%run_scoped3A : memref<!tpu.dma_semaphore, #tpu.memory_space<semaphore_mem>>)
      %dma_wait3A = arith.constant 0 : i32
      %dma_wait3A_200 = tpu.memref_slice %arg13[%add3A_38, %dma_wait3A] : memref<10240x128xf32, #tpu.memory_space<vmem_shared>> -> memref<64x128xf32, #tpu.memory_space<vmem_shared>>
      %dma_wait3A_201 = arith.constant 0 : i32
      %dma_wait3A_202 = tpu.memref_slice %arg13[%add3A_38, %dma_wait3A_201] : memref<10240x128xf32, #tpu.memory_space<vmem_shared>> -> memref<64x128xf32, #tpu.memory_space<vmem_shared>>
      tpu.wait_dma2 semaphore(%run_scoped3A : memref<!tpu.dma_semaphore, #tpu.memory_space<semaphore_mem>>) src(%arg10 : memref<64x128xf32, #tpu.memory_space<vmem>>) dst(%dma_wait3A_202 : memref<64x128xf32, #tpu.memory_space<vmem_shared>>)
      tpu.yield
    }) : () -> ()
    %mul3A_39 = arith.constant 640 : i32
    %mul3A_40 = arith.muli %arg1, %mul3A_39 : i32
    %add3A_41 = arith.constant 512 : i32
    %add3A_42 = arith.addi %mul3A_40, %add3A_41 : i32
    "tpu.region"() ({
      %run_scoped3A = tpu.sem_alloc : memref<!tpu.dma_semaphore, #tpu.memory_space<semaphore_mem>>
      %dma_start3A_196 = arith.constant 0 : i32
      %dma_start3A_197 = tpu.memref_slice %arg13[%add3A_42, %dma_start3A_196] : memref<10240x128xf32, #tpu.memory_space<vmem_shared>> -> memref<64x128xf32, #tpu.memory_space<vmem_shared>>
      %dma_start3A_198 = arith.constant 0 : i32
      %dma_start3A_199 = tpu.memref_slice %arg13[%add3A_42, %dma_start3A_198] : memref<10240x128xf32, #tpu.memory_space<vmem_shared>> -> memref<64x128xf32, #tpu.memory_space<vmem_shared>>
      tpu.enqueue_dma source(%arg9 : memref<64x128xf32, #tpu.memory_space<vmem>>) target(%dma_start3A_199 : memref<64x128xf32, #tpu.memory_space<vmem_shared>>) target_semaphore(%run_scoped3A : memref<!tpu.dma_semaphore, #tpu.memory_space<semaphore_mem>>)
      %dma_wait3A = arith.constant 0 : i32
      %dma_wait3A_200 = tpu.memref_slice %arg13[%add3A_42, %dma_wait3A] : memref<10240x128xf32, #tpu.memory_space<vmem_shared>> -> memref<64x128xf32, #tpu.memory_space<vmem_shared>>
      %dma_wait3A_201 = arith.constant 0 : i32
      %dma_wait3A_202 = tpu.memref_slice %arg13[%add3A_42, %dma_wait3A_201] : memref<10240x128xf32, #tpu.memory_space<vmem_shared>> -> memref<64x128xf32, #tpu.memory_space<vmem_shared>>
      tpu.wait_dma2 semaphore(%run_scoped3A : memref<!tpu.dma_semaphore, #tpu.memory_space<semaphore_mem>>) src(%arg9 : memref<64x128xf32, #tpu.memory_space<vmem>>) dst(%dma_wait3A_202 : memref<64x128xf32, #tpu.memory_space<vmem_shared>>)
      tpu.yield
    }) : () -> ()
    %mul3A_43 = arith.constant 640 : i32
    %mul3A_44 = arith.muli %arg1, %mul3A_43 : i32
    %add3A_45 = arith.constant 576 : i32
    %add3A_46 = arith.addi %mul3A_44, %add3A_45 : i32
    "tpu.region"() ({
      %run_scoped3A = tpu.sem_alloc : memref<!tpu.dma_semaphore, #tpu.memory_space<semaphore_mem>>
      %dma_start3A_196 = arith.constant 0 : i32
      %dma_start3A_197 = tpu.memref_slice %arg13[%add3A_46, %dma_start3A_196] : memref<10240x128xf32, #tpu.memory_space<vmem_shared>> -> memref<64x128xf32, #tpu.memory_space<vmem_shared>>
      %dma_start3A_198 = arith.constant 0 : i32
      %dma_start3A_199 = tpu.memref_slice %arg13[%add3A_46, %dma_start3A_198] : memref<10240x128xf32, #tpu.memory_space<vmem_shared>> -> memref<64x128xf32, #tpu.memory_space<vmem_shared>>
      tpu.enqueue_dma source(%arg10 : memref<64x128xf32, #tpu.memory_space<vmem>>) target(%dma_start3A_199 : memref<64x128xf32, #tpu.memory_space<vmem_shared>>) target_semaphore(%run_scoped3A : memref<!tpu.dma_semaphore, #tpu.memory_space<semaphore_mem>>)
      %dma_wait3A = arith.constant 0 : i32
      %dma_wait3A_200 = tpu.memref_slice %arg13[%add3A_46, %dma_wait3A] : memref<10240x128xf32, #tpu.memory_space<vmem_shared>> -> memref<64x128xf32, #tpu.memory_space<vmem_shared>>
      %dma_wait3A_201 = arith.constant 0 : i32
      %dma_wait3A_202 = tpu.memref_slice %arg13[%add3A_46, %dma_wait3A_201] : memref<10240x128xf32, #tpu.memory_space<vmem_shared>> -> memref<64x128xf32, #tpu.memory_space<vmem_shared>>
      tpu.wait_dma2 semaphore(%run_scoped3A : memref<!tpu.dma_semaphore, #tpu.memory_space<semaphore_mem>>) src(%arg10 : memref<64x128xf32, #tpu.memory_space<vmem>>) dst(%dma_wait3A_202 : memref<64x128xf32, #tpu.memory_space<vmem_shared>>)
      tpu.yield
    }) : () -> ()
    %barrier3A = arith.constant 0 : index
    tpu.barrier barrier_id(%barrier3A)
    "tpu.region"() ({
      %run_scoped3A = tpu.sem_alloc : memref<!tpu.dma_semaphore, #tpu.memory_space<semaphore_mem>>
      %dma_start3A_196 = arith.constant 0 : i32
      %dma_start3A_197 = arith.constant 0 : i32
      %dma_start3A_198 = tpu.memref_slice %arg3[%add3A, %dma_start3A_196, %dma_start3A_197] : memref<32x160x64xi32, #tpu.memory_space<hbm>> -> memref<1x40x64xi32, #tpu.memory_space<hbm>>
      %dma_start3A_199 = tpu.memref_squeeze %dma_start3A_198 : memref<1x40x64xi32, #tpu.memory_space<hbm>> -> memref<40x64xi32, #tpu.memory_space<hbm>>
      %dma_start3A_200 = arith.constant 0 : i32
      %dma_start3A_201 = arith.constant 0 : i32
      %dma_start3A_202 = tpu.memref_slice %arg3[%add3A, %dma_start3A_200, %dma_start3A_201] : memref<32x160x64xi32, #tpu.memory_space<hbm>> -> memref<1x40x64xi32, #tpu.memory_space<hbm>>
      %dma_start3A_203 = tpu.memref_squeeze %dma_start3A_202 : memref<1x40x64xi32, #tpu.memory_space<hbm>> -> memref<40x64xi32, #tpu.memory_space<hbm>>
      tpu.enqueue_dma source(%dma_start3A_203 : memref<40x64xi32, #tpu.memory_space<hbm>>) target(%arg7 : memref<40x64xi32, #tpu.memory_space<vmem>>) target_semaphore(%run_scoped3A : memref<!tpu.dma_semaphore, #tpu.memory_space<semaphore_mem>>)
      %dma_wait3A = arith.constant 0 : i32
      %dma_wait3A_204 = arith.constant 0 : i32
      %dma_wait3A_205 = tpu.memref_slice %arg3[%add3A, %dma_wait3A, %dma_wait3A_204] : memref<32x160x64xi32, #tpu.memory_space<hbm>> -> memref<1x40x64xi32, #tpu.memory_space<hbm>>
      %dma_wait3A_206 = tpu.memref_squeeze %dma_wait3A_205 : memref<1x40x64xi32, #tpu.memory_space<hbm>> -> memref<40x64xi32, #tpu.memory_space<hbm>>
      %dma_wait3A_207 = arith.constant 0 : i32
      %dma_wait3A_208 = arith.constant 0 : i32
      %dma_wait3A_209 = tpu.memref_slice %arg3[%add3A, %dma_wait3A_207, %dma_wait3A_208] : memref<32x160x64xi32, #tpu.memory_space<hbm>> -> memref<1x40x64xi32, #tpu.memory_space<hbm>>
      %dma_wait3A_210 = tpu.memref_squeeze %dma_wait3A_209 : memref<1x40x64xi32, #tpu.memory_space<hbm>> -> memref<40x64xi32, #tpu.memory_space<hbm>>
      tpu.wait_dma2 semaphore(%run_scoped3A : memref<!tpu.dma_semaphore, #tpu.memory_space<semaphore_mem>>) src(%dma_wait3A_210 : memref<40x64xi32, #tpu.memory_space<hbm>>) dst(%arg7 : memref<40x64xi32, #tpu.memory_space<vmem>>)
      tpu.yield
    }) : () -> ()
    "tpu.region"() ({
      %run_scoped3A = tpu.sem_alloc : memref<!tpu.dma_semaphore, #tpu.memory_space<semaphore_mem>>
      %dma_start3A_196 = arith.constant 0 : i32
      %dma_start3A_197 = arith.constant 0 : i32
      %dma_start3A_198 = tpu.memref_slice %arg4[%add3A, %dma_start3A_196, %dma_start3A_197] : memref<32x160x64xi32, #tpu.memory_space<hbm>> -> memref<1x40x64xi32, #tpu.memory_space<hbm>>
      %dma_start3A_199 = tpu.memref_squeeze %dma_start3A_198 : memref<1x40x64xi32, #tpu.memory_space<hbm>> -> memref<40x64xi32, #tpu.memory_space<hbm>>
      %dma_start3A_200 = arith.constant 0 : i32
      %dma_start3A_201 = arith.constant 0 : i32
      %dma_start3A_202 = tpu.memref_slice %arg4[%add3A, %dma_start3A_200, %dma_start3A_201] : memref<32x160x64xi32, #tpu.memory_space<hbm>> -> memref<1x40x64xi32, #tpu.memory_space<hbm>>
      %dma_start3A_203 = tpu.memref_squeeze %dma_start3A_202 : memref<1x40x64xi32, #tpu.memory_space<hbm>> -> memref<40x64xi32, #tpu.memory_space<hbm>>
      tpu.enqueue_dma source(%dma_start3A_203 : memref<40x64xi32, #tpu.memory_space<hbm>>) target(%arg8 : memref<40x64xi32, #tpu.memory_space<vmem>>) target_semaphore(%run_scoped3A : memref<!tpu.dma_semaphore, #tpu.memory_space<semaphore_mem>>)
      %dma_wait3A = arith.constant 0 : i32
      %dma_wait3A_204 = arith.constant 0 : i32
      %dma_wait3A_205 = tpu.memref_slice %arg4[%add3A, %dma_wait3A, %dma_wait3A_204] : memref<32x160x64xi32, #tpu.memory_space<hbm>> -> memref<1x40x64xi32, #tpu.memory_space<hbm>>
      %dma_wait3A_206 = tpu.memref_squeeze %dma_wait3A_205 : memref<1x40x64xi32, #tpu.memory_space<hbm>> -> memref<40x64xi32, #tpu.memory_space<hbm>>
      %dma_wait3A_207 = arith.constant 0 : i32
      %dma_wait3A_208 = arith.constant 0 : i32
      %dma_wait3A_209 = tpu.memref_slice %arg4[%add3A, %dma_wait3A_207, %dma_wait3A_208] : memref<32x160x64xi32, #tpu.memory_space<hbm>> -> memref<1x40x64xi32, #tpu.memory_space<hbm>>
      %dma_wait3A_210 = tpu.memref_squeeze %dma_wait3A_209 : memref<1x40x64xi32, #tpu.memory_space<hbm>> -> memref<40x64xi32, #tpu.memory_space<hbm>>
      tpu.wait_dma2 semaphore(%run_scoped3A : memref<!tpu.dma_semaphore, #tpu.memory_space<semaphore_mem>>) src(%dma_wait3A_210 : memref<40x64xi32, #tpu.memory_space<hbm>>) dst(%arg8 : memref<40x64xi32, #tpu.memory_space<vmem>>)
      tpu.yield
    }) : () -> ()
    %dma_start3A = arith.constant 0 : i32
    %dma_start3A_47 = arith.constant 0 : i32
    %dma_start3A_48 = tpu.memref_slice %arg7[%dma_start3A, %dma_start3A_47] : memref<40x64xi32, #tpu.memory_space<vmem>> -> memref<1x64xi32, #tpu.memory_space<vmem>>
    %dma_start3A_49 = tpu.memref_squeeze %dma_start3A_48 : memref<1x64xi32, #tpu.memory_space<vmem>> -> memref<64xi32, #tpu.memory_space<vmem>>
    %dma_start3A_50 = arith.constant 0 : i32
    %dma_start3A_51 = arith.constant 0 : i32
    %dma_start3A_52 = tpu.memref_slice %arg2[%dma_start3A_50, %dma_start3A_51] : memref<10000x128xf32, #tpu.memory_space<hbm>> -> memref<10000x128xf32, #tpu.memory_space<hbm>>
    tpu.enqueue_indirect_dma source(%dma_start3A_52 : memref<10000x128xf32, #tpu.memory_space<hbm>>) target(%arg9 : memref<64x128xf32, #tpu.memory_space<vmem>>) offsets(%dma_start3A_49 : memref<64xi32, #tpu.memory_space<vmem>>) semaphore(%arg14 : memref<!tpu.dma_semaphore, #tpu.memory_space<semaphore_mem>>)
    %dma_start3A_53 = arith.constant 1 : i32
    %dma_start3A_54 = arith.constant 0 : i32
    %dma_start3A_55 = tpu.memref_slice %arg7[%dma_start3A_53, %dma_start3A_54] : memref<40x64xi32, #tpu.memory_space<vmem>> -> memref<1x64xi32, #tpu.memory_space<vmem>>
    %dma_start3A_56 = tpu.memref_squeeze %dma_start3A_55 : memref<1x64xi32, #tpu.memory_space<vmem>> -> memref<64xi32, #tpu.memory_space<vmem>>
    %dma_start3A_57 = arith.constant 0 : i32
    %dma_start3A_58 = arith.constant 0 : i32
    %dma_start3A_59 = tpu.memref_slice %arg2[%dma_start3A_57, %dma_start3A_58] : memref<10000x128xf32, #tpu.memory_space<hbm>> -> memref<10000x128xf32, #tpu.memory_space<hbm>>
    tpu.enqueue_indirect_dma source(%dma_start3A_59 : memref<10000x128xf32, #tpu.memory_space<hbm>>) target(%arg10 : memref<64x128xf32, #tpu.memory_space<vmem>>) offsets(%dma_start3A_56 : memref<64xi32, #tpu.memory_space<vmem>>) semaphore(%arg15 : memref<!tpu.dma_semaphore, #tpu.memory_space<semaphore_mem>>)
    %dma_start3A_60 = arith.constant 2 : i32
    %dma_start3A_61 = arith.constant 0 : i32
    %dma_start3A_62 = tpu.memref_slice %arg7[%dma_start3A_60, %dma_start3A_61] : memref<40x64xi32, #tpu.memory_space<vmem>> -> memref<1x64xi32, #tpu.memory_space<vmem>>
    %dma_start3A_63 = tpu.memref_squeeze %dma_start3A_62 : memref<1x64xi32, #tpu.memory_space<vmem>> -> memref<64xi32, #tpu.memory_space<vmem>>
    %dma_start3A_64 = arith.constant 0 : i32
    %dma_start3A_65 = arith.constant 0 : i32
    %dma_start3A_66 = tpu.memref_slice %arg2[%dma_start3A_64, %dma_start3A_65] : memref<10000x128xf32, #tpu.memory_space<hbm>> -> memref<10000x128xf32, #tpu.memory_space<hbm>>
    tpu.enqueue_indirect_dma source(%dma_start3A_66 : memref<10000x128xf32, #tpu.memory_space<hbm>>) target(%arg11 : memref<64x128xf32, #tpu.memory_space<vmem>>) offsets(%dma_start3A_63 : memref<64xi32, #tpu.memory_space<vmem>>) semaphore(%arg16 : memref<!tpu.dma_semaphore, #tpu.memory_space<semaphore_mem>>)
    %dma_start3A_67 = arith.constant 3 : i32
    %dma_start3A_68 = arith.constant 0 : i32
    %dma_start3A_69 = tpu.memref_slice %arg7[%dma_start3A_67, %dma_start3A_68] : memref<40x64xi32, #tpu.memory_space<vmem>> -> memref<1x64xi32, #tpu.memory_space<vmem>>
    %dma_start3A_70 = tpu.memref_squeeze %dma_start3A_69 : memref<1x64xi32, #tpu.memory_space<vmem>> -> memref<64xi32, #tpu.memory_space<vmem>>
    %dma_start3A_71 = arith.constant 0 : i32
    %dma_start3A_72 = arith.constant 0 : i32
    %dma_start3A_73 = tpu.memref_slice %arg2[%dma_start3A_71, %dma_start3A_72] : memref<10000x128xf32, #tpu.memory_space<hbm>> -> memref<10000x128xf32, #tpu.memory_space<hbm>>
    tpu.enqueue_indirect_dma source(%dma_start3A_73 : memref<10000x128xf32, #tpu.memory_space<hbm>>) target(%arg12 : memref<64x128xf32, #tpu.memory_space<vmem>>) offsets(%dma_start3A_70 : memref<64xi32, #tpu.memory_space<vmem>>) semaphore(%arg17 : memref<!tpu.dma_semaphore, #tpu.memory_space<semaphore_mem>>)
    %scan3A_74 = arith.constant 0 : i32
    %scan3A_75 = arith.constant 0 : i32
    %scan3A_76 = arith.constant 10 : i32
    %scan3A_77 = arith.addi %scan3A_75, %scan3A_76 : i32
    %scan3A_78 = arith.constant 1 : i32
    %scan3A_79 = scf.for %scan3A_196 = %scan3A_75 to %scan3A_77 step %scan3A_78 iter_args(%scan3A_197 = %scan3A_74) -> (i32)  : i32 {
      %mul3A_198 = arith.constant 4 : i32
      %mul3A_199 = arith.muli %scan3A_196, %mul3A_198 : i32
      %add3A_200 = arith.constant 0 : i32
      %add3A_201 = arith.addi %mul3A_199, %add3A_200 : i32
      %dma_wait3A = arith.constant 0 : i32
      %dma_wait3A_202 = tpu.memref_slice %arg7[%add3A_201, %dma_wait3A] : memref<40x64xi32, #tpu.memory_space<vmem>> -> memref<1x64xi32, #tpu.memory_space<vmem>>
      %dma_wait3A_203 = tpu.memref_squeeze %dma_wait3A_202 : memref<1x64xi32, #tpu.memory_space<vmem>> -> memref<64xi32, #tpu.memory_space<vmem>>
      %dma_wait3A_204 = arith.constant 0 : i32
      %dma_wait3A_205 = arith.constant 0 : i32
      %dma_wait3A_206 = tpu.memref_slice %arg2[%dma_wait3A_204, %dma_wait3A_205] : memref<10000x128xf32, #tpu.memory_space<hbm>> -> memref<10000x128xf32, #tpu.memory_space<hbm>>
      tpu.wait_indirect_dma semaphore(%arg14 : memref<!tpu.dma_semaphore, #tpu.memory_space<semaphore_mem>>) src(%dma_wait3A_206 : memref<10000x128xf32, #tpu.memory_space<hbm>>) dst(%arg9 : memref<64x128xf32, #tpu.memory_space<vmem>>)
      "tpu.region"() ({
        %run_scoped3A = tpu.sem_alloc : memref<!tpu.dma_semaphore, #tpu.memory_space<semaphore_mem>>
        %dma_start3A_265 = arith.constant 0 : i32
        %dma_start3A_266 = tpu.memref_slice %arg8[%add3A_201, %dma_start3A_265] : memref<40x64xi32, #tpu.memory_space<vmem>> -> memref<1x64xi32, #tpu.memory_space<vmem>>
        %dma_start3A_267 = tpu.memref_squeeze %dma_start3A_266 : memref<1x64xi32, #tpu.memory_space<vmem>> -> memref<64xi32, #tpu.memory_space<vmem>>
        %dma_start3A_268 = arith.constant 0 : i32
        %dma_start3A_269 = arith.constant 0 : i32
        %dma_start3A_270 = tpu.memref_slice %arg13[%dma_start3A_268, %dma_start3A_269] : memref<10240x128xf32, #tpu.memory_space<vmem_shared>> -> memref<10240x128xf32, #tpu.memory_space<vmem_shared>>
        tpu.enqueue_indirect_dma source(%arg9 : memref<64x128xf32, #tpu.memory_space<vmem>>) target(%dma_start3A_270 : memref<10240x128xf32, #tpu.memory_space<vmem_shared>>) offsets(%dma_start3A_267 : memref<64xi32, #tpu.memory_space<vmem>>) semaphore(%run_scoped3A : memref<!tpu.dma_semaphore, #tpu.memory_space<semaphore_mem>>) {add = true}
        %dma_wait3A_271 = arith.constant 0 : i32
        %dma_wait3A_272 = tpu.memref_slice %arg8[%add3A_201, %dma_wait3A_271] : memref<40x64xi32, #tpu.memory_space<vmem>> -> memref<1x64xi32, #tpu.memory_space<vmem>>
        %dma_wait3A_273 = tpu.memref_squeeze %dma_wait3A_272 : memref<1x64xi32, #tpu.memory_space<vmem>> -> memref<64xi32, #tpu.memory_space<vmem>>
        %dma_wait3A_274 = arith.constant 0 : i32
        %dma_wait3A_275 = arith.constant 0 : i32
        %dma_wait3A_276 = tpu.memref_slice %arg13[%dma_wait3A_274, %dma_wait3A_275] : memref<10240x128xf32, #tpu.memory_space<vmem_shared>> -> memref<10240x128xf32, #tpu.memory_space<vmem_shared>>
        tpu.wait_indirect_dma semaphore(%run_scoped3A : memref<!tpu.dma_semaphore, #tpu.memory_space<semaphore_mem>>) src(%arg9 : memref<64x128xf32, #tpu.memory_space<vmem>>) dst(%dma_wait3A_276 : memref<10240x128xf32, #tpu.memory_space<vmem_shared>>)
        tpu.yield
      }) : () -> ()
      %add3A_207 = arith.constant 4 : i32
      %add3A_208 = arith.addi %add3A_201, %add3A_207 : i32
      %lt3A = arith.constant 40 : i32
      %lt3A_209 = arith.cmpi slt, %add3A_208, %lt3A : i32
      %convert_element_type3A_210 = arith.extui %lt3A_209 : i1 to i32
      %cond3A_211 = arith.constant 0 : i32
      %cond3A_212 = arith.cmpi ne, %convert_element_type3A_210, %cond3A_211 : i32
      scf.if %cond3A_212 {
        %add3A_265 = arith.constant 4 : i32
        %add3A_266 = arith.addi %add3A_201, %add3A_265 : i32
        %dma_start3A_267 = arith.constant 0 : i32
        %dma_start3A_268 = tpu.memref_slice %arg7[%add3A_266, %dma_start3A_267] : memref<40x64xi32, #tpu.memory_space<vmem>> -> memref<1x64xi32, #tpu.memory_space<vmem>>
        %dma_start3A_269 = tpu.memref_squeeze %dma_start3A_268 : memref<1x64xi32, #tpu.memory_space<vmem>> -> memref<64xi32, #tpu.memory_space<vmem>>
        %dma_start3A_270 = arith.constant 0 : i32
        %dma_start3A_271 = arith.constant 0 : i32
        %dma_start3A_272 = tpu.memref_slice %arg2[%dma_start3A_270, %dma_start3A_271] : memref<10000x128xf32, #tpu.memory_space<hbm>> -> memref<10000x128xf32, #tpu.memory_space<hbm>>
        tpu.enqueue_indirect_dma source(%dma_start3A_272 : memref<10000x128xf32, #tpu.memory_space<hbm>>) target(%arg9 : memref<64x128xf32, #tpu.memory_space<vmem>>) offsets(%dma_start3A_269 : memref<64xi32, #tpu.memory_space<vmem>>) semaphore(%arg14 : memref<!tpu.dma_semaphore, #tpu.memory_space<semaphore_mem>>)
      } else {
      }
      %mul3A_213 = arith.constant 4 : i32
      %mul3A_214 = arith.muli %scan3A_196, %mul3A_213 : i32
      %add3A_215 = arith.constant 1 : i32
      %add3A_216 = arith.addi %mul3A_214, %add3A_215 : i32
      %dma_wait3A_217 = arith.constant 0 : i32
      %dma_wait3A_218 = tpu.memref_slice %arg7[%add3A_216, %dma_wait3A_217] : memref<40x64xi32, #tpu.memory_space<vmem>> -> memref<1x64xi32, #tpu.memory_space<vmem>>
      %dma_wait3A_219 = tpu.memref_squeeze %dma_wait3A_218 : memref<1x64xi32, #tpu.memory_space<vmem>> -> memref<64xi32, #tpu.memory_space<vmem>>
      %dma_wait3A_220 = arith.constant 0 : i32
      %dma_wait3A_221 = arith.constant 0 : i32
      %dma_wait3A_222 = tpu.memref_slice %arg2[%dma_wait3A_220, %dma_wait3A_221] : memref<10000x128xf32, #tpu.memory_space<hbm>> -> memref<10000x128xf32, #tpu.memory_space<hbm>>
      tpu.wait_indirect_dma semaphore(%arg15 : memref<!tpu.dma_semaphore, #tpu.memory_space<semaphore_mem>>) src(%dma_wait3A_222 : memref<10000x128xf32, #tpu.memory_space<hbm>>) dst(%arg10 : memref<64x128xf32, #tpu.memory_space<vmem>>)
      "tpu.region"() ({
        %run_scoped3A = tpu.sem_alloc : memref<!tpu.dma_semaphore, #tpu.memory_space<semaphore_mem>>
        %dma_start3A_265 = arith.constant 0 : i32
        %dma_start3A_266 = tpu.memref_slice %arg8[%add3A_216, %dma_start3A_265] : memref<40x64xi32, #tpu.memory_space<vmem>> -> memref<1x64xi32, #tpu.memory_space<vmem>>
        %dma_start3A_267 = tpu.memref_squeeze %dma_start3A_266 : memref<1x64xi32, #tpu.memory_space<vmem>> -> memref<64xi32, #tpu.memory_space<vmem>>
        %dma_start3A_268 = arith.constant 0 : i32
        %dma_start3A_269 = arith.constant 0 : i32
        %dma_start3A_270 = tpu.memref_slice %arg13[%dma_start3A_268, %dma_start3A_269] : memref<10240x128xf32, #tpu.memory_space<vmem_shared>> -> memref<10240x128xf32, #tpu.memory_space<vmem_shared>>
        tpu.enqueue_indirect_dma source(%arg10 : memref<64x128xf32, #tpu.memory_space<vmem>>) target(%dma_start3A_270 : memref<10240x128xf32, #tpu.memory_space<vmem_shared>>) offsets(%dma_start3A_267 : memref<64xi32, #tpu.memory_space<vmem>>) semaphore(%run_scoped3A : memref<!tpu.dma_semaphore, #tpu.memory_space<semaphore_mem>>) {add = true}
        %dma_wait3A_271 = arith.constant 0 : i32
        %dma_wait3A_272 = tpu.memref_slice %arg8[%add3A_216, %dma_wait3A_271] : memref<40x64xi32, #tpu.memory_space<vmem>> -> memref<1x64xi32, #tpu.memory_space<vmem>>
        %dma_wait3A_273 = tpu.memref_squeeze %dma_wait3A_272 : memref<1x64xi32, #tpu.memory_space<vmem>> -> memref<64xi32, #tpu.memory_space<vmem>>
        %dma_wait3A_274 = arith.constant 0 : i32
        %dma_wait3A_275 = arith.constant 0 : i32
        %dma_wait3A_276 = tpu.memref_slice %arg13[%dma_wait3A_274, %dma_wait3A_275] : memref<10240x128xf32, #tpu.memory_space<vmem_shared>> -> memref<10240x128xf32, #tpu.memory_space<vmem_shared>>
        tpu.wait_indirect_dma semaphore(%run_scoped3A : memref<!tpu.dma_semaphore, #tpu.memory_space<semaphore_mem>>) src(%arg10 : memref<64x128xf32, #tpu.memory_space<vmem>>) dst(%dma_wait3A_276 : memref<10240x128xf32, #tpu.memory_space<vmem_shared>>)
        tpu.yield
      }) : () -> ()
      %add3A_223 = arith.constant 4 : i32
      %add3A_224 = arith.addi %add3A_216, %add3A_223 : i32
      %lt3A_225 = arith.constant 40 : i32
      %lt3A_226 = arith.cmpi slt, %add3A_224, %lt3A_225 : i32
      %convert_element_type3A_227 = arith.extui %lt3A_226 : i1 to i32
      %cond3A_228 = arith.constant 0 : i32
      %cond3A_229 = arith.cmpi ne, %convert_element_type3A_227, %cond3A_228 : i32
      scf.if %cond3A_229 {
        %add3A_265 = arith.constant 4 : i32
        %add3A_266 = arith.addi %add3A_216, %add3A_265 : i32
        %dma_start3A_267 = arith.constant 0 : i32
        %dma_start3A_268 = tpu.memref_slice %arg7[%add3A_266, %dma_start3A_267] : memref<40x64xi32, #tpu.memory_space<vmem>> -> memref<1x64xi32, #tpu.memory_space<vmem>>
        %dma_start3A_269 = tpu.memref_squeeze %dma_start3A_268 : memref<1x64xi32, #tpu.memory_space<vmem>> -> memref<64xi32, #tpu.memory_space<vmem>>
        %dma_start3A_270 = arith.constant 0 : i32
        %dma_start3A_271 = arith.constant 0 : i32
        %dma_start3A_272 = tpu.memref_slice %arg2[%dma_start3A_270, %dma_start3A_271] : memref<10000x128xf32, #tpu.memory_space<hbm>> -> memref<10000x128xf32, #tpu.memory_space<hbm>>
        tpu.enqueue_indirect_dma source(%dma_start3A_272 : memref<10000x128xf32, #tpu.memory_space<hbm>>) target(%arg10 : memref<64x128xf32, #tpu.memory_space<vmem>>) offsets(%dma_start3A_269 : memref<64xi32, #tpu.memory_space<vmem>>) semaphore(%arg15 : memref<!tpu.dma_semaphore, #tpu.memory_space<semaphore_mem>>)
      } else {
      }
      %mul3A_230 = arith.constant 4 : i32
      %mul3A_231 = arith.muli %scan3A_196, %mul3A_230 : i32
      %add3A_232 = arith.constant 2 : i32
      %add3A_233 = arith.addi %mul3A_231, %add3A_232 : i32
      %dma_wait3A_234 = arith.constant 0 : i32
      %dma_wait3A_235 = tpu.memref_slice %arg7[%add3A_233, %dma_wait3A_234] : memref<40x64xi32, #tpu.memory_space<vmem>> -> memref<1x64xi32, #tpu.memory_space<vmem>>
      %dma_wait3A_236 = tpu.memref_squeeze %dma_wait3A_235 : memref<1x64xi32, #tpu.memory_space<vmem>> -> memref<64xi32, #tpu.memory_space<vmem>>
      %dma_wait3A_237 = arith.constant 0 : i32
      %dma_wait3A_238 = arith.constant 0 : i32
      %dma_wait3A_239 = tpu.memref_slice %arg2[%dma_wait3A_237, %dma_wait3A_238] : memref<10000x128xf32, #tpu.memory_space<hbm>> -> memref<10000x128xf32, #tpu.memory_space<hbm>>
      tpu.wait_indirect_dma semaphore(%arg16 : memref<!tpu.dma_semaphore, #tpu.memory_space<semaphore_mem>>) src(%dma_wait3A_239 : memref<10000x128xf32, #tpu.memory_space<hbm>>) dst(%arg11 : memref<64x128xf32, #tpu.memory_space<vmem>>)
      "tpu.region"() ({
        %run_scoped3A = tpu.sem_alloc : memref<!tpu.dma_semaphore, #tpu.memory_space<semaphore_mem>>
        %dma_start3A_265 = arith.constant 0 : i32
        %dma_start3A_266 = tpu.memref_slice %arg8[%add3A_233, %dma_start3A_265] : memref<40x64xi32, #tpu.memory_space<vmem>> -> memref<1x64xi32, #tpu.memory_space<vmem>>
        %dma_start3A_267 = tpu.memref_squeeze %dma_start3A_266 : memref<1x64xi32, #tpu.memory_space<vmem>> -> memref<64xi32, #tpu.memory_space<vmem>>
        %dma_start3A_268 = arith.constant 0 : i32
        %dma_start3A_269 = arith.constant 0 : i32
        %dma_start3A_270 = tpu.memref_slice %arg13[%dma_start3A_268, %dma_start3A_269] : memref<10240x128xf32, #tpu.memory_space<vmem_shared>> -> memref<10240x128xf32, #tpu.memory_space<vmem_shared>>
        tpu.enqueue_indirect_dma source(%arg11 : memref<64x128xf32, #tpu.memory_space<vmem>>) target(%dma_start3A_270 : memref<10240x128xf32, #tpu.memory_space<vmem_shared>>) offsets(%dma_start3A_267 : memref<64xi32, #tpu.memory_space<vmem>>) semaphore(%run_scoped3A : memref<!tpu.dma_semaphore, #tpu.memory_space<semaphore_mem>>) {add = true}
        %dma_wait3A_271 = arith.constant 0 : i32
        %dma_wait3A_272 = tpu.memref_slice %arg8[%add3A_233, %dma_wait3A_271] : memref<40x64xi32, #tpu.memory_space<vmem>> -> memref<1x64xi32, #tpu.memory_space<vmem>>
        %dma_wait3A_273 = tpu.memref_squeeze %dma_wait3A_272 : memref<1x64xi32, #tpu.memory_space<vmem>> -> memref<64xi32, #tpu.memory_space<vmem>>
        %dma_wait3A_274 = arith.constant 0 : i32
        %dma_wait3A_275 = arith.constant 0 : i32
        %dma_wait3A_276 = tpu.memref_slice %arg13[%dma_wait3A_274, %dma_wait3A_275] : memref<10240x128xf32, #tpu.memory_space<vmem_shared>> -> memref<10240x128xf32, #tpu.memory_space<vmem_shared>>
        tpu.wait_indirect_dma semaphore(%run_scoped3A : memref<!tpu.dma_semaphore, #tpu.memory_space<semaphore_mem>>) src(%arg11 : memref<64x128xf32, #tpu.memory_space<vmem>>) dst(%dma_wait3A_276 : memref<10240x128xf32, #tpu.memory_space<vmem_shared>>)
        tpu.yield
      }) : () -> ()
      %add3A_240 = arith.constant 4 : i32
      %add3A_241 = arith.addi %add3A_233, %add3A_240 : i32
      %lt3A_242 = arith.constant 40 : i32
      %lt3A_243 = arith.cmpi slt, %add3A_241, %lt3A_242 : i32
      %convert_element_type3A_244 = arith.extui %lt3A_243 : i1 to i32
      %cond3A_245 = arith.constant 0 : i32
      %cond3A_246 = arith.cmpi ne, %convert_element_type3A_244, %cond3A_245 : i32
      scf.if %cond3A_246 {
        %add3A_265 = arith.constant 4 : i32
        %add3A_266 = arith.addi %add3A_233, %add3A_265 : i32
        %dma_start3A_267 = arith.constant 0 : i32
        %dma_start3A_268 = tpu.memref_slice %arg7[%add3A_266, %dma_start3A_267] : memref<40x64xi32, #tpu.memory_space<vmem>> -> memref<1x64xi32, #tpu.memory_space<vmem>>
        %dma_start3A_269 = tpu.memref_squeeze %dma_start3A_268 : memref<1x64xi32, #tpu.memory_space<vmem>> -> memref<64xi32, #tpu.memory_space<vmem>>
        %dma_start3A_270 = arith.constant 0 : i32
        %dma_start3A_271 = arith.constant 0 : i32
        %dma_start3A_272 = tpu.memref_slice %arg2[%dma_start3A_270, %dma_start3A_271] : memref<10000x128xf32, #tpu.memory_space<hbm>> -> memref<10000x128xf32, #tpu.memory_space<hbm>>
        tpu.enqueue_indirect_dma source(%dma_start3A_272 : memref<10000x128xf32, #tpu.memory_space<hbm>>) target(%arg11 : memref<64x128xf32, #tpu.memory_space<vmem>>) offsets(%dma_start3A_269 : memref<64xi32, #tpu.memory_space<vmem>>) semaphore(%arg16 : memref<!tpu.dma_semaphore, #tpu.memory_space<semaphore_mem>>)
      } else {
      }
      %mul3A_247 = arith.constant 4 : i32
      %mul3A_248 = arith.muli %scan3A_196, %mul3A_247 : i32
      %add3A_249 = arith.constant 3 : i32
      %add3A_250 = arith.addi %mul3A_248, %add3A_249 : i32
      %dma_wait3A_251 = arith.constant 0 : i32
      %dma_wait3A_252 = tpu.memref_slice %arg7[%add3A_250, %dma_wait3A_251] : memref<40x64xi32, #tpu.memory_space<vmem>> -> memref<1x64xi32, #tpu.memory_space<vmem>>
      %dma_wait3A_253 = tpu.memref_squeeze %dma_wait3A_252 : memref<1x64xi32, #tpu.memory_space<vmem>> -> memref<64xi32, #tpu.memory_space<vmem>>
      %dma_wait3A_254 = arith.constant 0 : i32
      %dma_wait3A_255 = arith.constant 0 : i32
      %dma_wait3A_256 = tpu.memref_slice %arg2[%dma_wait3A_254, %dma_wait3A_255] : memref<10000x128xf32, #tpu.memory_space<hbm>> -> memref<10000x128xf32, #tpu.memory_space<hbm>>
      tpu.wait_indirect_dma semaphore(%arg17 : memref<!tpu.dma_semaphore, #tpu.memory_space<semaphore_mem>>) src(%dma_wait3A_256 : memref<10000x128xf32, #tpu.memory_space<hbm>>) dst(%arg12 : memref<64x128xf32, #tpu.memory_space<vmem>>)
      "tpu.region"() ({
        %run_scoped3A = tpu.sem_alloc : memref<!tpu.dma_semaphore, #tpu.memory_space<semaphore_mem>>
        %dma_start3A_265 = arith.constant 0 : i32
        %dma_start3A_266 = tpu.memref_slice %arg8[%add3A_250, %dma_start3A_265] : memref<40x64xi32, #tpu.memory_space<vmem>> -> memref<1x64xi32, #tpu.memory_space<vmem>>
        %dma_start3A_267 = tpu.memref_squeeze %dma_start3A_266 : memref<1x64xi32, #tpu.memory_space<vmem>> -> memref<64xi32, #tpu.memory_space<vmem>>
        %dma_start3A_268 = arith.constant 0 : i32
        %dma_start3A_269 = arith.constant 0 : i32
        %dma_start3A_270 = tpu.memref_slice %arg13[%dma_start3A_268, %dma_start3A_269] : memref<10240x128xf32, #tpu.memory_space<vmem_shared>> -> memref<10240x128xf32, #tpu.memory_space<vmem_shared>>
        tpu.enqueue_indirect_dma source(%arg12 : memref<64x128xf32, #tpu.memory_space<vmem>>) target(%dma_start3A_270 : memref<10240x128xf32, #tpu.memory_space<vmem_shared>>) offsets(%dma_start3A_267 : memref<64xi32, #tpu.memory_space<vmem>>) semaphore(%run_scoped3A : memref<!tpu.dma_semaphore, #tpu.memory_space<semaphore_mem>>) {add = true}
        %dma_wait3A_271 = arith.constant 0 : i32
        %dma_wait3A_272 = tpu.memref_slice %arg8[%add3A_250, %dma_wait3A_271] : memref<40x64xi32, #tpu.memory_space<vmem>> -> memref<1x64xi32, #tpu.memory_space<vmem>>
        %dma_wait3A_273 = tpu.memref_squeeze %dma_wait3A_272 : memref<1x64xi32, #tpu.memory_space<vmem>> -> memref<64xi32, #tpu.memory_space<vmem>>
        %dma_wait3A_274 = arith.constant 0 : i32
        %dma_wait3A_275 = arith.constant 0 : i32
        %dma_wait3A_276 = tpu.memref_slice %arg13[%dma_wait3A_274, %dma_wait3A_275] : memref<10240x128xf32, #tpu.memory_space<vmem_shared>> -> memref<10240x128xf32, #tpu.memory_space<vmem_shared>>
        tpu.wait_indirect_dma semaphore(%run_scoped3A : memref<!tpu.dma_semaphore, #tpu.memory_space<semaphore_mem>>) src(%arg12 : memref<64x128xf32, #tpu.memory_space<vmem>>) dst(%dma_wait3A_276 : memref<10240x128xf32, #tpu.memory_space<vmem_shared>>)
        tpu.yield
      }) : () -> ()
      %add3A_257 = arith.constant 4 : i32
      %add3A_258 = arith.addi %add3A_250, %add3A_257 : i32
      %lt3A_259 = arith.constant 40 : i32
      %lt3A_260 = arith.cmpi slt, %add3A_258, %lt3A_259 : i32
      %convert_element_type3A_261 = arith.extui %lt3A_260 : i1 to i32
      %cond3A_262 = arith.constant 0 : i32
      %cond3A_263 = arith.cmpi ne, %convert_element_type3A_261, %cond3A_262 : i32
      scf.if %cond3A_263 {
        %add3A_265 = arith.constant 4 : i32
        %add3A_266 = arith.addi %add3A_250, %add3A_265 : i32
        %dma_start3A_267 = arith.constant 0 : i32
        %dma_start3A_268 = tpu.memref_slice %arg7[%add3A_266, %dma_start3A_267] : memref<40x64xi32, #tpu.memory_space<vmem>> -> memref<1x64xi32, #tpu.memory_space<vmem>>
        %dma_start3A_269 = tpu.memref_squeeze %dma_start3A_268 : memref<1x64xi32, #tpu.memory_space<vmem>> -> memref<64xi32, #tpu.memory_space<vmem>>
        %dma_start3A_270 = arith.constant 0 : i32
        %dma_start3A_271 = arith.constant 0 : i32
        %dma_start3A_272 = tpu.memref_slice %arg2[%dma_start3A_270, %dma_start3A_271] : memref<10000x128xf32, #tpu.memory_space<hbm>> -> memref<10000x128xf32, #tpu.memory_space<hbm>>
        tpu.enqueue_indirect_dma source(%dma_start3A_272 : memref<10000x128xf32, #tpu.memory_space<hbm>>) target(%arg12 : memref<64x128xf32, #tpu.memory_space<vmem>>) offsets(%dma_start3A_269 : memref<64xi32, #tpu.memory_space<vmem>>) semaphore(%arg17 : memref<!tpu.dma_semaphore, #tpu.memory_space<semaphore_mem>>)
      } else {
      }
      %scan3A_264 = arith.constant 0 : i32
      scf.yield %scan3A_264 : i32
    }
    %scan3A_80 = arith.constant 10 : i32
    "tpu.region"() ({
      %run_scoped3A = tpu.sem_alloc : memref<!tpu.dma_semaphore, #tpu.memory_space<semaphore_mem>>
      %dma_start3A_196 = arith.constant 40 : i32
      %dma_start3A_197 = arith.constant 0 : i32
      %dma_start3A_198 = tpu.memref_slice %arg3[%add3A, %dma_start3A_196, %dma_start3A_197] : memref<32x160x64xi32, #tpu.memory_space<hbm>> -> memref<1x40x64xi32, #tpu.memory_space<hbm>>
      %dma_start3A_199 = tpu.memref_squeeze %dma_start3A_198 : memref<1x40x64xi32, #tpu.memory_space<hbm>> -> memref<40x64xi32, #tpu.memory_space<hbm>>
      %dma_start3A_200 = arith.constant 40 : i32
      %dma_start3A_201 = arith.constant 0 : i32
      %dma_start3A_202 = tpu.memref_slice %arg3[%add3A, %dma_start3A_200, %dma_start3A_201] : memref<32x160x64xi32, #tpu.memory_space<hbm>> -> memref<1x40x64xi32, #tpu.memory_space<hbm>>
      %dma_start3A_203 = tpu.memref_squeeze %dma_start3A_202 : memref<1x40x64xi32, #tpu.memory_space<hbm>> -> memref<40x64xi32, #tpu.memory_space<hbm>>
      tpu.enqueue_dma source(%dma_start3A_203 : memref<40x64xi32, #tpu.memory_space<hbm>>) target(%arg7 : memref<40x64xi32, #tpu.memory_space<vmem>>) target_semaphore(%run_scoped3A : memref<!tpu.dma_semaphore, #tpu.memory_space<semaphore_mem>>)
      %dma_wait3A = arith.constant 40 : i32
      %dma_wait3A_204 = arith.constant 0 : i32
      %dma_wait3A_205 = tpu.memref_slice %arg3[%add3A, %dma_wait3A, %dma_wait3A_204] : memref<32x160x64xi32, #tpu.memory_space<hbm>> -> memref<1x40x64xi32, #tpu.memory_space<hbm>>
      %dma_wait3A_206 = tpu.memref_squeeze %dma_wait3A_205 : memref<1x40x64xi32, #tpu.memory_space<hbm>> -> memref<40x64xi32, #tpu.memory_space<hbm>>
      %dma_wait3A_207 = arith.constant 40 : i32
      %dma_wait3A_208 = arith.constant 0 : i32
      %dma_wait3A_209 = tpu.memref_slice %arg3[%add3A, %dma_wait3A_207, %dma_wait3A_208] : memref<32x160x64xi32, #tpu.memory_space<hbm>> -> memref<1x40x64xi32, #tpu.memory_space<hbm>>
      %dma_wait3A_210 = tpu.memref_squeeze %dma_wait3A_209 : memref<1x40x64xi32, #tpu.memory_space<hbm>> -> memref<40x64xi32, #tpu.memory_space<hbm>>
      tpu.wait_dma2 semaphore(%run_scoped3A : memref<!tpu.dma_semaphore, #tpu.memory_space<semaphore_mem>>) src(%dma_wait3A_210 : memref<40x64xi32, #tpu.memory_space<hbm>>) dst(%arg7 : memref<40x64xi32, #tpu.memory_space<vmem>>)
      tpu.yield
    }) : () -> ()
    "tpu.region"() ({
      %run_scoped3A = tpu.sem_alloc : memref<!tpu.dma_semaphore, #tpu.memory_space<semaphore_mem>>
      %dma_start3A_196 = arith.constant 40 : i32
      %dma_start3A_197 = arith.constant 0 : i32
      %dma_start3A_198 = tpu.memref_slice %arg4[%add3A, %dma_start3A_196, %dma_start3A_197] : memref<32x160x64xi32, #tpu.memory_space<hbm>> -> memref<1x40x64xi32, #tpu.memory_space<hbm>>
      %dma_start3A_199 = tpu.memref_squeeze %dma_start3A_198 : memref<1x40x64xi32, #tpu.memory_space<hbm>> -> memref<40x64xi32, #tpu.memory_space<hbm>>
      %dma_start3A_200 = arith.constant 40 : i32
      %dma_start3A_201 = arith.constant 0 : i32
      %dma_start3A_202 = tpu.memref_slice %arg4[%add3A, %dma_start3A_200, %dma_start3A_201] : memref<32x160x64xi32, #tpu.memory_space<hbm>> -> memref<1x40x64xi32, #tpu.memory_space<hbm>>
      %dma_start3A_203 = tpu.memref_squeeze %dma_start3A_202 : memref<1x40x64xi32, #tpu.memory_space<hbm>> -> memref<40x64xi32, #tpu.memory_space<hbm>>
      tpu.enqueue_dma source(%dma_start3A_203 : memref<40x64xi32, #tpu.memory_space<hbm>>) target(%arg8 : memref<40x64xi32, #tpu.memory_space<vmem>>) target_semaphore(%run_scoped3A : memref<!tpu.dma_semaphore, #tpu.memory_space<semaphore_mem>>)
      %dma_wait3A = arith.constant 40 : i32
      %dma_wait3A_204 = arith.constant 0 : i32
      %dma_wait3A_205 = tpu.memref_slice %arg4[%add3A, %dma_wait3A, %dma_wait3A_204] : memref<32x160x64xi32, #tpu.memory_space<hbm>> -> memref<1x40x64xi32, #tpu.memory_space<hbm>>
      %dma_wait3A_206 = tpu.memref_squeeze %dma_wait3A_205 : memref<1x40x64xi32, #tpu.memory_space<hbm>> -> memref<40x64xi32, #tpu.memory_space<hbm>>
      %dma_wait3A_207 = arith.constant 40 : i32
      %dma_wait3A_208 = arith.constant 0 : i32
      %dma_wait3A_209 = tpu.memref_slice %arg4[%add3A, %dma_wait3A_207, %dma_wait3A_208] : memref<32x160x64xi32, #tpu.memory_space<hbm>> -> memref<1x40x64xi32, #tpu.memory_space<hbm>>
      %dma_wait3A_210 = tpu.memref_squeeze %dma_wait3A_209 : memref<1x40x64xi32, #tpu.memory_space<hbm>> -> memref<40x64xi32, #tpu.memory_space<hbm>>
      tpu.wait_dma2 semaphore(%run_scoped3A : memref<!tpu.dma_semaphore, #tpu.memory_space<semaphore_mem>>) src(%dma_wait3A_210 : memref<40x64xi32, #tpu.memory_space<hbm>>) dst(%arg8 : memref<40x64xi32, #tpu.memory_space<vmem>>)
      tpu.yield
    }) : () -> ()
    %dma_start3A_81 = arith.constant 0 : i32
    %dma_start3A_82 = arith.constant 0 : i32
    %dma_start3A_83 = tpu.memref_slice %arg7[%dma_start3A_81, %dma_start3A_82] : memref<40x64xi32, #tpu.memory_space<vmem>> -> memref<1x64xi32, #tpu.memory_space<vmem>>
    %dma_start3A_84 = tpu.memref_squeeze %dma_start3A_83 : memref<1x64xi32, #tpu.memory_space<vmem>> -> memref<64xi32, #tpu.memory_space<vmem>>
    %dma_start3A_85 = arith.constant 0 : i32
    %dma_start3A_86 = arith.constant 0 : i32
    %dma_start3A_87 = tpu.memref_slice %arg2[%dma_start3A_85, %dma_start3A_86] : memref<10000x128xf32, #tpu.memory_space<hbm>> -> memref<10000x128xf32, #tpu.memory_space<hbm>>
    tpu.enqueue_indirect_dma source(%dma_start3A_87 : memref<10000x128xf32, #tpu.memory_space<hbm>>) target(%arg9 : memref<64x128xf32, #tpu.memory_space<vmem>>) offsets(%dma_start3A_84 : memref<64xi32, #tpu.memory_space<vmem>>) semaphore(%arg14 : memref<!tpu.dma_semaphore, #tpu.memory_space<semaphore_mem>>)
    %dma_start3A_88 = arith.constant 1 : i32
    %dma_start3A_89 = arith.constant 0 : i32
    %dma_start3A_90 = tpu.memref_slice %arg7[%dma_start3A_88, %dma_start3A_89] : memref<40x64xi32, #tpu.memory_space<vmem>> -> memref<1x64xi32, #tpu.memory_space<vmem>>
    %dma_start3A_91 = tpu.memref_squeeze %dma_start3A_90 : memref<1x64xi32, #tpu.memory_space<vmem>> -> memref<64xi32, #tpu.memory_space<vmem>>
    %dma_start3A_92 = arith.constant 0 : i32
    %dma_start3A_93 = arith.constant 0 : i32
    %dma_start3A_94 = tpu.memref_slice %arg2[%dma_start3A_92, %dma_start3A_93] : memref<10000x128xf32, #tpu.memory_space<hbm>> -> memref<10000x128xf32, #tpu.memory_space<hbm>>
    tpu.enqueue_indirect_dma source(%dma_start3A_94 : memref<10000x128xf32, #tpu.memory_space<hbm>>) target(%arg10 : memref<64x128xf32, #tpu.memory_space<vmem>>) offsets(%dma_start3A_91 : memref<64xi32, #tpu.memory_space<vmem>>) semaphore(%arg15 : memref<!tpu.dma_semaphore, #tpu.memory_space<semaphore_mem>>)
    %dma_start3A_95 = arith.constant 2 : i32
    %dma_start3A_96 = arith.constant 0 : i32
    %dma_start3A_97 = tpu.memref_slice %arg7[%dma_start3A_95, %dma_start3A_96] : memref<40x64xi32, #tpu.memory_space<vmem>> -> memref<1x64xi32, #tpu.memory_space<vmem>>
    %dma_start3A_98 = tpu.memref_squeeze %dma_start3A_97 : memref<1x64xi32, #tpu.memory_space<vmem>> -> memref<64xi32, #tpu.memory_space<vmem>>
    %dma_start3A_99 = arith.constant 0 : i32
    %dma_start3A_100 = arith.constant 0 : i32
    %dma_start3A_101 = tpu.memref_slice %arg2[%dma_start3A_99, %dma_start3A_100] : memref<10000x128xf32, #tpu.memory_space<hbm>> -> memref<10000x128xf32, #tpu.memory_space<hbm>>
    tpu.enqueue_indirect_dma source(%dma_start3A_101 : memref<10000x128xf32, #tpu.memory_space<hbm>>) target(%arg11 : memref<64x128xf32, #tpu.memory_space<vmem>>) offsets(%dma_start3A_98 : memref<64xi32, #tpu.memory_space<vmem>>) semaphore(%arg16 : memref<!tpu.dma_semaphore, #tpu.memory_space<semaphore_mem>>)
    %dma_start3A_102 = arith.constant 3 : i32
    %dma_start3A_103 = arith.constant 0 : i32
    %dma_start3A_104 = tpu.memref_slice %arg7[%dma_start3A_102, %dma_start3A_103] : memref<40x64xi32, #tpu.memory_space<vmem>> -> memref<1x64xi32, #tpu.memory_space<vmem>>
    %dma_start3A_105 = tpu.memref_squeeze %dma_start3A_104 : memref<1x64xi32, #tpu.memory_space<vmem>> -> memref<64xi32, #tpu.memory_space<vmem>>
    %dma_start3A_106 = arith.constant 0 : i32
    %dma_start3A_107 = arith.constant 0 : i32
    %dma_start3A_108 = tpu.memref_slice %arg2[%dma_start3A_106, %dma_start3A_107] : memref<10000x128xf32, #tpu.memory_space<hbm>> -> memref<10000x128xf32, #tpu.memory_space<hbm>>
    tpu.enqueue_indirect_dma source(%dma_start3A_108 : memref<10000x128xf32, #tpu.memory_space<hbm>>) target(%arg12 : memref<64x128xf32, #tpu.memory_space<vmem>>) offsets(%dma_start3A_105 : memref<64xi32, #tpu.memory_space<vmem>>) semaphore(%arg17 : memref<!tpu.dma_semaphore, #tpu.memory_space<semaphore_mem>>)
    %scan3A_109 = arith.constant 0 : i32
    %scan3A_110 = arith.constant 0 : i32
    %scan3A_111 = arith.constant 10 : i32
    %scan3A_112 = arith.addi %scan3A_110, %scan3A_111 : i32
    %scan3A_113 = arith.constant 1 : i32
    %scan3A_114 = scf.for %scan3A_196 = %scan3A_110 to %scan3A_112 step %scan3A_113 iter_args(%scan3A_197 = %scan3A_109) -> (i32)  : i32 {
      %mul3A_198 = arith.constant 4 : i32
      %mul3A_199 = arith.muli %scan3A_196, %mul3A_198 : i32
      %add3A_200 = arith.constant 0 : i32
      %add3A_201 = arith.addi %mul3A_199, %add3A_200 : i32
      %dma_wait3A = arith.constant 0 : i32
      %dma_wait3A_202 = tpu.memref_slice %arg7[%add3A_201, %dma_wait3A] : memref<40x64xi32, #tpu.memory_space<vmem>> -> memref<1x64xi32, #tpu.memory_space<vmem>>
      %dma_wait3A_203 = tpu.memref_squeeze %dma_wait3A_202 : memref<1x64xi32, #tpu.memory_space<vmem>> -> memref<64xi32, #tpu.memory_space<vmem>>
      %dma_wait3A_204 = arith.constant 0 : i32
      %dma_wait3A_205 = arith.constant 0 : i32
      %dma_wait3A_206 = tpu.memref_slice %arg2[%dma_wait3A_204, %dma_wait3A_205] : memref<10000x128xf32, #tpu.memory_space<hbm>> -> memref<10000x128xf32, #tpu.memory_space<hbm>>
      tpu.wait_indirect_dma semaphore(%arg14 : memref<!tpu.dma_semaphore, #tpu.memory_space<semaphore_mem>>) src(%dma_wait3A_206 : memref<10000x128xf32, #tpu.memory_space<hbm>>) dst(%arg9 : memref<64x128xf32, #tpu.memory_space<vmem>>)
      "tpu.region"() ({
        %run_scoped3A = tpu.sem_alloc : memref<!tpu.dma_semaphore, #tpu.memory_space<semaphore_mem>>
        %dma_start3A_265 = arith.constant 0 : i32
        %dma_start3A_266 = tpu.memref_slice %arg8[%add3A_201, %dma_start3A_265] : memref<40x64xi32, #tpu.memory_space<vmem>> -> memref<1x64xi32, #tpu.memory_space<vmem>>
        %dma_start3A_267 = tpu.memref_squeeze %dma_start3A_266 : memref<1x64xi32, #tpu.memory_space<vmem>> -> memref<64xi32, #tpu.memory_space<vmem>>
        %dma_start3A_268 = arith.constant 0 : i32
        %dma_start3A_269 = arith.constant 0 : i32
        %dma_start3A_270 = tpu.memref_slice %arg13[%dma_start3A_268, %dma_start3A_269] : memref<10240x128xf32, #tpu.memory_space<vmem_shared>> -> memref<10240x128xf32, #tpu.memory_space<vmem_shared>>
        tpu.enqueue_indirect_dma source(%arg9 : memref<64x128xf32, #tpu.memory_space<vmem>>) target(%dma_start3A_270 : memref<10240x128xf32, #tpu.memory_space<vmem_shared>>) offsets(%dma_start3A_267 : memref<64xi32, #tpu.memory_space<vmem>>) semaphore(%run_scoped3A : memref<!tpu.dma_semaphore, #tpu.memory_space<semaphore_mem>>) {add = true}
        %dma_wait3A_271 = arith.constant 0 : i32
        %dma_wait3A_272 = tpu.memref_slice %arg8[%add3A_201, %dma_wait3A_271] : memref<40x64xi32, #tpu.memory_space<vmem>> -> memref<1x64xi32, #tpu.memory_space<vmem>>
        %dma_wait3A_273 = tpu.memref_squeeze %dma_wait3A_272 : memref<1x64xi32, #tpu.memory_space<vmem>> -> memref<64xi32, #tpu.memory_space<vmem>>
        %dma_wait3A_274 = arith.constant 0 : i32
        %dma_wait3A_275 = arith.constant 0 : i32
        %dma_wait3A_276 = tpu.memref_slice %arg13[%dma_wait3A_274, %dma_wait3A_275] : memref<10240x128xf32, #tpu.memory_space<vmem_shared>> -> memref<10240x128xf32, #tpu.memory_space<vmem_shared>>
        tpu.wait_indirect_dma semaphore(%run_scoped3A : memref<!tpu.dma_semaphore, #tpu.memory_space<semaphore_mem>>) src(%arg9 : memref<64x128xf32, #tpu.memory_space<vmem>>) dst(%dma_wait3A_276 : memref<10240x128xf32, #tpu.memory_space<vmem_shared>>)
        tpu.yield
      }) : () -> ()
      %add3A_207 = arith.constant 4 : i32
      %add3A_208 = arith.addi %add3A_201, %add3A_207 : i32
      %lt3A = arith.constant 40 : i32
      %lt3A_209 = arith.cmpi slt, %add3A_208, %lt3A : i32
      %convert_element_type3A_210 = arith.extui %lt3A_209 : i1 to i32
      %cond3A_211 = arith.constant 0 : i32
      %cond3A_212 = arith.cmpi ne, %convert_element_type3A_210, %cond3A_211 : i32
      scf.if %cond3A_212 {
        %add3A_265 = arith.constant 4 : i32
        %add3A_266 = arith.addi %add3A_201, %add3A_265 : i32
        %dma_start3A_267 = arith.constant 0 : i32
        %dma_start3A_268 = tpu.memref_slice %arg7[%add3A_266, %dma_start3A_267] : memref<40x64xi32, #tpu.memory_space<vmem>> -> memref<1x64xi32, #tpu.memory_space<vmem>>
        %dma_start3A_269 = tpu.memref_squeeze %dma_start3A_268 : memref<1x64xi32, #tpu.memory_space<vmem>> -> memref<64xi32, #tpu.memory_space<vmem>>
        %dma_start3A_270 = arith.constant 0 : i32
        %dma_start3A_271 = arith.constant 0 : i32
        %dma_start3A_272 = tpu.memref_slice %arg2[%dma_start3A_270, %dma_start3A_271] : memref<10000x128xf32, #tpu.memory_space<hbm>> -> memref<10000x128xf32, #tpu.memory_space<hbm>>
        tpu.enqueue_indirect_dma source(%dma_start3A_272 : memref<10000x128xf32, #tpu.memory_space<hbm>>) target(%arg9 : memref<64x128xf32, #tpu.memory_space<vmem>>) offsets(%dma_start3A_269 : memref<64xi32, #tpu.memory_space<vmem>>) semaphore(%arg14 : memref<!tpu.dma_semaphore, #tpu.memory_space<semaphore_mem>>)
      } else {
      }
      %mul3A_213 = arith.constant 4 : i32
      %mul3A_214 = arith.muli %scan3A_196, %mul3A_213 : i32
      %add3A_215 = arith.constant 1 : i32
      %add3A_216 = arith.addi %mul3A_214, %add3A_215 : i32
      %dma_wait3A_217 = arith.constant 0 : i32
      %dma_wait3A_218 = tpu.memref_slice %arg7[%add3A_216, %dma_wait3A_217] : memref<40x64xi32, #tpu.memory_space<vmem>> -> memref<1x64xi32, #tpu.memory_space<vmem>>
      %dma_wait3A_219 = tpu.memref_squeeze %dma_wait3A_218 : memref<1x64xi32, #tpu.memory_space<vmem>> -> memref<64xi32, #tpu.memory_space<vmem>>
      %dma_wait3A_220 = arith.constant 0 : i32
      %dma_wait3A_221 = arith.constant 0 : i32
      %dma_wait3A_222 = tpu.memref_slice %arg2[%dma_wait3A_220, %dma_wait3A_221] : memref<10000x128xf32, #tpu.memory_space<hbm>> -> memref<10000x128xf32, #tpu.memory_space<hbm>>
      tpu.wait_indirect_dma semaphore(%arg15 : memref<!tpu.dma_semaphore, #tpu.memory_space<semaphore_mem>>) src(%dma_wait3A_222 : memref<10000x128xf32, #tpu.memory_space<hbm>>) dst(%arg10 : memref<64x128xf32, #tpu.memory_space<vmem>>)
      "tpu.region"() ({
        %run_scoped3A = tpu.sem_alloc : memref<!tpu.dma_semaphore, #tpu.memory_space<semaphore_mem>>
        %dma_start3A_265 = arith.constant 0 : i32
        %dma_start3A_266 = tpu.memref_slice %arg8[%add3A_216, %dma_start3A_265] : memref<40x64xi32, #tpu.memory_space<vmem>> -> memref<1x64xi32, #tpu.memory_space<vmem>>
        %dma_start3A_267 = tpu.memref_squeeze %dma_start3A_266 : memref<1x64xi32, #tpu.memory_space<vmem>> -> memref<64xi32, #tpu.memory_space<vmem>>
        %dma_start3A_268 = arith.constant 0 : i32
        %dma_start3A_269 = arith.constant 0 : i32
        %dma_start3A_270 = tpu.memref_slice %arg13[%dma_start3A_268, %dma_start3A_269] : memref<10240x128xf32, #tpu.memory_space<vmem_shared>> -> memref<10240x128xf32, #tpu.memory_space<vmem_shared>>
        tpu.enqueue_indirect_dma source(%arg10 : memref<64x128xf32, #tpu.memory_space<vmem>>) target(%dma_start3A_270 : memref<10240x128xf32, #tpu.memory_space<vmem_shared>>) offsets(%dma_start3A_267 : memref<64xi32, #tpu.memory_space<vmem>>) semaphore(%run_scoped3A : memref<!tpu.dma_semaphore, #tpu.memory_space<semaphore_mem>>) {add = true}
        %dma_wait3A_271 = arith.constant 0 : i32
        %dma_wait3A_272 = tpu.memref_slice %arg8[%add3A_216, %dma_wait3A_271] : memref<40x64xi32, #tpu.memory_space<vmem>> -> memref<1x64xi32, #tpu.memory_space<vmem>>
        %dma_wait3A_273 = tpu.memref_squeeze %dma_wait3A_272 : memref<1x64xi32, #tpu.memory_space<vmem>> -> memref<64xi32, #tpu.memory_space<vmem>>
        %dma_wait3A_274 = arith.constant 0 : i32
        %dma_wait3A_275 = arith.constant 0 : i32
        %dma_wait3A_276 = tpu.memref_slice %arg13[%dma_wait3A_274, %dma_wait3A_275] : memref<10240x128xf32, #tpu.memory_space<vmem_shared>> -> memref<10240x128xf32, #tpu.memory_space<vmem_shared>>
        tpu.wait_indirect_dma semaphore(%run_scoped3A : memref<!tpu.dma_semaphore, #tpu.memory_space<semaphore_mem>>) src(%arg10 : memref<64x128xf32, #tpu.memory_space<vmem>>) dst(%dma_wait3A_276 : memref<10240x128xf32, #tpu.memory_space<vmem_shared>>)
        tpu.yield
      }) : () -> ()
      %add3A_223 = arith.constant 4 : i32
      %add3A_224 = arith.addi %add3A_216, %add3A_223 : i32
      %lt3A_225 = arith.constant 40 : i32
      %lt3A_226 = arith.cmpi slt, %add3A_224, %lt3A_225 : i32
      %convert_element_type3A_227 = arith.extui %lt3A_226 : i1 to i32
      %cond3A_228 = arith.constant 0 : i32
      %cond3A_229 = arith.cmpi ne, %convert_element_type3A_227, %cond3A_228 : i32
      scf.if %cond3A_229 {
        %add3A_265 = arith.constant 4 : i32
        %add3A_266 = arith.addi %add3A_216, %add3A_265 : i32
        %dma_start3A_267 = arith.constant 0 : i32
        %dma_start3A_268 = tpu.memref_slice %arg7[%add3A_266, %dma_start3A_267] : memref<40x64xi32, #tpu.memory_space<vmem>> -> memref<1x64xi32, #tpu.memory_space<vmem>>
        %dma_start3A_269 = tpu.memref_squeeze %dma_start3A_268 : memref<1x64xi32, #tpu.memory_space<vmem>> -> memref<64xi32, #tpu.memory_space<vmem>>
        %dma_start3A_270 = arith.constant 0 : i32
        %dma_start3A_271 = arith.constant 0 : i32
        %dma_start3A_272 = tpu.memref_slice %arg2[%dma_start3A_270, %dma_start3A_271] : memref<10000x128xf32, #tpu.memory_space<hbm>> -> memref<10000x128xf32, #tpu.memory_space<hbm>>
        tpu.enqueue_indirect_dma source(%dma_start3A_272 : memref<10000x128xf32, #tpu.memory_space<hbm>>) target(%arg10 : memref<64x128xf32, #tpu.memory_space<vmem>>) offsets(%dma_start3A_269 : memref<64xi32, #tpu.memory_space<vmem>>) semaphore(%arg15 : memref<!tpu.dma_semaphore, #tpu.memory_space<semaphore_mem>>)
      } else {
      }
      %mul3A_230 = arith.constant 4 : i32
      %mul3A_231 = arith.muli %scan3A_196, %mul3A_230 : i32
      %add3A_232 = arith.constant 2 : i32
      %add3A_233 = arith.addi %mul3A_231, %add3A_232 : i32
      %dma_wait3A_234 = arith.constant 0 : i32
      %dma_wait3A_235 = tpu.memref_slice %arg7[%add3A_233, %dma_wait3A_234] : memref<40x64xi32, #tpu.memory_space<vmem>> -> memref<1x64xi32, #tpu.memory_space<vmem>>
      %dma_wait3A_236 = tpu.memref_squeeze %dma_wait3A_235 : memref<1x64xi32, #tpu.memory_space<vmem>> -> memref<64xi32, #tpu.memory_space<vmem>>
      %dma_wait3A_237 = arith.constant 0 : i32
      %dma_wait3A_238 = arith.constant 0 : i32
      %dma_wait3A_239 = tpu.memref_slice %arg2[%dma_wait3A_237, %dma_wait3A_238] : memref<10000x128xf32, #tpu.memory_space<hbm>> -> memref<10000x128xf32, #tpu.memory_space<hbm>>
      tpu.wait_indirect_dma semaphore(%arg16 : memref<!tpu.dma_semaphore, #tpu.memory_space<semaphore_mem>>) src(%dma_wait3A_239 : memref<10000x128xf32, #tpu.memory_space<hbm>>) dst(%arg11 : memref<64x128xf32, #tpu.memory_space<vmem>>)
      "tpu.region"() ({
        %run_scoped3A = tpu.sem_alloc : memref<!tpu.dma_semaphore, #tpu.memory_space<semaphore_mem>>
        %dma_start3A_265 = arith.constant 0 : i32
        %dma_start3A_266 = tpu.memref_slice %arg8[%add3A_233, %dma_start3A_265] : memref<40x64xi32, #tpu.memory_space<vmem>> -> memref<1x64xi32, #tpu.memory_space<vmem>>
        %dma_start3A_267 = tpu.memref_squeeze %dma_start3A_266 : memref<1x64xi32, #tpu.memory_space<vmem>> -> memref<64xi32, #tpu.memory_space<vmem>>
        %dma_start3A_268 = arith.constant 0 : i32
        %dma_start3A_269 = arith.constant 0 : i32
        %dma_start3A_270 = tpu.memref_slice %arg13[%dma_start3A_268, %dma_start3A_269] : memref<10240x128xf32, #tpu.memory_space<vmem_shared>> -> memref<10240x128xf32, #tpu.memory_space<vmem_shared>>
        tpu.enqueue_indirect_dma source(%arg11 : memref<64x128xf32, #tpu.memory_space<vmem>>) target(%dma_start3A_270 : memref<10240x128xf32, #tpu.memory_space<vmem_shared>>) offsets(%dma_start3A_267 : memref<64xi32, #tpu.memory_space<vmem>>) semaphore(%run_scoped3A : memref<!tpu.dma_semaphore, #tpu.memory_space<semaphore_mem>>) {add = true}
        %dma_wait3A_271 = arith.constant 0 : i32
        %dma_wait3A_272 = tpu.memref_slice %arg8[%add3A_233, %dma_wait3A_271] : memref<40x64xi32, #tpu.memory_space<vmem>> -> memref<1x64xi32, #tpu.memory_space<vmem>>
        %dma_wait3A_273 = tpu.memref_squeeze %dma_wait3A_272 : memref<1x64xi32, #tpu.memory_space<vmem>> -> memref<64xi32, #tpu.memory_space<vmem>>
        %dma_wait3A_274 = arith.constant 0 : i32
        %dma_wait3A_275 = arith.constant 0 : i32
        %dma_wait3A_276 = tpu.memref_slice %arg13[%dma_wait3A_274, %dma_wait3A_275] : memref<10240x128xf32, #tpu.memory_space<vmem_shared>> -> memref<10240x128xf32, #tpu.memory_space<vmem_shared>>
        tpu.wait_indirect_dma semaphore(%run_scoped3A : memref<!tpu.dma_semaphore, #tpu.memory_space<semaphore_mem>>) src(%arg11 : memref<64x128xf32, #tpu.memory_space<vmem>>) dst(%dma_wait3A_276 : memref<10240x128xf32, #tpu.memory_space<vmem_shared>>)
        tpu.yield
      }) : () -> ()
      %add3A_240 = arith.constant 4 : i32
      %add3A_241 = arith.addi %add3A_233, %add3A_240 : i32
      %lt3A_242 = arith.constant 40 : i32
      %lt3A_243 = arith.cmpi slt, %add3A_241, %lt3A_242 : i32
      %convert_element_type3A_244 = arith.extui %lt3A_243 : i1 to i32
      %cond3A_245 = arith.constant 0 : i32
      %cond3A_246 = arith.cmpi ne, %convert_element_type3A_244, %cond3A_245 : i32
      scf.if %cond3A_246 {
        %add3A_265 = arith.constant 4 : i32
        %add3A_266 = arith.addi %add3A_233, %add3A_265 : i32
        %dma_start3A_267 = arith.constant 0 : i32
        %dma_start3A_268 = tpu.memref_slice %arg7[%add3A_266, %dma_start3A_267] : memref<40x64xi32, #tpu.memory_space<vmem>> -> memref<1x64xi32, #tpu.memory_space<vmem>>
        %dma_start3A_269 = tpu.memref_squeeze %dma_start3A_268 : memref<1x64xi32, #tpu.memory_space<vmem>> -> memref<64xi32, #tpu.memory_space<vmem>>
        %dma_start3A_270 = arith.constant 0 : i32
        %dma_start3A_271 = arith.constant 0 : i32
        %dma_start3A_272 = tpu.memref_slice %arg2[%dma_start3A_270, %dma_start3A_271] : memref<10000x128xf32, #tpu.memory_space<hbm>> -> memref<10000x128xf32, #tpu.memory_space<hbm>>
        tpu.enqueue_indirect_dma source(%dma_start3A_272 : memref<10000x128xf32, #tpu.memory_space<hbm>>) target(%arg11 : memref<64x128xf32, #tpu.memory_space<vmem>>) offsets(%dma_start3A_269 : memref<64xi32, #tpu.memory_space<vmem>>) semaphore(%arg16 : memref<!tpu.dma_semaphore, #tpu.memory_space<semaphore_mem>>)
      } else {
      }
      %mul3A_247 = arith.constant 4 : i32
      %mul3A_248 = arith.muli %scan3A_196, %mul3A_247 : i32
      %add3A_249 = arith.constant 3 : i32
      %add3A_250 = arith.addi %mul3A_248, %add3A_249 : i32
      %dma_wait3A_251 = arith.constant 0 : i32
      %dma_wait3A_252 = tpu.memref_slice %arg7[%add3A_250, %dma_wait3A_251] : memref<40x64xi32, #tpu.memory_space<vmem>> -> memref<1x64xi32, #tpu.memory_space<vmem>>
      %dma_wait3A_253 = tpu.memref_squeeze %dma_wait3A_252 : memref<1x64xi32, #tpu.memory_space<vmem>> -> memref<64xi32, #tpu.memory_space<vmem>>
      %dma_wait3A_254 = arith.constant 0 : i32
      %dma_wait3A_255 = arith.constant 0 : i32
      %dma_wait3A_256 = tpu.memref_slice %arg2[%dma_wait3A_254, %dma_wait3A_255] : memref<10000x128xf32, #tpu.memory_space<hbm>> -> memref<10000x128xf32, #tpu.memory_space<hbm>>
      tpu.wait_indirect_dma semaphore(%arg17 : memref<!tpu.dma_semaphore, #tpu.memory_space<semaphore_mem>>) src(%dma_wait3A_256 : memref<10000x128xf32, #tpu.memory_space<hbm>>) dst(%arg12 : memref<64x128xf32, #tpu.memory_space<vmem>>)
      "tpu.region"() ({
        %run_scoped3A = tpu.sem_alloc : memref<!tpu.dma_semaphore, #tpu.memory_space<semaphore_mem>>
        %dma_start3A_265 = arith.constant 0 : i32
        %dma_start3A_266 = tpu.memref_slice %arg8[%add3A_250, %dma_start3A_265] : memref<40x64xi32, #tpu.memory_space<vmem>> -> memref<1x64xi32, #tpu.memory_space<vmem>>
        %dma_start3A_267 = tpu.memref_squeeze %dma_start3A_266 : memref<1x64xi32, #tpu.memory_space<vmem>> -> memref<64xi32, #tpu.memory_space<vmem>>
        %dma_start3A_268 = arith.constant 0 : i32
        %dma_start3A_269 = arith.constant 0 : i32
        %dma_start3A_270 = tpu.memref_slice %arg13[%dma_start3A_268, %dma_start3A_269] : memref<10240x128xf32, #tpu.memory_space<vmem_shared>> -> memref<10240x128xf32, #tpu.memory_space<vmem_shared>>
        tpu.enqueue_indirect_dma source(%arg12 : memref<64x128xf32, #tpu.memory_space<vmem>>) target(%dma_start3A_270 : memref<10240x128xf32, #tpu.memory_space<vmem_shared>>) offsets(%dma_start3A_267 : memref<64xi32, #tpu.memory_space<vmem>>) semaphore(%run_scoped3A : memref<!tpu.dma_semaphore, #tpu.memory_space<semaphore_mem>>) {add = true}
        %dma_wait3A_271 = arith.constant 0 : i32
        %dma_wait3A_272 = tpu.memref_slice %arg8[%add3A_250, %dma_wait3A_271] : memref<40x64xi32, #tpu.memory_space<vmem>> -> memref<1x64xi32, #tpu.memory_space<vmem>>
        %dma_wait3A_273 = tpu.memref_squeeze %dma_wait3A_272 : memref<1x64xi32, #tpu.memory_space<vmem>> -> memref<64xi32, #tpu.memory_space<vmem>>
        %dma_wait3A_274 = arith.constant 0 : i32
        %dma_wait3A_275 = arith.constant 0 : i32
        %dma_wait3A_276 = tpu.memref_slice %arg13[%dma_wait3A_274, %dma_wait3A_275] : memref<10240x128xf32, #tpu.memory_space<vmem_shared>> -> memref<10240x128xf32, #tpu.memory_space<vmem_shared>>
        tpu.wait_indirect_dma semaphore(%run_scoped3A : memref<!tpu.dma_semaphore, #tpu.memory_space<semaphore_mem>>) src(%arg12 : memref<64x128xf32, #tpu.memory_space<vmem>>) dst(%dma_wait3A_276 : memref<10240x128xf32, #tpu.memory_space<vmem_shared>>)
        tpu.yield
      }) : () -> ()
      %add3A_257 = arith.constant 4 : i32
      %add3A_258 = arith.addi %add3A_250, %add3A_257 : i32
      %lt3A_259 = arith.constant 40 : i32
      %lt3A_260 = arith.cmpi slt, %add3A_258, %lt3A_259 : i32
      %convert_element_type3A_261 = arith.extui %lt3A_260 : i1 to i32
      %cond3A_262 = arith.constant 0 : i32
      %cond3A_263 = arith.cmpi ne, %convert_element_type3A_261, %cond3A_262 : i32
      scf.if %cond3A_263 {
        %add3A_265 = arith.constant 4 : i32
        %add3A_266 = arith.addi %add3A_250, %add3A_265 : i32
        %dma_start3A_267 = arith.constant 0 : i32
        %dma_start3A_268 = tpu.memref_slice %arg7[%add3A_266, %dma_start3A_267] : memref<40x64xi32, #tpu.memory_space<vmem>> -> memref<1x64xi32, #tpu.memory_space<vmem>>
        %dma_start3A_269 = tpu.memref_squeeze %dma_start3A_268 : memref<1x64xi32, #tpu.memory_space<vmem>> -> memref<64xi32, #tpu.memory_space<vmem>>
        %dma_start3A_270 = arith.constant 0 : i32
        %dma_start3A_271 = arith.constant 0 : i32
        %dma_start3A_272 = tpu.memref_slice %arg2[%dma_start3A_270, %dma_start3A_271] : memref<10000x128xf32, #tpu.memory_space<hbm>> -> memref<10000x128xf32, #tpu.memory_space<hbm>>
        tpu.enqueue_indirect_dma source(%dma_start3A_272 : memref<10000x128xf32, #tpu.memory_space<hbm>>) target(%arg12 : memref<64x128xf32, #tpu.memory_space<vmem>>) offsets(%dma_start3A_269 : memref<64xi32, #tpu.memory_space<vmem>>) semaphore(%arg17 : memref<!tpu.dma_semaphore, #tpu.memory_space<semaphore_mem>>)
      } else {
      }
      %scan3A_264 = arith.constant 0 : i32
      scf.yield %scan3A_264 : i32
    }
    %scan3A_115 = arith.constant 10 : i32
    "tpu.region"() ({
      %run_scoped3A = tpu.sem_alloc : memref<!tpu.dma_semaphore, #tpu.memory_space<semaphore_mem>>
      %dma_start3A_196 = arith.constant 80 : i32
      %dma_start3A_197 = arith.constant 0 : i32
      %dma_start3A_198 = tpu.memref_slice %arg3[%add3A, %dma_start3A_196, %dma_start3A_197] : memref<32x160x64xi32, #tpu.memory_space<hbm>> -> memref<1x40x64xi32, #tpu.memory_space<hbm>>
      %dma_start3A_199 = tpu.memref_squeeze %dma_start3A_198 : memref<1x40x64xi32, #tpu.memory_space<hbm>> -> memref<40x64xi32, #tpu.memory_space<hbm>>
      %dma_start3A_200 = arith.constant 80 : i32
      %dma_start3A_201 = arith.constant 0 : i32
      %dma_start3A_202 = tpu.memref_slice %arg3[%add3A, %dma_start3A_200, %dma_start3A_201] : memref<32x160x64xi32, #tpu.memory_space<hbm>> -> memref<1x40x64xi32, #tpu.memory_space<hbm>>
      %dma_start3A_203 = tpu.memref_squeeze %dma_start3A_202 : memref<1x40x64xi32, #tpu.memory_space<hbm>> -> memref<40x64xi32, #tpu.memory_space<hbm>>
      tpu.enqueue_dma source(%dma_start3A_203 : memref<40x64xi32, #tpu.memory_space<hbm>>) target(%arg7 : memref<40x64xi32, #tpu.memory_space<vmem>>) target_semaphore(%run_scoped3A : memref<!tpu.dma_semaphore, #tpu.memory_space<semaphore_mem>>)
      %dma_wait3A = arith.constant 80 : i32
      %dma_wait3A_204 = arith.constant 0 : i32
      %dma_wait3A_205 = tpu.memref_slice %arg3[%add3A, %dma_wait3A, %dma_wait3A_204] : memref<32x160x64xi32, #tpu.memory_space<hbm>> -> memref<1x40x64xi32, #tpu.memory_space<hbm>>
      %dma_wait3A_206 = tpu.memref_squeeze %dma_wait3A_205 : memref<1x40x64xi32, #tpu.memory_space<hbm>> -> memref<40x64xi32, #tpu.memory_space<hbm>>
      %dma_wait3A_207 = arith.constant 80 : i32
      %dma_wait3A_208 = arith.constant 0 : i32
      %dma_wait3A_209 = tpu.memref_slice %arg3[%add3A, %dma_wait3A_207, %dma_wait3A_208] : memref<32x160x64xi32, #tpu.memory_space<hbm>> -> memref<1x40x64xi32, #tpu.memory_space<hbm>>
      %dma_wait3A_210 = tpu.memref_squeeze %dma_wait3A_209 : memref<1x40x64xi32, #tpu.memory_space<hbm>> -> memref<40x64xi32, #tpu.memory_space<hbm>>
      tpu.wait_dma2 semaphore(%run_scoped3A : memref<!tpu.dma_semaphore, #tpu.memory_space<semaphore_mem>>) src(%dma_wait3A_210 : memref<40x64xi32, #tpu.memory_space<hbm>>) dst(%arg7 : memref<40x64xi32, #tpu.memory_space<vmem>>)
      tpu.yield
    }) : () -> ()
    "tpu.region"() ({
      %run_scoped3A = tpu.sem_alloc : memref<!tpu.dma_semaphore, #tpu.memory_space<semaphore_mem>>
      %dma_start3A_196 = arith.constant 80 : i32
      %dma_start3A_197 = arith.constant 0 : i32
      %dma_start3A_198 = tpu.memref_slice %arg4[%add3A, %dma_start3A_196, %dma_start3A_197] : memref<32x160x64xi32, #tpu.memory_space<hbm>> -> memref<1x40x64xi32, #tpu.memory_space<hbm>>
      %dma_start3A_199 = tpu.memref_squeeze %dma_start3A_198 : memref<1x40x64xi32, #tpu.memory_space<hbm>> -> memref<40x64xi32, #tpu.memory_space<hbm>>
      %dma_start3A_200 = arith.constant 80 : i32
      %dma_start3A_201 = arith.constant 0 : i32
      %dma_start3A_202 = tpu.memref_slice %arg4[%add3A, %dma_start3A_200, %dma_start3A_201] : memref<32x160x64xi32, #tpu.memory_space<hbm>> -> memref<1x40x64xi32, #tpu.memory_space<hbm>>
      %dma_start3A_203 = tpu.memref_squeeze %dma_start3A_202 : memref<1x40x64xi32, #tpu.memory_space<hbm>> -> memref<40x64xi32, #tpu.memory_space<hbm>>
      tpu.enqueue_dma source(%dma_start3A_203 : memref<40x64xi32, #tpu.memory_space<hbm>>) target(%arg8 : memref<40x64xi32, #tpu.memory_space<vmem>>) target_semaphore(%run_scoped3A : memref<!tpu.dma_semaphore, #tpu.memory_space<semaphore_mem>>)
      %dma_wait3A = arith.constant 80 : i32
      %dma_wait3A_204 = arith.constant 0 : i32
      %dma_wait3A_205 = tpu.memref_slice %arg4[%add3A, %dma_wait3A, %dma_wait3A_204] : memref<32x160x64xi32, #tpu.memory_space<hbm>> -> memref<1x40x64xi32, #tpu.memory_space<hbm>>
      %dma_wait3A_206 = tpu.memref_squeeze %dma_wait3A_205 : memref<1x40x64xi32, #tpu.memory_space<hbm>> -> memref<40x64xi32, #tpu.memory_space<hbm>>
      %dma_wait3A_207 = arith.constant 80 : i32
      %dma_wait3A_208 = arith.constant 0 : i32
      %dma_wait3A_209 = tpu.memref_slice %arg4[%add3A, %dma_wait3A_207, %dma_wait3A_208] : memref<32x160x64xi32, #tpu.memory_space<hbm>> -> memref<1x40x64xi32, #tpu.memory_space<hbm>>
      %dma_wait3A_210 = tpu.memref_squeeze %dma_wait3A_209 : memref<1x40x64xi32, #tpu.memory_space<hbm>> -> memref<40x64xi32, #tpu.memory_space<hbm>>
      tpu.wait_dma2 semaphore(%run_scoped3A : memref<!tpu.dma_semaphore, #tpu.memory_space<semaphore_mem>>) src(%dma_wait3A_210 : memref<40x64xi32, #tpu.memory_space<hbm>>) dst(%arg8 : memref<40x64xi32, #tpu.memory_space<vmem>>)
      tpu.yield
    }) : () -> ()
    %dma_start3A_116 = arith.constant 0 : i32
    %dma_start3A_117 = arith.constant 0 : i32
    %dma_start3A_118 = tpu.memref_slice %arg7[%dma_start3A_116, %dma_start3A_117] : memref<40x64xi32, #tpu.memory_space<vmem>> -> memref<1x64xi32, #tpu.memory_space<vmem>>
    %dma_start3A_119 = tpu.memref_squeeze %dma_start3A_118 : memref<1x64xi32, #tpu.memory_space<vmem>> -> memref<64xi32, #tpu.memory_space<vmem>>
    %dma_start3A_120 = arith.constant 0 : i32
    %dma_start3A_121 = arith.constant 0 : i32
    %dma_start3A_122 = tpu.memref_slice %arg2[%dma_start3A_120, %dma_start3A_121] : memref<10000x128xf32, #tpu.memory_space<hbm>> -> memref<10000x128xf32, #tpu.memory_space<hbm>>
    tpu.enqueue_indirect_dma source(%dma_start3A_122 : memref<10000x128xf32, #tpu.memory_space<hbm>>) target(%arg9 : memref<64x128xf32, #tpu.memory_space<vmem>>) offsets(%dma_start3A_119 : memref<64xi32, #tpu.memory_space<vmem>>) semaphore(%arg14 : memref<!tpu.dma_semaphore, #tpu.memory_space<semaphore_mem>>)
    %dma_start3A_123 = arith.constant 1 : i32
    %dma_start3A_124 = arith.constant 0 : i32
    %dma_start3A_125 = tpu.memref_slice %arg7[%dma_start3A_123, %dma_start3A_124] : memref<40x64xi32, #tpu.memory_space<vmem>> -> memref<1x64xi32, #tpu.memory_space<vmem>>
    %dma_start3A_126 = tpu.memref_squeeze %dma_start3A_125 : memref<1x64xi32, #tpu.memory_space<vmem>> -> memref<64xi32, #tpu.memory_space<vmem>>
    %dma_start3A_127 = arith.constant 0 : i32
    %dma_start3A_128 = arith.constant 0 : i32
    %dma_start3A_129 = tpu.memref_slice %arg2[%dma_start3A_127, %dma_start3A_128] : memref<10000x128xf32, #tpu.memory_space<hbm>> -> memref<10000x128xf32, #tpu.memory_space<hbm>>
    tpu.enqueue_indirect_dma source(%dma_start3A_129 : memref<10000x128xf32, #tpu.memory_space<hbm>>) target(%arg10 : memref<64x128xf32, #tpu.memory_space<vmem>>) offsets(%dma_start3A_126 : memref<64xi32, #tpu.memory_space<vmem>>) semaphore(%arg15 : memref<!tpu.dma_semaphore, #tpu.memory_space<semaphore_mem>>)
    %dma_start3A_130 = arith.constant 2 : i32
    %dma_start3A_131 = arith.constant 0 : i32
    %dma_start3A_132 = tpu.memref_slice %arg7[%dma_start3A_130, %dma_start3A_131] : memref<40x64xi32, #tpu.memory_space<vmem>> -> memref<1x64xi32, #tpu.memory_space<vmem>>
    %dma_start3A_133 = tpu.memref_squeeze %dma_start3A_132 : memref<1x64xi32, #tpu.memory_space<vmem>> -> memref<64xi32, #tpu.memory_space<vmem>>
    %dma_start3A_134 = arith.constant 0 : i32
    %dma_start3A_135 = arith.constant 0 : i32
    %dma_start3A_136 = tpu.memref_slice %arg2[%dma_start3A_134, %dma_start3A_135] : memref<10000x128xf32, #tpu.memory_space<hbm>> -> memref<10000x128xf32, #tpu.memory_space<hbm>>
    tpu.enqueue_indirect_dma source(%dma_start3A_136 : memref<10000x128xf32, #tpu.memory_space<hbm>>) target(%arg11 : memref<64x128xf32, #tpu.memory_space<vmem>>) offsets(%dma_start3A_133 : memref<64xi32, #tpu.memory_space<vmem>>) semaphore(%arg16 : memref<!tpu.dma_semaphore, #tpu.memory_space<semaphore_mem>>)
    %dma_start3A_137 = arith.constant 3 : i32
    %dma_start3A_138 = arith.constant 0 : i32
    %dma_start3A_139 = tpu.memref_slice %arg7[%dma_start3A_137, %dma_start3A_138] : memref<40x64xi32, #tpu.memory_space<vmem>> -> memref<1x64xi32, #tpu.memory_space<vmem>>
    %dma_start3A_140 = tpu.memref_squeeze %dma_start3A_139 : memref<1x64xi32, #tpu.memory_space<vmem>> -> memref<64xi32, #tpu.memory_space<vmem>>
    %dma_start3A_141 = arith.constant 0 : i32
    %dma_start3A_142 = arith.constant 0 : i32
    %dma_start3A_143 = tpu.memref_slice %arg2[%dma_start3A_141, %dma_start3A_142] : memref<10000x128xf32, #tpu.memory_space<hbm>> -> memref<10000x128xf32, #tpu.memory_space<hbm>>
    tpu.enqueue_indirect_dma source(%dma_start3A_143 : memref<10000x128xf32, #tpu.memory_space<hbm>>) target(%arg12 : memref<64x128xf32, #tpu.memory_space<vmem>>) offsets(%dma_start3A_140 : memref<64xi32, #tpu.memory_space<vmem>>) semaphore(%arg17 : memref<!tpu.dma_semaphore, #tpu.memory_space<semaphore_mem>>)
    %scan3A_144 = arith.constant 0 : i32
    %scan3A_145 = arith.constant 0 : i32
    %scan3A_146 = arith.constant 10 : i32
    %scan3A_147 = arith.addi %scan3A_145, %scan3A_146 : i32
    %scan3A_148 = arith.constant 1 : i32
    %scan3A_149 = scf.for %scan3A_196 = %scan3A_145 to %scan3A_147 step %scan3A_148 iter_args(%scan3A_197 = %scan3A_144) -> (i32)  : i32 {
      %mul3A_198 = arith.constant 4 : i32
      %mul3A_199 = arith.muli %scan3A_196, %mul3A_198 : i32
      %add3A_200 = arith.constant 0 : i32
      %add3A_201 = arith.addi %mul3A_199, %add3A_200 : i32
      %dma_wait3A = arith.constant 0 : i32
      %dma_wait3A_202 = tpu.memref_slice %arg7[%add3A_201, %dma_wait3A] : memref<40x64xi32, #tpu.memory_space<vmem>> -> memref<1x64xi32, #tpu.memory_space<vmem>>
      %dma_wait3A_203 = tpu.memref_squeeze %dma_wait3A_202 : memref<1x64xi32, #tpu.memory_space<vmem>> -> memref<64xi32, #tpu.memory_space<vmem>>
      %dma_wait3A_204 = arith.constant 0 : i32
      %dma_wait3A_205 = arith.constant 0 : i32
      %dma_wait3A_206 = tpu.memref_slice %arg2[%dma_wait3A_204, %dma_wait3A_205] : memref<10000x128xf32, #tpu.memory_space<hbm>> -> memref<10000x128xf32, #tpu.memory_space<hbm>>
      tpu.wait_indirect_dma semaphore(%arg14 : memref<!tpu.dma_semaphore, #tpu.memory_space<semaphore_mem>>) src(%dma_wait3A_206 : memref<10000x128xf32, #tpu.memory_space<hbm>>) dst(%arg9 : memref<64x128xf32, #tpu.memory_space<vmem>>)
      "tpu.region"() ({
        %run_scoped3A = tpu.sem_alloc : memref<!tpu.dma_semaphore, #tpu.memory_space<semaphore_mem>>
        %dma_start3A_265 = arith.constant 0 : i32
        %dma_start3A_266 = tpu.memref_slice %arg8[%add3A_201, %dma_start3A_265] : memref<40x64xi32, #tpu.memory_space<vmem>> -> memref<1x64xi32, #tpu.memory_space<vmem>>
        %dma_start3A_267 = tpu.memref_squeeze %dma_start3A_266 : memref<1x64xi32, #tpu.memory_space<vmem>> -> memref<64xi32, #tpu.memory_space<vmem>>
        %dma_start3A_268 = arith.constant 0 : i32
        %dma_start3A_269 = arith.constant 0 : i32
        %dma_start3A_270 = tpu.memref_slice %arg13[%dma_start3A_268, %dma_start3A_269] : memref<10240x128xf32, #tpu.memory_space<vmem_shared>> -> memref<10240x128xf32, #tpu.memory_space<vmem_shared>>
        tpu.enqueue_indirect_dma source(%arg9 : memref<64x128xf32, #tpu.memory_space<vmem>>) target(%dma_start3A_270 : memref<10240x128xf32, #tpu.memory_space<vmem_shared>>) offsets(%dma_start3A_267 : memref<64xi32, #tpu.memory_space<vmem>>) semaphore(%run_scoped3A : memref<!tpu.dma_semaphore, #tpu.memory_space<semaphore_mem>>) {add = true}
        %dma_wait3A_271 = arith.constant 0 : i32
        %dma_wait3A_272 = tpu.memref_slice %arg8[%add3A_201, %dma_wait3A_271] : memref<40x64xi32, #tpu.memory_space<vmem>> -> memref<1x64xi32, #tpu.memory_space<vmem>>
        %dma_wait3A_273 = tpu.memref_squeeze %dma_wait3A_272 : memref<1x64xi32, #tpu.memory_space<vmem>> -> memref<64xi32, #tpu.memory_space<vmem>>
        %dma_wait3A_274 = arith.constant 0 : i32
        %dma_wait3A_275 = arith.constant 0 : i32
        %dma_wait3A_276 = tpu.memref_slice %arg13[%dma_wait3A_274, %dma_wait3A_275] : memref<10240x128xf32, #tpu.memory_space<vmem_shared>> -> memref<10240x128xf32, #tpu.memory_space<vmem_shared>>
        tpu.wait_indirect_dma semaphore(%run_scoped3A : memref<!tpu.dma_semaphore, #tpu.memory_space<semaphore_mem>>) src(%arg9 : memref<64x128xf32, #tpu.memory_space<vmem>>) dst(%dma_wait3A_276 : memref<10240x128xf32, #tpu.memory_space<vmem_shared>>)
        tpu.yield
      }) : () -> ()
      %add3A_207 = arith.constant 4 : i32
      %add3A_208 = arith.addi %add3A_201, %add3A_207 : i32
      %lt3A = arith.constant 40 : i32
      %lt3A_209 = arith.cmpi slt, %add3A_208, %lt3A : i32
      %convert_element_type3A_210 = arith.extui %lt3A_209 : i1 to i32
      %cond3A_211 = arith.constant 0 : i32
      %cond3A_212 = arith.cmpi ne, %convert_element_type3A_210, %cond3A_211 : i32
      scf.if %cond3A_212 {
        %add3A_265 = arith.constant 4 : i32
        %add3A_266 = arith.addi %add3A_201, %add3A_265 : i32
        %dma_start3A_267 = arith.constant 0 : i32
        %dma_start3A_268 = tpu.memref_slice %arg7[%add3A_266, %dma_start3A_267] : memref<40x64xi32, #tpu.memory_space<vmem>> -> memref<1x64xi32, #tpu.memory_space<vmem>>
        %dma_start3A_269 = tpu.memref_squeeze %dma_start3A_268 : memref<1x64xi32, #tpu.memory_space<vmem>> -> memref<64xi32, #tpu.memory_space<vmem>>
        %dma_start3A_270 = arith.constant 0 : i32
        %dma_start3A_271 = arith.constant 0 : i32
        %dma_start3A_272 = tpu.memref_slice %arg2[%dma_start3A_270, %dma_start3A_271] : memref<10000x128xf32, #tpu.memory_space<hbm>> -> memref<10000x128xf32, #tpu.memory_space<hbm>>
        tpu.enqueue_indirect_dma source(%dma_start3A_272 : memref<10000x128xf32, #tpu.memory_space<hbm>>) target(%arg9 : memref<64x128xf32, #tpu.memory_space<vmem>>) offsets(%dma_start3A_269 : memref<64xi32, #tpu.memory_space<vmem>>) semaphore(%arg14 : memref<!tpu.dma_semaphore, #tpu.memory_space<semaphore_mem>>)
      } else {
      }
      %mul3A_213 = arith.constant 4 : i32
      %mul3A_214 = arith.muli %scan3A_196, %mul3A_213 : i32
      %add3A_215 = arith.constant 1 : i32
      %add3A_216 = arith.addi %mul3A_214, %add3A_215 : i32
      %dma_wait3A_217 = arith.constant 0 : i32
      %dma_wait3A_218 = tpu.memref_slice %arg7[%add3A_216, %dma_wait3A_217] : memref<40x64xi32, #tpu.memory_space<vmem>> -> memref<1x64xi32, #tpu.memory_space<vmem>>
      %dma_wait3A_219 = tpu.memref_squeeze %dma_wait3A_218 : memref<1x64xi32, #tpu.memory_space<vmem>> -> memref<64xi32, #tpu.memory_space<vmem>>
      %dma_wait3A_220 = arith.constant 0 : i32
      %dma_wait3A_221 = arith.constant 0 : i32
      %dma_wait3A_222 = tpu.memref_slice %arg2[%dma_wait3A_220, %dma_wait3A_221] : memref<10000x128xf32, #tpu.memory_space<hbm>> -> memref<10000x128xf32, #tpu.memory_space<hbm>>
      tpu.wait_indirect_dma semaphore(%arg15 : memref<!tpu.dma_semaphore, #tpu.memory_space<semaphore_mem>>) src(%dma_wait3A_222 : memref<10000x128xf32, #tpu.memory_space<hbm>>) dst(%arg10 : memref<64x128xf32, #tpu.memory_space<vmem>>)
      "tpu.region"() ({
        %run_scoped3A = tpu.sem_alloc : memref<!tpu.dma_semaphore, #tpu.memory_space<semaphore_mem>>
        %dma_start3A_265 = arith.constant 0 : i32
        %dma_start3A_266 = tpu.memref_slice %arg8[%add3A_216, %dma_start3A_265] : memref<40x64xi32, #tpu.memory_space<vmem>> -> memref<1x64xi32, #tpu.memory_space<vmem>>
        %dma_start3A_267 = tpu.memref_squeeze %dma_start3A_266 : memref<1x64xi32, #tpu.memory_space<vmem>> -> memref<64xi32, #tpu.memory_space<vmem>>
        %dma_start3A_268 = arith.constant 0 : i32
        %dma_start3A_269 = arith.constant 0 : i32
        %dma_start3A_270 = tpu.memref_slice %arg13[%dma_start3A_268, %dma_start3A_269] : memref<10240x128xf32, #tpu.memory_space<vmem_shared>> -> memref<10240x128xf32, #tpu.memory_space<vmem_shared>>
        tpu.enqueue_indirect_dma source(%arg10 : memref<64x128xf32, #tpu.memory_space<vmem>>) target(%dma_start3A_270 : memref<10240x128xf32, #tpu.memory_space<vmem_shared>>) offsets(%dma_start3A_267 : memref<64xi32, #tpu.memory_space<vmem>>) semaphore(%run_scoped3A : memref<!tpu.dma_semaphore, #tpu.memory_space<semaphore_mem>>) {add = true}
        %dma_wait3A_271 = arith.constant 0 : i32
        %dma_wait3A_272 = tpu.memref_slice %arg8[%add3A_216, %dma_wait3A_271] : memref<40x64xi32, #tpu.memory_space<vmem>> -> memref<1x64xi32, #tpu.memory_space<vmem>>
        %dma_wait3A_273 = tpu.memref_squeeze %dma_wait3A_272 : memref<1x64xi32, #tpu.memory_space<vmem>> -> memref<64xi32, #tpu.memory_space<vmem>>
        %dma_wait3A_274 = arith.constant 0 : i32
        %dma_wait3A_275 = arith.constant 0 : i32
        %dma_wait3A_276 = tpu.memref_slice %arg13[%dma_wait3A_274, %dma_wait3A_275] : memref<10240x128xf32, #tpu.memory_space<vmem_shared>> -> memref<10240x128xf32, #tpu.memory_space<vmem_shared>>
        tpu.wait_indirect_dma semaphore(%run_scoped3A : memref<!tpu.dma_semaphore, #tpu.memory_space<semaphore_mem>>) src(%arg10 : memref<64x128xf32, #tpu.memory_space<vmem>>) dst(%dma_wait3A_276 : memref<10240x128xf32, #tpu.memory_space<vmem_shared>>)
        tpu.yield
      }) : () -> ()
      %add3A_223 = arith.constant 4 : i32
      %add3A_224 = arith.addi %add3A_216, %add3A_223 : i32
      %lt3A_225 = arith.constant 40 : i32
      %lt3A_226 = arith.cmpi slt, %add3A_224, %lt3A_225 : i32
      %convert_element_type3A_227 = arith.extui %lt3A_226 : i1 to i32
      %cond3A_228 = arith.constant 0 : i32
      %cond3A_229 = arith.cmpi ne, %convert_element_type3A_227, %cond3A_228 : i32
      scf.if %cond3A_229 {
        %add3A_265 = arith.constant 4 : i32
        %add3A_266 = arith.addi %add3A_216, %add3A_265 : i32
        %dma_start3A_267 = arith.constant 0 : i32
        %dma_start3A_268 = tpu.memref_slice %arg7[%add3A_266, %dma_start3A_267] : memref<40x64xi32, #tpu.memory_space<vmem>> -> memref<1x64xi32, #tpu.memory_space<vmem>>
        %dma_start3A_269 = tpu.memref_squeeze %dma_start3A_268 : memref<1x64xi32, #tpu.memory_space<vmem>> -> memref<64xi32, #tpu.memory_space<vmem>>
        %dma_start3A_270 = arith.constant 0 : i32
        %dma_start3A_271 = arith.constant 0 : i32
        %dma_start3A_272 = tpu.memref_slice %arg2[%dma_start3A_270, %dma_start3A_271] : memref<10000x128xf32, #tpu.memory_space<hbm>> -> memref<10000x128xf32, #tpu.memory_space<hbm>>
        tpu.enqueue_indirect_dma source(%dma_start3A_272 : memref<10000x128xf32, #tpu.memory_space<hbm>>) target(%arg10 : memref<64x128xf32, #tpu.memory_space<vmem>>) offsets(%dma_start3A_269 : memref<64xi32, #tpu.memory_space<vmem>>) semaphore(%arg15 : memref<!tpu.dma_semaphore, #tpu.memory_space<semaphore_mem>>)
      } else {
      }
      %mul3A_230 = arith.constant 4 : i32
      %mul3A_231 = arith.muli %scan3A_196, %mul3A_230 : i32
      %add3A_232 = arith.constant 2 : i32
      %add3A_233 = arith.addi %mul3A_231, %add3A_232 : i32
      %dma_wait3A_234 = arith.constant 0 : i32
      %dma_wait3A_235 = tpu.memref_slice %arg7[%add3A_233, %dma_wait3A_234] : memref<40x64xi32, #tpu.memory_space<vmem>> -> memref<1x64xi32, #tpu.memory_space<vmem>>
      %dma_wait3A_236 = tpu.memref_squeeze %dma_wait3A_235 : memref<1x64xi32, #tpu.memory_space<vmem>> -> memref<64xi32, #tpu.memory_space<vmem>>
      %dma_wait3A_237 = arith.constant 0 : i32
      %dma_wait3A_238 = arith.constant 0 : i32
      %dma_wait3A_239 = tpu.memref_slice %arg2[%dma_wait3A_237, %dma_wait3A_238] : memref<10000x128xf32, #tpu.memory_space<hbm>> -> memref<10000x128xf32, #tpu.memory_space<hbm>>
      tpu.wait_indirect_dma semaphore(%arg16 : memref<!tpu.dma_semaphore, #tpu.memory_space<semaphore_mem>>) src(%dma_wait3A_239 : memref<10000x128xf32, #tpu.memory_space<hbm>>) dst(%arg11 : memref<64x128xf32, #tpu.memory_space<vmem>>)
      "tpu.region"() ({
        %run_scoped3A = tpu.sem_alloc : memref<!tpu.dma_semaphore, #tpu.memory_space<semaphore_mem>>
        %dma_start3A_265 = arith.constant 0 : i32
        %dma_start3A_266 = tpu.memref_slice %arg8[%add3A_233, %dma_start3A_265] : memref<40x64xi32, #tpu.memory_space<vmem>> -> memref<1x64xi32, #tpu.memory_space<vmem>>
        %dma_start3A_267 = tpu.memref_squeeze %dma_start3A_266 : memref<1x64xi32, #tpu.memory_space<vmem>> -> memref<64xi32, #tpu.memory_space<vmem>>
        %dma_start3A_268 = arith.constant 0 : i32
        %dma_start3A_269 = arith.constant 0 : i32
        %dma_start3A_270 = tpu.memref_slice %arg13[%dma_start3A_268, %dma_start3A_269] : memref<10240x128xf32, #tpu.memory_space<vmem_shared>> -> memref<10240x128xf32, #tpu.memory_space<vmem_shared>>
        tpu.enqueue_indirect_dma source(%arg11 : memref<64x128xf32, #tpu.memory_space<vmem>>) target(%dma_start3A_270 : memref<10240x128xf32, #tpu.memory_space<vmem_shared>>) offsets(%dma_start3A_267 : memref<64xi32, #tpu.memory_space<vmem>>) semaphore(%run_scoped3A : memref<!tpu.dma_semaphore, #tpu.memory_space<semaphore_mem>>) {add = true}
        %dma_wait3A_271 = arith.constant 0 : i32
        %dma_wait3A_272 = tpu.memref_slice %arg8[%add3A_233, %dma_wait3A_271] : memref<40x64xi32, #tpu.memory_space<vmem>> -> memref<1x64xi32, #tpu.memory_space<vmem>>
        %dma_wait3A_273 = tpu.memref_squeeze %dma_wait3A_272 : memref<1x64xi32, #tpu.memory_space<vmem>> -> memref<64xi32, #tpu.memory_space<vmem>>
        %dma_wait3A_274 = arith.constant 0 : i32
        %dma_wait3A_275 = arith.constant 0 : i32
        %dma_wait3A_276 = tpu.memref_slice %arg13[%dma_wait3A_274, %dma_wait3A_275] : memref<10240x128xf32, #tpu.memory_space<vmem_shared>> -> memref<10240x128xf32, #tpu.memory_space<vmem_shared>>
        tpu.wait_indirect_dma semaphore(%run_scoped3A : memref<!tpu.dma_semaphore, #tpu.memory_space<semaphore_mem>>) src(%arg11 : memref<64x128xf32, #tpu.memory_space<vmem>>) dst(%dma_wait3A_276 : memref<10240x128xf32, #tpu.memory_space<vmem_shared>>)
        tpu.yield
      }) : () -> ()
      %add3A_240 = arith.constant 4 : i32
      %add3A_241 = arith.addi %add3A_233, %add3A_240 : i32
      %lt3A_242 = arith.constant 40 : i32
      %lt3A_243 = arith.cmpi slt, %add3A_241, %lt3A_242 : i32
      %convert_element_type3A_244 = arith.extui %lt3A_243 : i1 to i32
      %cond3A_245 = arith.constant 0 : i32
      %cond3A_246 = arith.cmpi ne, %convert_element_type3A_244, %cond3A_245 : i32
      scf.if %cond3A_246 {
        %add3A_265 = arith.constant 4 : i32
        %add3A_266 = arith.addi %add3A_233, %add3A_265 : i32
        %dma_start3A_267 = arith.constant 0 : i32
        %dma_start3A_268 = tpu.memref_slice %arg7[%add3A_266, %dma_start3A_267] : memref<40x64xi32, #tpu.memory_space<vmem>> -> memref<1x64xi32, #tpu.memory_space<vmem>>
        %dma_start3A_269 = tpu.memref_squeeze %dma_start3A_268 : memref<1x64xi32, #tpu.memory_space<vmem>> -> memref<64xi32, #tpu.memory_space<vmem>>
        %dma_start3A_270 = arith.constant 0 : i32
        %dma_start3A_271 = arith.constant 0 : i32
        %dma_start3A_272 = tpu.memref_slice %arg2[%dma_start3A_270, %dma_start3A_271] : memref<10000x128xf32, #tpu.memory_space<hbm>> -> memref<10000x128xf32, #tpu.memory_space<hbm>>
        tpu.enqueue_indirect_dma source(%dma_start3A_272 : memref<10000x128xf32, #tpu.memory_space<hbm>>) target(%arg11 : memref<64x128xf32, #tpu.memory_space<vmem>>) offsets(%dma_start3A_269 : memref<64xi32, #tpu.memory_space<vmem>>) semaphore(%arg16 : memref<!tpu.dma_semaphore, #tpu.memory_space<semaphore_mem>>)
      } else {
      }
      %mul3A_247 = arith.constant 4 : i32
      %mul3A_248 = arith.muli %scan3A_196, %mul3A_247 : i32
      %add3A_249 = arith.constant 3 : i32
      %add3A_250 = arith.addi %mul3A_248, %add3A_249 : i32
      %dma_wait3A_251 = arith.constant 0 : i32
      %dma_wait3A_252 = tpu.memref_slice %arg7[%add3A_250, %dma_wait3A_251] : memref<40x64xi32, #tpu.memory_space<vmem>> -> memref<1x64xi32, #tpu.memory_space<vmem>>
      %dma_wait3A_253 = tpu.memref_squeeze %dma_wait3A_252 : memref<1x64xi32, #tpu.memory_space<vmem>> -> memref<64xi32, #tpu.memory_space<vmem>>
      %dma_wait3A_254 = arith.constant 0 : i32
      %dma_wait3A_255 = arith.constant 0 : i32
      %dma_wait3A_256 = tpu.memref_slice %arg2[%dma_wait3A_254, %dma_wait3A_255] : memref<10000x128xf32, #tpu.memory_space<hbm>> -> memref<10000x128xf32, #tpu.memory_space<hbm>>
      tpu.wait_indirect_dma semaphore(%arg17 : memref<!tpu.dma_semaphore, #tpu.memory_space<semaphore_mem>>) src(%dma_wait3A_256 : memref<10000x128xf32, #tpu.memory_space<hbm>>) dst(%arg12 : memref<64x128xf32, #tpu.memory_space<vmem>>)
      "tpu.region"() ({
        %run_scoped3A = tpu.sem_alloc : memref<!tpu.dma_semaphore, #tpu.memory_space<semaphore_mem>>
        %dma_start3A_265 = arith.constant 0 : i32
        %dma_start3A_266 = tpu.memref_slice %arg8[%add3A_250, %dma_start3A_265] : memref<40x64xi32, #tpu.memory_space<vmem>> -> memref<1x64xi32, #tpu.memory_space<vmem>>
        %dma_start3A_267 = tpu.memref_squeeze %dma_start3A_266 : memref<1x64xi32, #tpu.memory_space<vmem>> -> memref<64xi32, #tpu.memory_space<vmem>>
        %dma_start3A_268 = arith.constant 0 : i32
        %dma_start3A_269 = arith.constant 0 : i32
        %dma_start3A_270 = tpu.memref_slice %arg13[%dma_start3A_268, %dma_start3A_269] : memref<10240x128xf32, #tpu.memory_space<vmem_shared>> -> memref<10240x128xf32, #tpu.memory_space<vmem_shared>>
        tpu.enqueue_indirect_dma source(%arg12 : memref<64x128xf32, #tpu.memory_space<vmem>>) target(%dma_start3A_270 : memref<10240x128xf32, #tpu.memory_space<vmem_shared>>) offsets(%dma_start3A_267 : memref<64xi32, #tpu.memory_space<vmem>>) semaphore(%run_scoped3A : memref<!tpu.dma_semaphore, #tpu.memory_space<semaphore_mem>>) {add = true}
        %dma_wait3A_271 = arith.constant 0 : i32
        %dma_wait3A_272 = tpu.memref_slice %arg8[%add3A_250, %dma_wait3A_271] : memref<40x64xi32, #tpu.memory_space<vmem>> -> memref<1x64xi32, #tpu.memory_space<vmem>>
        %dma_wait3A_273 = tpu.memref_squeeze %dma_wait3A_272 : memref<1x64xi32, #tpu.memory_space<vmem>> -> memref<64xi32, #tpu.memory_space<vmem>>
        %dma_wait3A_274 = arith.constant 0 : i32
        %dma_wait3A_275 = arith.constant 0 : i32
        %dma_wait3A_276 = tpu.memref_slice %arg13[%dma_wait3A_274, %dma_wait3A_275] : memref<10240x128xf32, #tpu.memory_space<vmem_shared>> -> memref<10240x128xf32, #tpu.memory_space<vmem_shared>>
        tpu.wait_indirect_dma semaphore(%run_scoped3A : memref<!tpu.dma_semaphore, #tpu.memory_space<semaphore_mem>>) src(%arg12 : memref<64x128xf32, #tpu.memory_space<vmem>>) dst(%dma_wait3A_276 : memref<10240x128xf32, #tpu.memory_space<vmem_shared>>)
        tpu.yield
      }) : () -> ()
      %add3A_257 = arith.constant 4 : i32
      %add3A_258 = arith.addi %add3A_250, %add3A_257 : i32
      %lt3A_259 = arith.constant 40 : i32
      %lt3A_260 = arith.cmpi slt, %add3A_258, %lt3A_259 : i32
      %convert_element_type3A_261 = arith.extui %lt3A_260 : i1 to i32
      %cond3A_262 = arith.constant 0 : i32
      %cond3A_263 = arith.cmpi ne, %convert_element_type3A_261, %cond3A_262 : i32
      scf.if %cond3A_263 {
        %add3A_265 = arith.constant 4 : i32
        %add3A_266 = arith.addi %add3A_250, %add3A_265 : i32
        %dma_start3A_267 = arith.constant 0 : i32
        %dma_start3A_268 = tpu.memref_slice %arg7[%add3A_266, %dma_start3A_267] : memref<40x64xi32, #tpu.memory_space<vmem>> -> memref<1x64xi32, #tpu.memory_space<vmem>>
        %dma_start3A_269 = tpu.memref_squeeze %dma_start3A_268 : memref<1x64xi32, #tpu.memory_space<vmem>> -> memref<64xi32, #tpu.memory_space<vmem>>
        %dma_start3A_270 = arith.constant 0 : i32
        %dma_start3A_271 = arith.constant 0 : i32
        %dma_start3A_272 = tpu.memref_slice %arg2[%dma_start3A_270, %dma_start3A_271] : memref<10000x128xf32, #tpu.memory_space<hbm>> -> memref<10000x128xf32, #tpu.memory_space<hbm>>
        tpu.enqueue_indirect_dma source(%dma_start3A_272 : memref<10000x128xf32, #tpu.memory_space<hbm>>) target(%arg12 : memref<64x128xf32, #tpu.memory_space<vmem>>) offsets(%dma_start3A_269 : memref<64xi32, #tpu.memory_space<vmem>>) semaphore(%arg17 : memref<!tpu.dma_semaphore, #tpu.memory_space<semaphore_mem>>)
      } else {
      }
      %scan3A_264 = arith.constant 0 : i32
      scf.yield %scan3A_264 : i32
    }
    %scan3A_150 = arith.constant 10 : i32
    "tpu.region"() ({
      %run_scoped3A = tpu.sem_alloc : memref<!tpu.dma_semaphore, #tpu.memory_space<semaphore_mem>>
      %dma_start3A_196 = arith.constant 120 : i32
      %dma_start3A_197 = arith.constant 0 : i32
      %dma_start3A_198 = tpu.memref_slice %arg3[%add3A, %dma_start3A_196, %dma_start3A_197] : memref<32x160x64xi32, #tpu.memory_space<hbm>> -> memref<1x40x64xi32, #tpu.memory_space<hbm>>
      %dma_start3A_199 = tpu.memref_squeeze %dma_start3A_198 : memref<1x40x64xi32, #tpu.memory_space<hbm>> -> memref<40x64xi32, #tpu.memory_space<hbm>>
      %dma_start3A_200 = arith.constant 120 : i32
      %dma_start3A_201 = arith.constant 0 : i32
      %dma_start3A_202 = tpu.memref_slice %arg3[%add3A, %dma_start3A_200, %dma_start3A_201] : memref<32x160x64xi32, #tpu.memory_space<hbm>> -> memref<1x40x64xi32, #tpu.memory_space<hbm>>
      %dma_start3A_203 = tpu.memref_squeeze %dma_start3A_202 : memref<1x40x64xi32, #tpu.memory_space<hbm>> -> memref<40x64xi32, #tpu.memory_space<hbm>>
      tpu.enqueue_dma source(%dma_start3A_203 : memref<40x64xi32, #tpu.memory_space<hbm>>) target(%arg7 : memref<40x64xi32, #tpu.memory_space<vmem>>) target_semaphore(%run_scoped3A : memref<!tpu.dma_semaphore, #tpu.memory_space<semaphore_mem>>)
      %dma_wait3A = arith.constant 120 : i32
      %dma_wait3A_204 = arith.constant 0 : i32
      %dma_wait3A_205 = tpu.memref_slice %arg3[%add3A, %dma_wait3A, %dma_wait3A_204] : memref<32x160x64xi32, #tpu.memory_space<hbm>> -> memref<1x40x64xi32, #tpu.memory_space<hbm>>
      %dma_wait3A_206 = tpu.memref_squeeze %dma_wait3A_205 : memref<1x40x64xi32, #tpu.memory_space<hbm>> -> memref<40x64xi32, #tpu.memory_space<hbm>>
      %dma_wait3A_207 = arith.constant 120 : i32
      %dma_wait3A_208 = arith.constant 0 : i32
      %dma_wait3A_209 = tpu.memref_slice %arg3[%add3A, %dma_wait3A_207, %dma_wait3A_208] : memref<32x160x64xi32, #tpu.memory_space<hbm>> -> memref<1x40x64xi32, #tpu.memory_space<hbm>>
      %dma_wait3A_210 = tpu.memref_squeeze %dma_wait3A_209 : memref<1x40x64xi32, #tpu.memory_space<hbm>> -> memref<40x64xi32, #tpu.memory_space<hbm>>
      tpu.wait_dma2 semaphore(%run_scoped3A : memref<!tpu.dma_semaphore, #tpu.memory_space<semaphore_mem>>) src(%dma_wait3A_210 : memref<40x64xi32, #tpu.memory_space<hbm>>) dst(%arg7 : memref<40x64xi32, #tpu.memory_space<vmem>>)
      tpu.yield
    }) : () -> ()
    "tpu.region"() ({
      %run_scoped3A = tpu.sem_alloc : memref<!tpu.dma_semaphore, #tpu.memory_space<semaphore_mem>>
      %dma_start3A_196 = arith.constant 120 : i32
      %dma_start3A_197 = arith.constant 0 : i32
      %dma_start3A_198 = tpu.memref_slice %arg4[%add3A, %dma_start3A_196, %dma_start3A_197] : memref<32x160x64xi32, #tpu.memory_space<hbm>> -> memref<1x40x64xi32, #tpu.memory_space<hbm>>
      %dma_start3A_199 = tpu.memref_squeeze %dma_start3A_198 : memref<1x40x64xi32, #tpu.memory_space<hbm>> -> memref<40x64xi32, #tpu.memory_space<hbm>>
      %dma_start3A_200 = arith.constant 120 : i32
      %dma_start3A_201 = arith.constant 0 : i32
      %dma_start3A_202 = tpu.memref_slice %arg4[%add3A, %dma_start3A_200, %dma_start3A_201] : memref<32x160x64xi32, #tpu.memory_space<hbm>> -> memref<1x40x64xi32, #tpu.memory_space<hbm>>
      %dma_start3A_203 = tpu.memref_squeeze %dma_start3A_202 : memref<1x40x64xi32, #tpu.memory_space<hbm>> -> memref<40x64xi32, #tpu.memory_space<hbm>>
      tpu.enqueue_dma source(%dma_start3A_203 : memref<40x64xi32, #tpu.memory_space<hbm>>) target(%arg8 : memref<40x64xi32, #tpu.memory_space<vmem>>) target_semaphore(%run_scoped3A : memref<!tpu.dma_semaphore, #tpu.memory_space<semaphore_mem>>)
      %dma_wait3A = arith.constant 120 : i32
      %dma_wait3A_204 = arith.constant 0 : i32
      %dma_wait3A_205 = tpu.memref_slice %arg4[%add3A, %dma_wait3A, %dma_wait3A_204] : memref<32x160x64xi32, #tpu.memory_space<hbm>> -> memref<1x40x64xi32, #tpu.memory_space<hbm>>
      %dma_wait3A_206 = tpu.memref_squeeze %dma_wait3A_205 : memref<1x40x64xi32, #tpu.memory_space<hbm>> -> memref<40x64xi32, #tpu.memory_space<hbm>>
      %dma_wait3A_207 = arith.constant 120 : i32
      %dma_wait3A_208 = arith.constant 0 : i32
      %dma_wait3A_209 = tpu.memref_slice %arg4[%add3A, %dma_wait3A_207, %dma_wait3A_208] : memref<32x160x64xi32, #tpu.memory_space<hbm>> -> memref<1x40x64xi32, #tpu.memory_space<hbm>>
      %dma_wait3A_210 = tpu.memref_squeeze %dma_wait3A_209 : memref<1x40x64xi32, #tpu.memory_space<hbm>> -> memref<40x64xi32, #tpu.memory_space<hbm>>
      tpu.wait_dma2 semaphore(%run_scoped3A : memref<!tpu.dma_semaphore, #tpu.memory_space<semaphore_mem>>) src(%dma_wait3A_210 : memref<40x64xi32, #tpu.memory_space<hbm>>) dst(%arg8 : memref<40x64xi32, #tpu.memory_space<vmem>>)
      tpu.yield
    }) : () -> ()
    %dma_start3A_151 = arith.constant 0 : i32
    %dma_start3A_152 = arith.constant 0 : i32
    %dma_start3A_153 = tpu.memref_slice %arg7[%dma_start3A_151, %dma_start3A_152] : memref<40x64xi32, #tpu.memory_space<vmem>> -> memref<1x64xi32, #tpu.memory_space<vmem>>
    %dma_start3A_154 = tpu.memref_squeeze %dma_start3A_153 : memref<1x64xi32, #tpu.memory_space<vmem>> -> memref<64xi32, #tpu.memory_space<vmem>>
    %dma_start3A_155 = arith.constant 0 : i32
    %dma_start3A_156 = arith.constant 0 : i32
    %dma_start3A_157 = tpu.memref_slice %arg2[%dma_start3A_155, %dma_start3A_156] : memref<10000x128xf32, #tpu.memory_space<hbm>> -> memref<10000x128xf32, #tpu.memory_space<hbm>>
    tpu.enqueue_indirect_dma source(%dma_start3A_157 : memref<10000x128xf32, #tpu.memory_space<hbm>>) target(%arg9 : memref<64x128xf32, #tpu.memory_space<vmem>>) offsets(%dma_start3A_154 : memref<64xi32, #tpu.memory_space<vmem>>) semaphore(%arg14 : memref<!tpu.dma_semaphore, #tpu.memory_space<semaphore_mem>>)
    %dma_start3A_158 = arith.constant 1 : i32
    %dma_start3A_159 = arith.constant 0 : i32
    %dma_start3A_160 = tpu.memref_slice %arg7[%dma_start3A_158, %dma_start3A_159] : memref<40x64xi32, #tpu.memory_space<vmem>> -> memref<1x64xi32, #tpu.memory_space<vmem>>
    %dma_start3A_161 = tpu.memref_squeeze %dma_start3A_160 : memref<1x64xi32, #tpu.memory_space<vmem>> -> memref<64xi32, #tpu.memory_space<vmem>>
    %dma_start3A_162 = arith.constant 0 : i32
    %dma_start3A_163 = arith.constant 0 : i32
    %dma_start3A_164 = tpu.memref_slice %arg2[%dma_start3A_162, %dma_start3A_163] : memref<10000x128xf32, #tpu.memory_space<hbm>> -> memref<10000x128xf32, #tpu.memory_space<hbm>>
    tpu.enqueue_indirect_dma source(%dma_start3A_164 : memref<10000x128xf32, #tpu.memory_space<hbm>>) target(%arg10 : memref<64x128xf32, #tpu.memory_space<vmem>>) offsets(%dma_start3A_161 : memref<64xi32, #tpu.memory_space<vmem>>) semaphore(%arg15 : memref<!tpu.dma_semaphore, #tpu.memory_space<semaphore_mem>>)
    %dma_start3A_165 = arith.constant 2 : i32
    %dma_start3A_166 = arith.constant 0 : i32
    %dma_start3A_167 = tpu.memref_slice %arg7[%dma_start3A_165, %dma_start3A_166] : memref<40x64xi32, #tpu.memory_space<vmem>> -> memref<1x64xi32, #tpu.memory_space<vmem>>
    %dma_start3A_168 = tpu.memref_squeeze %dma_start3A_167 : memref<1x64xi32, #tpu.memory_space<vmem>> -> memref<64xi32, #tpu.memory_space<vmem>>
    %dma_start3A_169 = arith.constant 0 : i32
    %dma_start3A_170 = arith.constant 0 : i32
    %dma_start3A_171 = tpu.memref_slice %arg2[%dma_start3A_169, %dma_start3A_170] : memref<10000x128xf32, #tpu.memory_space<hbm>> -> memref<10000x128xf32, #tpu.memory_space<hbm>>
    tpu.enqueue_indirect_dma source(%dma_start3A_171 : memref<10000x128xf32, #tpu.memory_space<hbm>>) target(%arg11 : memref<64x128xf32, #tpu.memory_space<vmem>>) offsets(%dma_start3A_168 : memref<64xi32, #tpu.memory_space<vmem>>) semaphore(%arg16 : memref<!tpu.dma_semaphore, #tpu.memory_space<semaphore_mem>>)
    %dma_start3A_172 = arith.constant 3 : i32
    %dma_start3A_173 = arith.constant 0 : i32
    %dma_start3A_174 = tpu.memref_slice %arg7[%dma_start3A_172, %dma_start3A_173] : memref<40x64xi32, #tpu.memory_space<vmem>> -> memref<1x64xi32, #tpu.memory_space<vmem>>
    %dma_start3A_175 = tpu.memref_squeeze %dma_start3A_174 : memref<1x64xi32, #tpu.memory_space<vmem>> -> memref<64xi32, #tpu.memory_space<vmem>>
    %dma_start3A_176 = arith.constant 0 : i32
    %dma_start3A_177 = arith.constant 0 : i32
    %dma_start3A_178 = tpu.memref_slice %arg2[%dma_start3A_176, %dma_start3A_177] : memref<10000x128xf32, #tpu.memory_space<hbm>> -> memref<10000x128xf32, #tpu.memory_space<hbm>>
    tpu.enqueue_indirect_dma source(%dma_start3A_178 : memref<10000x128xf32, #tpu.memory_space<hbm>>) target(%arg12 : memref<64x128xf32, #tpu.memory_space<vmem>>) offsets(%dma_start3A_175 : memref<64xi32, #tpu.memory_space<vmem>>) semaphore(%arg17 : memref<!tpu.dma_semaphore, #tpu.memory_space<semaphore_mem>>)
    %scan3A_179 = arith.constant 0 : i32
    %scan3A_180 = arith.constant 0 : i32
    %scan3A_181 = arith.constant 10 : i32
    %scan3A_182 = arith.addi %scan3A_180, %scan3A_181 : i32
    %scan3A_183 = arith.constant 1 : i32
    %scan3A_184 = scf.for %scan3A_196 = %scan3A_180 to %scan3A_182 step %scan3A_183 iter_args(%scan3A_197 = %scan3A_179) -> (i32)  : i32 {
      %mul3A_198 = arith.constant 4 : i32
      %mul3A_199 = arith.muli %scan3A_196, %mul3A_198 : i32
      %add3A_200 = arith.constant 0 : i32
      %add3A_201 = arith.addi %mul3A_199, %add3A_200 : i32
      %dma_wait3A = arith.constant 0 : i32
      %dma_wait3A_202 = tpu.memref_slice %arg7[%add3A_201, %dma_wait3A] : memref<40x64xi32, #tpu.memory_space<vmem>> -> memref<1x64xi32, #tpu.memory_space<vmem>>
      %dma_wait3A_203 = tpu.memref_squeeze %dma_wait3A_202 : memref<1x64xi32, #tpu.memory_space<vmem>> -> memref<64xi32, #tpu.memory_space<vmem>>
      %dma_wait3A_204 = arith.constant 0 : i32
      %dma_wait3A_205 = arith.constant 0 : i32
      %dma_wait3A_206 = tpu.memref_slice %arg2[%dma_wait3A_204, %dma_wait3A_205] : memref<10000x128xf32, #tpu.memory_space<hbm>> -> memref<10000x128xf32, #tpu.memory_space<hbm>>
      tpu.wait_indirect_dma semaphore(%arg14 : memref<!tpu.dma_semaphore, #tpu.memory_space<semaphore_mem>>) src(%dma_wait3A_206 : memref<10000x128xf32, #tpu.memory_space<hbm>>) dst(%arg9 : memref<64x128xf32, #tpu.memory_space<vmem>>)
      "tpu.region"() ({
        %run_scoped3A = tpu.sem_alloc : memref<!tpu.dma_semaphore, #tpu.memory_space<semaphore_mem>>
        %dma_start3A_265 = arith.constant 0 : i32
        %dma_start3A_266 = tpu.memref_slice %arg8[%add3A_201, %dma_start3A_265] : memref<40x64xi32, #tpu.memory_space<vmem>> -> memref<1x64xi32, #tpu.memory_space<vmem>>
        %dma_start3A_267 = tpu.memref_squeeze %dma_start3A_266 : memref<1x64xi32, #tpu.memory_space<vmem>> -> memref<64xi32, #tpu.memory_space<vmem>>
        %dma_start3A_268 = arith.constant 0 : i32
        %dma_start3A_269 = arith.constant 0 : i32
        %dma_start3A_270 = tpu.memref_slice %arg13[%dma_start3A_268, %dma_start3A_269] : memref<10240x128xf32, #tpu.memory_space<vmem_shared>> -> memref<10240x128xf32, #tpu.memory_space<vmem_shared>>
        tpu.enqueue_indirect_dma source(%arg9 : memref<64x128xf32, #tpu.memory_space<vmem>>) target(%dma_start3A_270 : memref<10240x128xf32, #tpu.memory_space<vmem_shared>>) offsets(%dma_start3A_267 : memref<64xi32, #tpu.memory_space<vmem>>) semaphore(%run_scoped3A : memref<!tpu.dma_semaphore, #tpu.memory_space<semaphore_mem>>) {add = true}
        %dma_wait3A_271 = arith.constant 0 : i32
        %dma_wait3A_272 = tpu.memref_slice %arg8[%add3A_201, %dma_wait3A_271] : memref<40x64xi32, #tpu.memory_space<vmem>> -> memref<1x64xi32, #tpu.memory_space<vmem>>
        %dma_wait3A_273 = tpu.memref_squeeze %dma_wait3A_272 : memref<1x64xi32, #tpu.memory_space<vmem>> -> memref<64xi32, #tpu.memory_space<vmem>>
        %dma_wait3A_274 = arith.constant 0 : i32
        %dma_wait3A_275 = arith.constant 0 : i32
        %dma_wait3A_276 = tpu.memref_slice %arg13[%dma_wait3A_274, %dma_wait3A_275] : memref<10240x128xf32, #tpu.memory_space<vmem_shared>> -> memref<10240x128xf32, #tpu.memory_space<vmem_shared>>
        tpu.wait_indirect_dma semaphore(%run_scoped3A : memref<!tpu.dma_semaphore, #tpu.memory_space<semaphore_mem>>) src(%arg9 : memref<64x128xf32, #tpu.memory_space<vmem>>) dst(%dma_wait3A_276 : memref<10240x128xf32, #tpu.memory_space<vmem_shared>>)
        tpu.yield
      }) : () -> ()
      %add3A_207 = arith.constant 4 : i32
      %add3A_208 = arith.addi %add3A_201, %add3A_207 : i32
      %lt3A = arith.constant 40 : i32
      %lt3A_209 = arith.cmpi slt, %add3A_208, %lt3A : i32
      %convert_element_type3A_210 = arith.extui %lt3A_209 : i1 to i32
      %cond3A_211 = arith.constant 0 : i32
      %cond3A_212 = arith.cmpi ne, %convert_element_type3A_210, %cond3A_211 : i32
      scf.if %cond3A_212 {
        %add3A_265 = arith.constant 4 : i32
        %add3A_266 = arith.addi %add3A_201, %add3A_265 : i32
        %dma_start3A_267 = arith.constant 0 : i32
        %dma_start3A_268 = tpu.memref_slice %arg7[%add3A_266, %dma_start3A_267] : memref<40x64xi32, #tpu.memory_space<vmem>> -> memref<1x64xi32, #tpu.memory_space<vmem>>
        %dma_start3A_269 = tpu.memref_squeeze %dma_start3A_268 : memref<1x64xi32, #tpu.memory_space<vmem>> -> memref<64xi32, #tpu.memory_space<vmem>>
        %dma_start3A_270 = arith.constant 0 : i32
        %dma_start3A_271 = arith.constant 0 : i32
        %dma_start3A_272 = tpu.memref_slice %arg2[%dma_start3A_270, %dma_start3A_271] : memref<10000x128xf32, #tpu.memory_space<hbm>> -> memref<10000x128xf32, #tpu.memory_space<hbm>>
        tpu.enqueue_indirect_dma source(%dma_start3A_272 : memref<10000x128xf32, #tpu.memory_space<hbm>>) target(%arg9 : memref<64x128xf32, #tpu.memory_space<vmem>>) offsets(%dma_start3A_269 : memref<64xi32, #tpu.memory_space<vmem>>) semaphore(%arg14 : memref<!tpu.dma_semaphore, #tpu.memory_space<semaphore_mem>>)
      } else {
      }
      %mul3A_213 = arith.constant 4 : i32
      %mul3A_214 = arith.muli %scan3A_196, %mul3A_213 : i32
      %add3A_215 = arith.constant 1 : i32
      %add3A_216 = arith.addi %mul3A_214, %add3A_215 : i32
      %dma_wait3A_217 = arith.constant 0 : i32
      %dma_wait3A_218 = tpu.memref_slice %arg7[%add3A_216, %dma_wait3A_217] : memref<40x64xi32, #tpu.memory_space<vmem>> -> memref<1x64xi32, #tpu.memory_space<vmem>>
      %dma_wait3A_219 = tpu.memref_squeeze %dma_wait3A_218 : memref<1x64xi32, #tpu.memory_space<vmem>> -> memref<64xi32, #tpu.memory_space<vmem>>
      %dma_wait3A_220 = arith.constant 0 : i32
      %dma_wait3A_221 = arith.constant 0 : i32
      %dma_wait3A_222 = tpu.memref_slice %arg2[%dma_wait3A_220, %dma_wait3A_221] : memref<10000x128xf32, #tpu.memory_space<hbm>> -> memref<10000x128xf32, #tpu.memory_space<hbm>>
      tpu.wait_indirect_dma semaphore(%arg15 : memref<!tpu.dma_semaphore, #tpu.memory_space<semaphore_mem>>) src(%dma_wait3A_222 : memref<10000x128xf32, #tpu.memory_space<hbm>>) dst(%arg10 : memref<64x128xf32, #tpu.memory_space<vmem>>)
      "tpu.region"() ({
        %run_scoped3A = tpu.sem_alloc : memref<!tpu.dma_semaphore, #tpu.memory_space<semaphore_mem>>
        %dma_start3A_265 = arith.constant 0 : i32
        %dma_start3A_266 = tpu.memref_slice %arg8[%add3A_216, %dma_start3A_265] : memref<40x64xi32, #tpu.memory_space<vmem>> -> memref<1x64xi32, #tpu.memory_space<vmem>>
        %dma_start3A_267 = tpu.memref_squeeze %dma_start3A_266 : memref<1x64xi32, #tpu.memory_space<vmem>> -> memref<64xi32, #tpu.memory_space<vmem>>
        %dma_start3A_268 = arith.constant 0 : i32
        %dma_start3A_269 = arith.constant 0 : i32
        %dma_start3A_270 = tpu.memref_slice %arg13[%dma_start3A_268, %dma_start3A_269] : memref<10240x128xf32, #tpu.memory_space<vmem_shared>> -> memref<10240x128xf32, #tpu.memory_space<vmem_shared>>
        tpu.enqueue_indirect_dma source(%arg10 : memref<64x128xf32, #tpu.memory_space<vmem>>) target(%dma_start3A_270 : memref<10240x128xf32, #tpu.memory_space<vmem_shared>>) offsets(%dma_start3A_267 : memref<64xi32, #tpu.memory_space<vmem>>) semaphore(%run_scoped3A : memref<!tpu.dma_semaphore, #tpu.memory_space<semaphore_mem>>) {add = true}
        %dma_wait3A_271 = arith.constant 0 : i32
        %dma_wait3A_272 = tpu.memref_slice %arg8[%add3A_216, %dma_wait3A_271] : memref<40x64xi32, #tpu.memory_space<vmem>> -> memref<1x64xi32, #tpu.memory_space<vmem>>
        %dma_wait3A_273 = tpu.memref_squeeze %dma_wait3A_272 : memref<1x64xi32, #tpu.memory_space<vmem>> -> memref<64xi32, #tpu.memory_space<vmem>>
        %dma_wait3A_274 = arith.constant 0 : i32
        %dma_wait3A_275 = arith.constant 0 : i32
        %dma_wait3A_276 = tpu.memref_slice %arg13[%dma_wait3A_274, %dma_wait3A_275] : memref<10240x128xf32, #tpu.memory_space<vmem_shared>> -> memref<10240x128xf32, #tpu.memory_space<vmem_shared>>
        tpu.wait_indirect_dma semaphore(%run_scoped3A : memref<!tpu.dma_semaphore, #tpu.memory_space<semaphore_mem>>) src(%arg10 : memref<64x128xf32, #tpu.memory_space<vmem>>) dst(%dma_wait3A_276 : memref<10240x128xf32, #tpu.memory_space<vmem_shared>>)
        tpu.yield
      }) : () -> ()
      %add3A_223 = arith.constant 4 : i32
      %add3A_224 = arith.addi %add3A_216, %add3A_223 : i32
      %lt3A_225 = arith.constant 40 : i32
      %lt3A_226 = arith.cmpi slt, %add3A_224, %lt3A_225 : i32
      %convert_element_type3A_227 = arith.extui %lt3A_226 : i1 to i32
      %cond3A_228 = arith.constant 0 : i32
      %cond3A_229 = arith.cmpi ne, %convert_element_type3A_227, %cond3A_228 : i32
      scf.if %cond3A_229 {
        %add3A_265 = arith.constant 4 : i32
        %add3A_266 = arith.addi %add3A_216, %add3A_265 : i32
        %dma_start3A_267 = arith.constant 0 : i32
        %dma_start3A_268 = tpu.memref_slice %arg7[%add3A_266, %dma_start3A_267] : memref<40x64xi32, #tpu.memory_space<vmem>> -> memref<1x64xi32, #tpu.memory_space<vmem>>
        %dma_start3A_269 = tpu.memref_squeeze %dma_start3A_268 : memref<1x64xi32, #tpu.memory_space<vmem>> -> memref<64xi32, #tpu.memory_space<vmem>>
        %dma_start3A_270 = arith.constant 0 : i32
        %dma_start3A_271 = arith.constant 0 : i32
        %dma_start3A_272 = tpu.memref_slice %arg2[%dma_start3A_270, %dma_start3A_271] : memref<10000x128xf32, #tpu.memory_space<hbm>> -> memref<10000x128xf32, #tpu.memory_space<hbm>>
        tpu.enqueue_indirect_dma source(%dma_start3A_272 : memref<10000x128xf32, #tpu.memory_space<hbm>>) target(%arg10 : memref<64x128xf32, #tpu.memory_space<vmem>>) offsets(%dma_start3A_269 : memref<64xi32, #tpu.memory_space<vmem>>) semaphore(%arg15 : memref<!tpu.dma_semaphore, #tpu.memory_space<semaphore_mem>>)
      } else {
      }
      %mul3A_230 = arith.constant 4 : i32
      %mul3A_231 = arith.muli %scan3A_196, %mul3A_230 : i32
      %add3A_232 = arith.constant 2 : i32
      %add3A_233 = arith.addi %mul3A_231, %add3A_232 : i32
      %dma_wait3A_234 = arith.constant 0 : i32
      %dma_wait3A_235 = tpu.memref_slice %arg7[%add3A_233, %dma_wait3A_234] : memref<40x64xi32, #tpu.memory_space<vmem>> -> memref<1x64xi32, #tpu.memory_space<vmem>>
      %dma_wait3A_236 = tpu.memref_squeeze %dma_wait3A_235 : memref<1x64xi32, #tpu.memory_space<vmem>> -> memref<64xi32, #tpu.memory_space<vmem>>
      %dma_wait3A_237 = arith.constant 0 : i32
      %dma_wait3A_238 = arith.constant 0 : i32
      %dma_wait3A_239 = tpu.memref_slice %arg2[%dma_wait3A_237, %dma_wait3A_238] : memref<10000x128xf32, #tpu.memory_space<hbm>> -> memref<10000x128xf32, #tpu.memory_space<hbm>>
      tpu.wait_indirect_dma semaphore(%arg16 : memref<!tpu.dma_semaphore, #tpu.memory_space<semaphore_mem>>) src(%dma_wait3A_239 : memref<10000x128xf32, #tpu.memory_space<hbm>>) dst(%arg11 : memref<64x128xf32, #tpu.memory_space<vmem>>)
      "tpu.region"() ({
        %run_scoped3A = tpu.sem_alloc : memref<!tpu.dma_semaphore, #tpu.memory_space<semaphore_mem>>
        %dma_start3A_265 = arith.constant 0 : i32
        %dma_start3A_266 = tpu.memref_slice %arg8[%add3A_233, %dma_start3A_265] : memref<40x64xi32, #tpu.memory_space<vmem>> -> memref<1x64xi32, #tpu.memory_space<vmem>>
        %dma_start3A_267 = tpu.memref_squeeze %dma_start3A_266 : memref<1x64xi32, #tpu.memory_space<vmem>> -> memref<64xi32, #tpu.memory_space<vmem>>
        %dma_start3A_268 = arith.constant 0 : i32
        %dma_start3A_269 = arith.constant 0 : i32
        %dma_start3A_270 = tpu.memref_slice %arg13[%dma_start3A_268, %dma_start3A_269] : memref<10240x128xf32, #tpu.memory_space<vmem_shared>> -> memref<10240x128xf32, #tpu.memory_space<vmem_shared>>
        tpu.enqueue_indirect_dma source(%arg11 : memref<64x128xf32, #tpu.memory_space<vmem>>) target(%dma_start3A_270 : memref<10240x128xf32, #tpu.memory_space<vmem_shared>>) offsets(%dma_start3A_267 : memref<64xi32, #tpu.memory_space<vmem>>) semaphore(%run_scoped3A : memref<!tpu.dma_semaphore, #tpu.memory_space<semaphore_mem>>) {add = true}
        %dma_wait3A_271 = arith.constant 0 : i32
        %dma_wait3A_272 = tpu.memref_slice %arg8[%add3A_233, %dma_wait3A_271] : memref<40x64xi32, #tpu.memory_space<vmem>> -> memref<1x64xi32, #tpu.memory_space<vmem>>
        %dma_wait3A_273 = tpu.memref_squeeze %dma_wait3A_272 : memref<1x64xi32, #tpu.memory_space<vmem>> -> memref<64xi32, #tpu.memory_space<vmem>>
        %dma_wait3A_274 = arith.constant 0 : i32
        %dma_wait3A_275 = arith.constant 0 : i32
        %dma_wait3A_276 = tpu.memref_slice %arg13[%dma_wait3A_274, %dma_wait3A_275] : memref<10240x128xf32, #tpu.memory_space<vmem_shared>> -> memref<10240x128xf32, #tpu.memory_space<vmem_shared>>
        tpu.wait_indirect_dma semaphore(%run_scoped3A : memref<!tpu.dma_semaphore, #tpu.memory_space<semaphore_mem>>) src(%arg11 : memref<64x128xf32, #tpu.memory_space<vmem>>) dst(%dma_wait3A_276 : memref<10240x128xf32, #tpu.memory_space<vmem_shared>>)
        tpu.yield
      }) : () -> ()
      %add3A_240 = arith.constant 4 : i32
      %add3A_241 = arith.addi %add3A_233, %add3A_240 : i32
      %lt3A_242 = arith.constant 40 : i32
      %lt3A_243 = arith.cmpi slt, %add3A_241, %lt3A_242 : i32
      %convert_element_type3A_244 = arith.extui %lt3A_243 : i1 to i32
      %cond3A_245 = arith.constant 0 : i32
      %cond3A_246 = arith.cmpi ne, %convert_element_type3A_244, %cond3A_245 : i32
      scf.if %cond3A_246 {
        %add3A_265 = arith.constant 4 : i32
        %add3A_266 = arith.addi %add3A_233, %add3A_265 : i32
        %dma_start3A_267 = arith.constant 0 : i32
        %dma_start3A_268 = tpu.memref_slice %arg7[%add3A_266, %dma_start3A_267] : memref<40x64xi32, #tpu.memory_space<vmem>> -> memref<1x64xi32, #tpu.memory_space<vmem>>
        %dma_start3A_269 = tpu.memref_squeeze %dma_start3A_268 : memref<1x64xi32, #tpu.memory_space<vmem>> -> memref<64xi32, #tpu.memory_space<vmem>>
        %dma_start3A_270 = arith.constant 0 : i32
        %dma_start3A_271 = arith.constant 0 : i32
        %dma_start3A_272 = tpu.memref_slice %arg2[%dma_start3A_270, %dma_start3A_271] : memref<10000x128xf32, #tpu.memory_space<hbm>> -> memref<10000x128xf32, #tpu.memory_space<hbm>>
        tpu.enqueue_indirect_dma source(%dma_start3A_272 : memref<10000x128xf32, #tpu.memory_space<hbm>>) target(%arg11 : memref<64x128xf32, #tpu.memory_space<vmem>>) offsets(%dma_start3A_269 : memref<64xi32, #tpu.memory_space<vmem>>) semaphore(%arg16 : memref<!tpu.dma_semaphore, #tpu.memory_space<semaphore_mem>>)
      } else {
      }
      %mul3A_247 = arith.constant 4 : i32
      %mul3A_248 = arith.muli %scan3A_196, %mul3A_247 : i32
      %add3A_249 = arith.constant 3 : i32
      %add3A_250 = arith.addi %mul3A_248, %add3A_249 : i32
      %dma_wait3A_251 = arith.constant 0 : i32
      %dma_wait3A_252 = tpu.memref_slice %arg7[%add3A_250, %dma_wait3A_251] : memref<40x64xi32, #tpu.memory_space<vmem>> -> memref<1x64xi32, #tpu.memory_space<vmem>>
      %dma_wait3A_253 = tpu.memref_squeeze %dma_wait3A_252 : memref<1x64xi32, #tpu.memory_space<vmem>> -> memref<64xi32, #tpu.memory_space<vmem>>
      %dma_wait3A_254 = arith.constant 0 : i32
      %dma_wait3A_255 = arith.constant 0 : i32
      %dma_wait3A_256 = tpu.memref_slice %arg2[%dma_wait3A_254, %dma_wait3A_255] : memref<10000x128xf32, #tpu.memory_space<hbm>> -> memref<10000x128xf32, #tpu.memory_space<hbm>>
      tpu.wait_indirect_dma semaphore(%arg17 : memref<!tpu.dma_semaphore, #tpu.memory_space<semaphore_mem>>) src(%dma_wait3A_256 : memref<10000x128xf32, #tpu.memory_space<hbm>>) dst(%arg12 : memref<64x128xf32, #tpu.memory_space<vmem>>)
      "tpu.region"() ({
        %run_scoped3A = tpu.sem_alloc : memref<!tpu.dma_semaphore, #tpu.memory_space<semaphore_mem>>
        %dma_start3A_265 = arith.constant 0 : i32
        %dma_start3A_266 = tpu.memref_slice %arg8[%add3A_250, %dma_start3A_265] : memref<40x64xi32, #tpu.memory_space<vmem>> -> memref<1x64xi32, #tpu.memory_space<vmem>>
        %dma_start3A_267 = tpu.memref_squeeze %dma_start3A_266 : memref<1x64xi32, #tpu.memory_space<vmem>> -> memref<64xi32, #tpu.memory_space<vmem>>
        %dma_start3A_268 = arith.constant 0 : i32
        %dma_start3A_269 = arith.constant 0 : i32
        %dma_start3A_270 = tpu.memref_slice %arg13[%dma_start3A_268, %dma_start3A_269] : memref<10240x128xf32, #tpu.memory_space<vmem_shared>> -> memref<10240x128xf32, #tpu.memory_space<vmem_shared>>
        tpu.enqueue_indirect_dma source(%arg12 : memref<64x128xf32, #tpu.memory_space<vmem>>) target(%dma_start3A_270 : memref<10240x128xf32, #tpu.memory_space<vmem_shared>>) offsets(%dma_start3A_267 : memref<64xi32, #tpu.memory_space<vmem>>) semaphore(%run_scoped3A : memref<!tpu.dma_semaphore, #tpu.memory_space<semaphore_mem>>) {add = true}
        %dma_wait3A_271 = arith.constant 0 : i32
        %dma_wait3A_272 = tpu.memref_slice %arg8[%add3A_250, %dma_wait3A_271] : memref<40x64xi32, #tpu.memory_space<vmem>> -> memref<1x64xi32, #tpu.memory_space<vmem>>
        %dma_wait3A_273 = tpu.memref_squeeze %dma_wait3A_272 : memref<1x64xi32, #tpu.memory_space<vmem>> -> memref<64xi32, #tpu.memory_space<vmem>>
        %dma_wait3A_274 = arith.constant 0 : i32
        %dma_wait3A_275 = arith.constant 0 : i32
        %dma_wait3A_276 = tpu.memref_slice %arg13[%dma_wait3A_274, %dma_wait3A_275] : memref<10240x128xf32, #tpu.memory_space<vmem_shared>> -> memref<10240x128xf32, #tpu.memory_space<vmem_shared>>
        tpu.wait_indirect_dma semaphore(%run_scoped3A : memref<!tpu.dma_semaphore, #tpu.memory_space<semaphore_mem>>) src(%arg12 : memref<64x128xf32, #tpu.memory_space<vmem>>) dst(%dma_wait3A_276 : memref<10240x128xf32, #tpu.memory_space<vmem_shared>>)
        tpu.yield
      }) : () -> ()
      %add3A_257 = arith.constant 4 : i32
      %add3A_258 = arith.addi %add3A_250, %add3A_257 : i32
      %lt3A_259 = arith.constant 40 : i32
      %lt3A_260 = arith.cmpi slt, %add3A_258, %lt3A_259 : i32
      %convert_element_type3A_261 = arith.extui %lt3A_260 : i1 to i32
      %cond3A_262 = arith.constant 0 : i32
      %cond3A_263 = arith.cmpi ne, %convert_element_type3A_261, %cond3A_262 : i32
      scf.if %cond3A_263 {
        %add3A_265 = arith.constant 4 : i32
        %add3A_266 = arith.addi %add3A_250, %add3A_265 : i32
        %dma_start3A_267 = arith.constant 0 : i32
        %dma_start3A_268 = tpu.memref_slice %arg7[%add3A_266, %dma_start3A_267] : memref<40x64xi32, #tpu.memory_space<vmem>> -> memref<1x64xi32, #tpu.memory_space<vmem>>
        %dma_start3A_269 = tpu.memref_squeeze %dma_start3A_268 : memref<1x64xi32, #tpu.memory_space<vmem>> -> memref<64xi32, #tpu.memory_space<vmem>>
        %dma_start3A_270 = arith.constant 0 : i32
        %dma_start3A_271 = arith.constant 0 : i32
        %dma_start3A_272 = tpu.memref_slice %arg2[%dma_start3A_270, %dma_start3A_271] : memref<10000x128xf32, #tpu.memory_space<hbm>> -> memref<10000x128xf32, #tpu.memory_space<hbm>>
        tpu.enqueue_indirect_dma source(%dma_start3A_272 : memref<10000x128xf32, #tpu.memory_space<hbm>>) target(%arg12 : memref<64x128xf32, #tpu.memory_space<vmem>>) offsets(%dma_start3A_269 : memref<64xi32, #tpu.memory_space<vmem>>) semaphore(%arg17 : memref<!tpu.dma_semaphore, #tpu.memory_space<semaphore_mem>>)
      } else {
      }
      %scan3A_264 = arith.constant 0 : i32
      scf.yield %scan3A_264 : i32
    }
    %scan3A_185 = arith.constant 10 : i32
    %barrier3A_186 = arith.constant 0 : index
    tpu.barrier barrier_id(%barrier3A_186)
    %mul3A_187 = arith.constant 640 : i32
    %mul3A_188 = arith.muli %arg1, %mul3A_187 : i32
    %eq3A = arith.constant 0 : i32
    %eq3A_189 = arith.cmpi eq, %arg0, %eq3A : i32
    %convert_element_type3A = arith.extui %eq3A_189 : i1 to i32
    %cond3A = arith.constant 0 : i32
    %cond3A_190 = arith.cmpi ne, %convert_element_type3A, %cond3A : i32
    scf.if %cond3A_190 {
      "tpu.region"() ({
        %run_scoped3A = tpu.sem_alloc : memref<!tpu.dma_semaphore, #tpu.memory_space<semaphore_mem>>
        %dma_start3A_196 = arith.constant 0 : i32
        %dma_start3A_197 = tpu.memref_slice %arg5[%mul3A_188, %dma_start3A_196] : memref<10240x128xf32, #tpu.memory_space<hbm>> -> memref<640x128xf32, #tpu.memory_space<hbm>>
        %dma_start3A_198 = arith.constant 0 : i32
        %dma_start3A_199 = tpu.memref_slice %arg13[%mul3A_188, %dma_start3A_198] : memref<10240x128xf32, #tpu.memory_space<vmem_shared>> -> memref<640x128xf32, #tpu.memory_space<vmem_shared>>
        tpu.enqueue_dma source(%dma_start3A_199 : memref<640x128xf32, #tpu.memory_space<vmem_shared>>) target(%dma_start3A_197 : memref<640x128xf32, #tpu.memory_space<hbm>>) target_semaphore(%run_scoped3A : memref<!tpu.dma_semaphore, #tpu.memory_space<semaphore_mem>>)
        %dma_wait3A = arith.constant 0 : i32
        %dma_wait3A_200 = tpu.memref_slice %arg5[%mul3A_188, %dma_wait3A] : memref<10240x128xf32, #tpu.memory_space<hbm>> -> memref<640x128xf32, #tpu.memory_space<hbm>>
        %dma_wait3A_201 = arith.constant 0 : i32
        %dma_wait3A_202 = tpu.memref_slice %arg13[%mul3A_188, %dma_wait3A_201] : memref<10240x128xf32, #tpu.memory_space<vmem_shared>> -> memref<640x128xf32, #tpu.memory_space<vmem_shared>>
        tpu.wait_dma2 semaphore(%run_scoped3A : memref<!tpu.dma_semaphore, #tpu.memory_space<semaphore_mem>>) src(%dma_wait3A_202 : memref<640x128xf32, #tpu.memory_space<vmem_shared>>) dst(%dma_wait3A_200 : memref<640x128xf32, #tpu.memory_space<hbm>>)
        tpu.yield
      }) : () -> ()
    } else {
    }
    %eq3A_191 = arith.constant 1 : i32
    %eq3A_192 = arith.cmpi eq, %arg0, %eq3A_191 : i32
    %convert_element_type3A_193 = arith.extui %eq3A_192 : i1 to i32
    %cond3A_194 = arith.constant 0 : i32
    %cond3A_195 = arith.cmpi ne, %convert_element_type3A_193, %cond3A_194 : i32
    scf.if %cond3A_195 {
      "tpu.region"() ({
        %run_scoped3A = tpu.sem_alloc : memref<!tpu.dma_semaphore, #tpu.memory_space<semaphore_mem>>
        %dma_start3A_196 = arith.constant 0 : i32
        %dma_start3A_197 = tpu.memref_slice %arg6[%mul3A_188, %dma_start3A_196] : memref<10240x128xf32, #tpu.memory_space<hbm>> -> memref<640x128xf32, #tpu.memory_space<hbm>>
        %dma_start3A_198 = arith.constant 0 : i32
        %dma_start3A_199 = tpu.memref_slice %arg13[%mul3A_188, %dma_start3A_198] : memref<10240x128xf32, #tpu.memory_space<vmem_shared>> -> memref<640x128xf32, #tpu.memory_space<vmem_shared>>
        tpu.enqueue_dma source(%dma_start3A_199 : memref<640x128xf32, #tpu.memory_space<vmem_shared>>) target(%dma_start3A_197 : memref<640x128xf32, #tpu.memory_space<hbm>>) target_semaphore(%run_scoped3A : memref<!tpu.dma_semaphore, #tpu.memory_space<semaphore_mem>>)
        %dma_wait3A = arith.constant 0 : i32
        %dma_wait3A_200 = tpu.memref_slice %arg6[%mul3A_188, %dma_wait3A] : memref<10240x128xf32, #tpu.memory_space<hbm>> -> memref<640x128xf32, #tpu.memory_space<hbm>>
        %dma_wait3A_201 = arith.constant 0 : i32
        %dma_wait3A_202 = tpu.memref_slice %arg13[%mul3A_188, %dma_wait3A_201] : memref<10240x128xf32, #tpu.memory_space<vmem_shared>> -> memref<640x128xf32, #tpu.memory_space<vmem_shared>>
        tpu.wait_dma2 semaphore(%run_scoped3A : memref<!tpu.dma_semaphore, #tpu.memory_space<semaphore_mem>>) src(%dma_wait3A_202 : memref<640x128xf32, #tpu.memory_space<vmem_shared>>) dst(%dma_wait3A_200 : memref<640x128xf32, #tpu.memory_space<hbm>>)
        tpu.yield
      }) : () -> ()
    } else {
    }
    return
  }
}

module attributes {stable_mosaic.version = 14 : i64} {
  func.func @_b_body(%arg0: i32, %arg1: memref<2000x128xf32, #tpu.memory_space<vmem>>, %arg2: memref<128x128xf32, #tpu.memory_space<vmem>>, %arg3: memref<2000x1xf32, #tpu.memory_space<vmem>>, %arg4: memref<2000x1xf32, #tpu.memory_space<vmem>>, %arg5: memref<2000x128xf32, #tpu.memory_space<vmem>>, %arg6: memref<2000x1xf32, #tpu.memory_space<vmem>>) attributes {dimension_semantics = [#tpu.dimension_semantics<arbitrary>], iteration_bounds = array<i64: 5>, scalar_prefetch = 0 : i64, scratch_operands = 0 : i64, tpu.core_type = #tpu.core_type<tc>, window_params = [{transform_indices = @transform_0, window_bounds = array<i64: 2000, 128>}, {pipeline_mode = #tpu.pipeline_mode<synchronous>, transform_indices = @transform_1, window_bounds = array<i64: 128, 128>}, {transform_indices = @transform_2, window_bounds = array<i64: 2000, 1>}, {transform_indices = @transform_3, window_bounds = array<i64: 2000, 1>}, {transform_indices = @transform_4, window_bounds = array<i64: 2000, 128>}, {transform_indices = @transform_5, window_bounds = array<i64: 2000, 1>}]} {
    %get3A = arith.constant 0 : index
    %get3A_0 = arith.constant 0 : index
    %get3A_1 = vector.load %arg1[%get3A, %get3A_0] : memref<2000x128xf32, #tpu.memory_space<vmem>>, vector<2000x128xf32>
    %get3A_2 = arith.constant 0 : index
    %get3A_3 = arith.constant 0 : index
    %get3A_4 = vector.load %arg2[%get3A_2, %get3A_3] : memref<128x128xf32, #tpu.memory_space<vmem>>, vector<128x128xf32>
    %dot_general3A = arith.constant dense<0.000000e+00> : vector<2000x128xf32>
    %dot_general3A_5 = tpu.matmul %get3A_1, %get3A_4, %dot_general3A {dimension_numbers = #tpu.dot_dimension_numbers<[1], [0], [0], [1], [0, 0, 1, 1], [], []>, transpose_lhs_hint = false} : vector<2000x128xf32>, vector<128x128xf32>, vector<2000x128xf32> -> vector<2000x128xf32>
    %get3A_6 = arith.constant 0 : index
    %get3A_7 = arith.constant 0 : index
    %get3A_8 = vector.load %arg3[%get3A_6, %get3A_7] : memref<2000x1xf32, #tpu.memory_space<vmem>>, vector<2000x1xf32>
    %add3A = arith.constant 1.000000e+00 : f32
    %add3A_9 = vector.broadcast %add3A : f32 to vector<2000x1xf32>
    %add3A_10 = arith.addf %add3A_9, %get3A_8 : vector<2000x1xf32>
    %get3A_11 = arith.constant 0 : index
    %get3A_12 = arith.constant 0 : index
    %get3A_13 = vector.load %arg4[%get3A_11, %get3A_12] : memref<2000x1xf32, #tpu.memory_space<vmem>>, vector<2000x1xf32>
    %add3A_14 = arith.addf %add3A_10, %get3A_13 : vector<2000x1xf32>
    %rsqrt3A = math.rsqrt %add3A_14 : vector<2000x1xf32>
    %swap3A = arith.constant 0 : index
    %swap3A_15 = arith.constant 0 : index
    %swap3A_16 = vector.load %arg6[%swap3A, %swap3A_15] : memref<2000x1xf32, #tpu.memory_space<vmem>>, vector<2000x1xf32>
    tpu.vector_store %arg6[%swap3A, %swap3A_15], %rsqrt3A {strides = array<i32>} : memref<2000x1xf32, #tpu.memory_space<vmem>>, vector<2000x1xf32>,
    %mul3A = vector.broadcast %rsqrt3A : vector<2000x1xf32> to vector<2000x128xf32>
    %mul3A_17 = arith.mulf %dot_general3A_5, %mul3A : vector<2000x128xf32>
    %swap3A_18 = arith.constant 0 : index
    %swap3A_19 = arith.constant 0 : index
    %swap3A_20 = vector.load %arg5[%swap3A_18, %swap3A_19] : memref<2000x128xf32, #tpu.memory_space<vmem>>, vector<2000x128xf32>
    tpu.vector_store %arg5[%swap3A_18, %swap3A_19], %mul3A_17 {strides = array<i32>} : memref<2000x128xf32, #tpu.memory_space<vmem>>, vector<2000x128xf32>,
    return
  }
  func.func @transform_0(%arg0: i32) -> (i32, i32) {
    %c0_i32 = arith.constant 0 : i32
    %c0_i32_0 = arith.constant 0 : i32
    return %arg0, %c0_i32 : i32, i32
  }
  func.func @transform_1(%arg0: i32) -> (i32, i32) {
    %c0_i32 = arith.constant 0 : i32
    %c0_i32_0 = arith.constant 0 : i32
    %c0_i32_1 = arith.constant 0 : i32
    return %c0_i32, %c0_i32_0 : i32, i32
  }
  func.func @transform_2(%arg0: i32) -> (i32, i32) {
    %c0_i32 = arith.constant 0 : i32
    %c0_i32_0 = arith.constant 0 : i32
    return %arg0, %c0_i32 : i32, i32
  }
  func.func @transform_3(%arg0: i32) -> (i32, i32) {
    %c0_i32 = arith.constant 0 : i32
    %c0_i32_0 = arith.constant 0 : i32
    return %arg0, %c0_i32 : i32, i32
  }
  func.func @transform_4(%arg0: i32) -> (i32, i32) {
    %c0_i32 = arith.constant 0 : i32
    %c0_i32_0 = arith.constant 0 : i32
    return %arg0, %c0_i32 : i32, i32
  }
  func.func @transform_5(%arg0: i32) -> (i32, i32) {
    %c0_i32 = arith.constant 0 : i32
    %c0_i32_0 = arith.constant 0 : i32
    return %arg0, %c0_i32 : i32, i32
  }
}

module attributes {stable_mosaic.version = 14 : i64} {
  func.func @_d_body(%arg0: i32, %arg1: i32, %arg2: memref<2000x128xf32, #tpu.memory_space<vmem>>, %arg3: memref<2000x128xf32, #tpu.memory_space<vmem>>, %arg4: memref<2000x128xf32, #tpu.memory_space<vmem>>, %arg5: memref<2000x128xf32, #tpu.memory_space<vmem>>, %arg6: memref<2000x1xf32, #tpu.memory_space<vmem>>, %arg7: memref<1x128xf32, #tpu.memory_space<vmem>>, %arg8: memref<128x32xf32, #tpu.memory_space<vmem>>, %arg9: memref<1x32xf32, #tpu.memory_space<vmem>>, %arg10: memref<32x32xf32, #tpu.memory_space<vmem>>, %arg11: memref<1x32xf32, #tpu.memory_space<vmem>>, %arg12: memref<32x1xf32, #tpu.memory_space<vmem>>, %arg13: memref<1x1xf32, #tpu.memory_space<vmem>>, %arg14: memref<2000x1xf32, #tpu.memory_space<vmem>>, %arg15: memref<10000x1xf32, #tpu.memory_space<vmem>>, %arg16: memref<1x1xf32, #tpu.memory_space<smem>>) attributes {dimension_semantics = [#tpu.dimension_semantics<arbitrary>, #tpu.dimension_semantics<arbitrary>], iteration_bounds = array<i64: 2, 5>, scalar_prefetch = 0 : i64, scratch_operands = 2 : i64, tpu.core_type = #tpu.core_type<tc>, window_params = [{transform_indices = @transform_0, window_bounds = array<i64: 2000, 128>}, {transform_indices = @transform_1, window_bounds = array<i64: 2000, 128>}, {transform_indices = @transform_2, window_bounds = array<i64: 2000, 128>}, {transform_indices = @transform_3, window_bounds = array<i64: 2000, 128>}, {transform_indices = @transform_4, window_bounds = array<i64: 2000, 1>}, {pipeline_mode = #tpu.pipeline_mode<synchronous>, transform_indices = @transform_5, window_bounds = array<i64: 1, 128>}, {pipeline_mode = #tpu.pipeline_mode<synchronous>, transform_indices = @transform_6, window_bounds = array<i64: 128, 32>}, {pipeline_mode = #tpu.pipeline_mode<synchronous>, transform_indices = @transform_7, window_bounds = array<i64: 1, 32>}, {pipeline_mode = #tpu.pipeline_mode<synchronous>, transform_indices = @transform_8, window_bounds = array<i64: 32, 32>}, {pipeline_mode = #tpu.pipeline_mode<synchronous>, transform_indices = @transform_9, window_bounds = array<i64: 1, 32>}, {pipeline_mode = #tpu.pipeline_mode<synchronous>, transform_indices = @transform_10, window_bounds = array<i64: 32, 1>}, {pipeline_mode = #tpu.pipeline_mode<synchronous>, transform_indices = @transform_11, window_bounds = array<i64: 1, 1>}, {transform_indices = @transform_12, window_bounds = array<i64: 2000, 1>}]} {
    %eq3A = arith.constant 0 : i32
    %eq3A_0 = arith.cmpi eq, %arg0, %eq3A : i32
    %convert_element_type3A = arith.extui %eq3A_0 : i1 to i32
    %cond3A = arith.constant 0 : i32
    %cond3A_1 = arith.cmpi ne, %convert_element_type3A, %cond3A : i32
    scf.if %cond3A_1 {
      %get3A = arith.constant 0 : index
      %get3A_7 = arith.constant 0 : index
      %get3A_8 = vector.load %arg2[%get3A, %get3A_7] : memref<2000x128xf32, #tpu.memory_space<vmem>>, vector<2000x128xf32>
      %get3A_9 = arith.constant 0 : index
      %get3A_10 = arith.constant 0 : index
      %get3A_11 = vector.load %arg3[%get3A_9, %get3A_10] : memref<2000x128xf32, #tpu.memory_space<vmem>>, vector<2000x128xf32>
      %add3A = arith.addf %get3A_8, %get3A_11 : vector<2000x128xf32>
      %get3A_12 = arith.constant 0 : index
      %get3A_13 = arith.constant 0 : index
      %get3A_14 = vector.load %arg4[%get3A_12, %get3A_13] : memref<2000x128xf32, #tpu.memory_space<vmem>>, vector<2000x128xf32>
      %add3A_15 = arith.addf %add3A, %get3A_14 : vector<2000x128xf32>
      %get3A_16 = arith.constant 0 : index
      %get3A_17 = arith.constant 0 : index
      %get3A_18 = vector.load %arg6[%get3A_16, %get3A_17] : memref<2000x1xf32, #tpu.memory_space<vmem>>, vector<2000x1xf32>
      %mul3A = vector.broadcast %get3A_18 : vector<2000x1xf32> to vector<2000x128xf32>
      %mul3A_19 = arith.mulf %mul3A, %add3A_15 : vector<2000x128xf32>
      %get3A_20 = arith.constant 0 : index
      %get3A_21 = arith.constant 0 : index
      %get3A_22 = vector.load %arg7[%get3A_20, %get3A_21] : memref<1x128xf32, #tpu.memory_space<vmem>>, vector<1x128xf32>
      %add3A_23 = vector.broadcast %get3A_22 : vector<1x128xf32> to vector<2000x128xf32>
      %add3A_24 = arith.addf %mul3A_19, %add3A_23 : vector<2000x128xf32>
      %max3A = arith.constant 0.000000e+00 : f32
      %max3A_25 = vector.broadcast %max3A : f32 to vector<2000x128xf32>
      %max3A_26 = arith.maximumf %add3A_24, %max3A_25 : vector<2000x128xf32>
      %get3A_27 = arith.constant 0 : index
      %get3A_28 = arith.constant 0 : index
      %get3A_29 = vector.load %arg5[%get3A_27, %get3A_28] : memref<2000x128xf32, #tpu.memory_space<vmem>>, vector<2000x128xf32>
      %add3A_30 = arith.addf %max3A_26, %get3A_29 : vector<2000x128xf32>
      %get3A_31 = arith.constant 0 : index
      %get3A_32 = arith.constant 0 : index
      %get3A_33 = vector.load %arg8[%get3A_31, %get3A_32] : memref<128x32xf32, #tpu.memory_space<vmem>>, vector<128x32xf32>
      %dot_general3A = arith.constant dense<0.000000e+00> : vector<2000x32xf32>
      %dot_general3A_34 = tpu.matmul %add3A_30, %get3A_33, %dot_general3A {dimension_numbers = #tpu.dot_dimension_numbers<[1], [0], [0], [1], [0, 0, 1, 1], [], []>, transpose_lhs_hint = false} : vector<2000x128xf32>, vector<128x32xf32>, vector<2000x32xf32> -> vector<2000x32xf32>
      %get3A_35 = arith.constant 0 : index
      %get3A_36 = arith.constant 0 : index
      %get3A_37 = vector.load %arg9[%get3A_35, %get3A_36] : memref<1x32xf32, #tpu.memory_space<vmem>>, vector<1x32xf32>
      %add3A_38 = vector.broadcast %get3A_37 : vector<1x32xf32> to vector<2000x32xf32>
      %add3A_39 = arith.addf %dot_general3A_34, %add3A_38 : vector<2000x32xf32>
      %ge3A = arith.constant 0.000000e+00 : f32
      %ge3A_40 = vector.broadcast %ge3A : f32 to vector<2000x32xf32>
      %ge3A_41 = arith.cmpf oge, %add3A_39, %ge3A_40 : vector<2000x32xf32>
      %mul3A_42 = arith.constant 0.00999999977 : f32
      %mul3A_43 = vector.broadcast %mul3A_42 : f32 to vector<2000x32xf32>
      %mul3A_44 = arith.mulf %mul3A_43, %add3A_39 : vector<2000x32xf32>
      %select_n3A = arith.select %ge3A_41, %add3A_39, %mul3A_44 : vector<2000x32xi1>, vector<2000x32xf32>
      %get3A_45 = arith.constant 0 : index
      %get3A_46 = arith.constant 0 : index
      %get3A_47 = vector.load %arg10[%get3A_45, %get3A_46] : memref<32x32xf32, #tpu.memory_space<vmem>>, vector<32x32xf32>
      %dot_general3A_48 = arith.constant dense<0.000000e+00> : vector<2000x32xf32>
      %dot_general3A_49 = tpu.matmul %select_n3A, %get3A_47, %dot_general3A_48 {dimension_numbers = #tpu.dot_dimension_numbers<[1], [0], [0], [1], [0, 0, 1, 1], [], []>, transpose_lhs_hint = false} : vector<2000x32xf32>, vector<32x32xf32>, vector<2000x32xf32> -> vector<2000x32xf32>
      %get3A_50 = arith.constant 0 : index
      %get3A_51 = arith.constant 0 : index
      %get3A_52 = vector.load %arg11[%get3A_50, %get3A_51] : memref<1x32xf32, #tpu.memory_space<vmem>>, vector<1x32xf32>
      %add3A_53 = vector.broadcast %get3A_52 : vector<1x32xf32> to vector<2000x32xf32>
      %add3A_54 = arith.addf %dot_general3A_49, %add3A_53 : vector<2000x32xf32>
      %ge3A_55 = arith.constant 0.000000e+00 : f32
      %ge3A_56 = vector.broadcast %ge3A_55 : f32 to vector<2000x32xf32>
      %ge3A_57 = arith.cmpf oge, %add3A_54, %ge3A_56 : vector<2000x32xf32>
      %mul3A_58 = arith.constant 0.00999999977 : f32
      %mul3A_59 = vector.broadcast %mul3A_58 : f32 to vector<2000x32xf32>
      %mul3A_60 = arith.mulf %mul3A_59, %add3A_54 : vector<2000x32xf32>
      %select_n3A_61 = arith.select %ge3A_57, %add3A_54, %mul3A_60 : vector<2000x32xi1>, vector<2000x32xf32>
      %get3A_62 = arith.constant 0 : index
      %get3A_63 = arith.constant 0 : index
      %get3A_64 = vector.load %arg12[%get3A_62, %get3A_63] : memref<32x1xf32, #tpu.memory_space<vmem>>, vector<32x1xf32>
      %dot_general3A_65 = arith.constant dense<0.000000e+00> : vector<2000x1xf32>
      %dot_general3A_66 = tpu.matmul %select_n3A_61, %get3A_64, %dot_general3A_65 {dimension_numbers = #tpu.dot_dimension_numbers<[1], [0], [0], [1], [0, 0, 1, 1], [], []>, transpose_lhs_hint = false} : vector<2000x32xf32>, vector<32x1xf32>, vector<2000x1xf32> -> vector<2000x1xf32>
      %get3A_67 = arith.constant 0 : index
      %get3A_68 = arith.constant 0 : index
      %get3A_69 = vector.load %arg13[%get3A_67, %get3A_68] : memref<1x1xf32, #tpu.memory_space<vmem>>, vector<1x1xf32>
      %add3A_70 = vector.broadcast %get3A_69 : vector<1x1xf32> to vector<2000x1xf32>
      %add3A_71 = arith.addf %dot_general3A_66, %add3A_70 : vector<2000x1xf32>
      %max3A_72 = arith.constant 0.000000e+00 : f32
      %max3A_73 = vector.broadcast %max3A_72 : f32 to vector<2000x1xf32>
      %max3A_74 = arith.maximumf %add3A_71, %max3A_73 : vector<2000x1xf32>
      %abs3A = math.absf %add3A_71 : vector<2000x1xf32>
      %neg3A = arith.constant 0.000000e+00 : f32
      %neg3A_75 = vector.broadcast %neg3A : f32 to vector<2000x1xf32>
      %neg3A_76 = arith.subf %neg3A_75, %abs3A : vector<2000x1xf32>
      %exp3A = math.exp %neg3A_76 : vector<2000x1xf32>
      %add3A_77 = arith.constant 1.000000e+00 : f32
      %add3A_78 = vector.broadcast %add3A_77 : f32 to vector<2000x1xf32>
      %add3A_79 = arith.addf %add3A_78, %exp3A : vector<2000x1xf32>
      %log3A = math.log %add3A_79 : vector<2000x1xf32>
      %add3A_80 = arith.addf %max3A_74, %log3A : vector<2000x1xf32>
      %mul3A_81 = arith.constant 2000 : i32
      %mul3A_82 = arith.muli %arg1, %mul3A_81 : i32
      %swap3A = arith.index_cast %mul3A_82 : i32 to index
      %swap3A_83 = arith.constant 0 : index
      %swap3A_84 = vector.load %arg15[%swap3A, %swap3A_83] : memref<10000x1xf32, #tpu.memory_space<vmem>>, vector<2000x1xf32>
      tpu.vector_store %arg15[%swap3A, %swap3A_83], %add3A_80 {strides = array<i32>} : memref<10000x1xf32, #tpu.memory_space<vmem>>, vector<2000x1xf32>,
      %eq3A_85 = arith.constant 0 : i32
      %eq3A_86 = arith.cmpi eq, %arg1, %eq3A_85 : i32
      %get3A_87 = arith.constant 0 : index
      %get3A_88 = arith.constant 0 : index
      %get3A_89 = memref.load %arg16[%get3A_87, %get3A_88] : memref<1x1xf32, #tpu.memory_space<smem>>
      %jit3A = arith.constant 0.000000e+00 : f32
      %select_n3A_90 = arith.select %eq3A_86, %jit3A, %get3A_89 : f32
      %reduce_sum3A = vector.shape_cast %add3A_80 : vector<2000x1xf32> to vector<1x2000x1xf32>
      %reduce_sum3A_91 = arith.constant dense<0.000000e+00> : vector<1xf32>
      %reduce_sum3A_92 = vector.multi_reduction <add>, %reduce_sum3A, %reduce_sum3A_91 [1, 2] : vector<1x2000x1xf32> to vector<1xf32>
      %reduce_sum3A_93 = vector.shape_cast %reduce_sum3A_92 : vector<1xf32> to vector<1x1x1xf32>
      %reduce_sum3A_94 = vector.extract %reduce_sum3A_93[0, 0, 0] : f32 from vector<1x1x1xf32>
      %add3A_95 = arith.addf %select_n3A_90, %reduce_sum3A_94 : f32
      %swap3A_96 = arith.constant 0 : index
      %swap3A_97 = arith.constant 0 : index
      %swap3A_98 = memref.load %arg16[%swap3A_96, %swap3A_97] : memref<1x1xf32, #tpu.memory_space<smem>>
      memref.store %add3A_95, %arg16[%swap3A_96, %swap3A_97] : memref<1x1xf32, #tpu.memory_space<smem>>
    } else {
    }
    %eq3A_2 = arith.constant 1 : i32
    %eq3A_3 = arith.cmpi eq, %arg0, %eq3A_2 : i32
    %convert_element_type3A_4 = arith.extui %eq3A_3 : i1 to i32
    %cond3A_5 = arith.constant 0 : i32
    %cond3A_6 = arith.cmpi ne, %convert_element_type3A_4, %cond3A_5 : i32
    scf.if %cond3A_6 {
      %mul3A = arith.constant 2000 : i32
      %mul3A_7 = arith.muli %arg1, %mul3A : i32
      %get3A = arith.index_cast %mul3A_7 : i32 to index
      %get3A_8 = arith.constant 0 : index
      %get3A_9 = vector.load %arg15[%get3A, %get3A_8] : memref<10000x1xf32, #tpu.memory_space<vmem>>, vector<2000x1xf32>
      %get3A_10 = arith.constant 0 : index
      %get3A_11 = arith.constant 0 : index
      %get3A_12 = memref.load %arg16[%get3A_10, %get3A_11] : memref<1x1xf32, #tpu.memory_space<smem>>
      %add3A = arith.constant 9.99999968E-21 : f32
      %add3A_13 = arith.addf %get3A_12, %add3A : f32
      %div3A = vector.broadcast %add3A_13 : f32 to vector<2000x1xf32>
      %div3A_14 = arith.divf %get3A_9, %div3A : vector<2000x1xf32>
      %swap3A = arith.constant 0 : index
      %swap3A_15 = arith.constant 0 : index
      %swap3A_16 = vector.load %arg14[%swap3A, %swap3A_15] : memref<2000x1xf32, #tpu.memory_space<vmem>>, vector<2000x1xf32>
      tpu.vector_store %arg14[%swap3A, %swap3A_15], %div3A_14 {strides = array<i32>} : memref<2000x1xf32, #tpu.memory_space<vmem>>, vector<2000x1xf32>,
    } else {
    }
    return
  }
  func.func @transform_0(%arg0: i32, %arg1: i32) -> (i32, i32) {
    %sub3A = arith.constant 1 : i32
    %sub3A_0 = arith.subi %sub3A, %arg0 : i32
    %mul3A = arith.muli %arg1, %sub3A_0 : i32
    %mul3A_1 = arith.constant 4 : i32
    %mul3A_2 = arith.muli %mul3A_1, %arg0 : i32
    %add3A = arith.addi %mul3A, %mul3A_2 : i32
    %c0_i32 = arith.constant 0 : i32
    %c0_i32_3 = arith.constant 0 : i32
    return %add3A, %c0_i32 : i32, i32
  }
  func.func @transform_1(%arg0: i32, %arg1: i32) -> (i32, i32) {
    %sub3A = arith.constant 1 : i32
    %sub3A_0 = arith.subi %sub3A, %arg0 : i32
    %mul3A = arith.muli %arg1, %sub3A_0 : i32
    %mul3A_1 = arith.constant 4 : i32
    %mul3A_2 = arith.muli %mul3A_1, %arg0 : i32
    %add3A = arith.addi %mul3A, %mul3A_2 : i32
    %c0_i32 = arith.constant 0 : i32
    %c0_i32_3 = arith.constant 0 : i32
    return %add3A, %c0_i32 : i32, i32
  }
  func.func @transform_2(%arg0: i32, %arg1: i32) -> (i32, i32) {
    %sub3A = arith.constant 1 : i32
    %sub3A_0 = arith.subi %sub3A, %arg0 : i32
    %mul3A = arith.muli %arg1, %sub3A_0 : i32
    %mul3A_1 = arith.constant 4 : i32
    %mul3A_2 = arith.muli %mul3A_1, %arg0 : i32
    %add3A = arith.addi %mul3A, %mul3A_2 : i32
    %c0_i32 = arith.constant 0 : i32
    %c0_i32_3 = arith.constant 0 : i32
    return %add3A, %c0_i32 : i32, i32
  }
  func.func @transform_3(%arg0: i32, %arg1: i32) -> (i32, i32) {
    %sub3A = arith.constant 1 : i32
    %sub3A_0 = arith.subi %sub3A, %arg0 : i32
    %mul3A = arith.muli %arg1, %sub3A_0 : i32
    %mul3A_1 = arith.constant 4 : i32
    %mul3A_2 = arith.muli %mul3A_1, %arg0 : i32
    %add3A = arith.addi %mul3A, %mul3A_2 : i32
    %c0_i32 = arith.constant 0 : i32
    %c0_i32_3 = arith.constant 0 : i32
    return %add3A, %c0_i32 : i32, i32
  }
  func.func @transform_4(%arg0: i32, %arg1: i32) -> (i32, i32) {
    %sub3A = arith.constant 1 : i32
    %sub3A_0 = arith.subi %sub3A, %arg0 : i32
    %mul3A = arith.muli %arg1, %sub3A_0 : i32
    %mul3A_1 = arith.constant 4 : i32
    %mul3A_2 = arith.muli %mul3A_1, %arg0 : i32
    %add3A = arith.addi %mul3A, %mul3A_2 : i32
    %c0_i32 = arith.constant 0 : i32
    %c0_i32_3 = arith.constant 0 : i32
    return %add3A, %c0_i32 : i32, i32
  }
  func.func @transform_5(%arg0: i32, %arg1: i32) -> (i32, i32) {
    %c0_i32 = arith.constant 0 : i32
    %c0_i32_0 = arith.constant 0 : i32
    %c0_i32_1 = arith.constant 0 : i32
    return %c0_i32, %c0_i32_0 : i32, i32
  }
  func.func @transform_6(%arg0: i32, %arg1: i32) -> (i32, i32) {
    %c0_i32 = arith.constant 0 : i32
    %c0_i32_0 = arith.constant 0 : i32
    %c0_i32_1 = arith.constant 0 : i32
    return %c0_i32, %c0_i32_0 : i32, i32
  }
  func.func @transform_7(%arg0: i32, %arg1: i32) -> (i32, i32) {
    %c0_i32 = arith.constant 0 : i32
    %c0_i32_0 = arith.constant 0 : i32
    %c0_i32_1 = arith.constant 0 : i32
    return %c0_i32, %c0_i32_0 : i32, i32
  }
  func.func @transform_8(%arg0: i32, %arg1: i32) -> (i32, i32) {
    %c0_i32 = arith.constant 0 : i32
    %c0_i32_0 = arith.constant 0 : i32
    %c0_i32_1 = arith.constant 0 : i32
    return %c0_i32, %c0_i32_0 : i32, i32
  }
  func.func @transform_9(%arg0: i32, %arg1: i32) -> (i32, i32) {
    %c0_i32 = arith.constant 0 : i32
    %c0_i32_0 = arith.constant 0 : i32
    %c0_i32_1 = arith.constant 0 : i32
    return %c0_i32, %c0_i32_0 : i32, i32
  }
  func.func @transform_10(%arg0: i32, %arg1: i32) -> (i32, i32) {
    %c0_i32 = arith.constant 0 : i32
    %c0_i32_0 = arith.constant 0 : i32
    %c0_i32_1 = arith.constant 0 : i32
    return %c0_i32, %c0_i32_0 : i32, i32
  }
  func.func @transform_11(%arg0: i32, %arg1: i32) -> (i32, i32) {
    %c0_i32 = arith.constant 0 : i32
    %c0_i32_0 = arith.constant 0 : i32
    %c0_i32_1 = arith.constant 0 : i32
    return %c0_i32, %c0_i32_0 : i32, i32
  }
  func.func @transform_12(%arg0: i32, %arg1: i32) -> (i32, i32) {
    %c0_i32 = arith.constant 0 : i32
    %c0_i32_0 = arith.constant 0 : i32
    return %arg1, %c0_i32 : i32, i32
  }
}

</mosaic_0001>

<sc_bundles>
// kernel: kernel.6.cloned.1.call-start
scs
__scs_entry_jumppad:
0x0: {  	(pc) =	sbr.rel $0x88, $3  }
0x1: {  	(tag) =	ssettag $0x0;
	lr =	simm.s32 $0x1  }
0x2: {  	[smem:$0x3F97] =	sst lr;
	_ =	strace $0xD0000000  }
0x3: {  	_ = 	snop  }
0x4: {  	_ = 	snop  }
0x5: {  	_ = 	snop  }
0x6: {  	_ = 	snop  }
0x7: {  	_ = 	snop  }
__scs_overlays_trampoline_lowered:
0x8: {  	[smem:$0x3FA6] =	sst s0  }
0x9: {  	[smem:$0x3FA7] =	sst s1  }
0xa: {  	[smem:$0x3FA8] =	sst s2  }
0xb: {  	[smem:$0x3FA9] =	sst s3  }
0xc: {  	[smem:$0x3FAA] =	sst s4  }
0xd: {  	[smem:$0x3FAB] =	sst s5  }
0xe: {  	[smem:$0x3FAC] =	sst s6  }
0xf: {  	[smem:$0x3FAD] =	sst s7  }
0x10: {  	[smem:$0x3FAE] =	sst s8  }
0x11: {  	[smem:$0x3FAF] =	sst s9;
	s0 =	simm.s32 @!p0 $0x0  }
0x12: {  	s1 =	sld [smem:$0x3F95];
	s0 =	simm.s32 @p0 $0x1  }
0x13: {  	[smem:$0x3FB0] =	sst s0;
	s0 =	simm.s32 @!p1 $0x0  }
0x14: {  	s2 =	sld [smem:$0x3F94];
	s0 =	simm.s32 @p1 $0x1  }
0x15: {  	[smem:$0x3FB1] =	sst s0;
	s0 =	simm.s32 @!p2 $0x0  }
0x16: {  	s3 =	sld [smem:$0x3FDB];
	s0 =	simm.s32 @p2 $0x1  }
0x17: {  	s4 =	simm.s32 $0x1BF5;
	[smem:$0x3FB3] =	sst s0  }
0x18: {  	s0 =	sld [smem:$0x3F96];
	_ =	swait.ge [sflag:s4], $0x0  }
0x19: {  	s7 =	sld [smem:$0x3F97]  }
0x1a: {  	s8 =	sadd.s32 $0xFFFFE003, lr  }
0x1b: {  	s9 =	sadd.s32 $0xFFFFFEF7, lr;
	s5 =	simm.s32 $0xFFFFFFFF;
	p2 =	slt.u32 s8, $0xFFFFF086  }
0x1c: {  	p1 =	slt.u32 s9, $0xF7A;
	s5 =	simm.s32 @!p2 $0x0  }
0x1d: {  	s5 =	simm.s32 @p1 $0x1;
	p0 =	seq.s32 s7, s2  }
0x1e: {  	s7 =	smul.u32 @!p0 $0xF7A, s2;
	p2 =	seq.s32 @!p0 s5, $0x0  }
0x1f: {  	s9 =	smul.u32 $0xF7A, s1;
	s8 =	simm.s32 @!p0 $0x1BF5;
	p2 =	por !p2, p0  }
0x20: {  	[sflag:s8] =	ssyncset.s32 @!p0 $0xFFFFF086;
	s6 =	sadd.s32 @!p0 s3, s7;
	s7 =	simm.s32 @!p0 $0x108  }
0x21: {  	s3 =	sadd.s32 s3, s9;
	s6 =	sadd.s32 @!p0 $0x88, s6;
	s7 =	simm.s32 @p2 $0x1082  }
0x22: {  	[simem:s7], [sflag:s8] =	dma.local @!p0 [hbm:s6], $0xF7A  }
0x23: {  	s9 =	sor.u32 $0xD0000000, s2;
	s6 =	simm.s32 $0x108;
	_ =	swait.ge @!p0 [sflag:s8], $0x0  }
0x24: {  	s3 =	sadd.s32 $0x88, s3;
	s6 =	simm.s32 @!p1 $0x1082;
	[sflag:s4] =	ssyncset.s32 $0xFFFFF086  }
0x25: {  	[simem:s6], [sflag:s4] =	dma.local [hbm:s3], $0xF7A  }
0x26: {  	[smem:$0x3F97] =	sst s1;
	(tag) =	ssettag s2;
	_ =	strace s9  }
0x27: {  	s1 =	sld [smem:$0x3FA7]  }
0x28: {  	s2 =	sld [smem:$0x3FA8]  }
0x29: {  	s4 =	sld [smem:$0x3FAA]  }
0x2a: {  	p0 =	seq.s32 s5, $0x0;
	s5 =	sld [smem:$0x3FAB]  }
0x2b: {  	s6 =	sld [smem:$0x3FAC]  }
0x2c: {  	s7 =	sld [smem:$0x3FAD]  }
0x2d: {  	s3 =	simm.s32 $0x108;
	s8 =	sld [smem:$0x3FAE]  }
0x2e: {  	s3 =	simm.s32 @!p0 $0x1082;
	s9 =	sld [smem:$0x3FAF]  }
0x2f: {  	lr =	sadd.s32 s0, s3;
	s0 =	sld [smem:$0x3FA6]  }
0x30: {  	s3 =	sld [smem:$0x3FA9]  }
0x31: {  	[smem:$0x3FB2] =	sst s10  }
0x32: {  	s10 =	sld [smem:$0x3FB0];
	_ =	sdelay $0x3  }
0x33: {  	p0 =	seq.s32 s10, $0x1;
	s10 =	sld [smem:$0x3FB2];
	_ =	sdelay $0x3  }
0x34: {  	[smem:$0x3FB2] =	sst s10  }
0x35: {  	s10 =	sld [smem:$0x3FB1];
	_ =	sdelay $0x3  }
0x36: {  	p1 =	seq.s32 s10, $0x1;
	s10 =	sld [smem:$0x3FB2];
	_ =	sdelay $0x3  }
0x37: {  	[smem:$0x3FB2] =	sst s10  }
0x38: {  	s10 =	sld [smem:$0x3FB3]  }
0x39: {  	_ = 	snop;
	(pc) =	sbr.ind lr, $3  }
0x3a: {  	_ = 	snop  }
0x3b: {  	_ = 	snop  }
0x3c: {  	p2 =	seq.s32 s10, $0x1;
	s10 =	sld [smem:$0x3FB2]  }
0x3d: {  	_ =	shalt  }
0x3e: {  	_ =	shalt  }
0x3f: {  	_ =	shalt  }
0x40: {  	_ =	shalt  }
0x41: {  	_ =	shalt  }
0x42: {  	_ =	shalt  }
0x43: {  	_ =	shalt  }
0x44: {  	_ =	shalt  }
0x45: {  	_ =	shalt  }
0x46: {  	_ =	shalt  }
0x47: {  	_ =	shalt  }
0x48: {  	_ =	shalt  }
0x49: {  	_ =	shalt  }
0x4a: {  	_ =	shalt  }
0x4b: {  	_ =	shalt  }
0x4c: {  	_ =	shalt  }
0x4d: {  	_ =	shalt  }
0x4e: {  	_ =	shalt  }
0x4f: {  	_ =	shalt  }
0x50: {  	_ =	shalt  }
0x51: {  	_ =	shalt  }
0x52: {  	_ =	shalt  }
0x53: {  	_ =	shalt  }
0x54: {  	_ =	shalt  }
0x55: {  	_ =	shalt  }
0x56: {  	_ =	shalt  }
0x57: {  	_ =	shalt  }
0x58: {  	_ =	shalt  }
0x59: {  	_ =	shalt  }
0x5a: {  	_ =	shalt  }
0x5b: {  	_ =	shalt  }
0x5c: {  	_ =	shalt  }
0x5d: {  	_ =	shalt  }
0x5e: {  	_ =	shalt  }
0x5f: {  	_ =	shalt  }
0x60: {  	_ =	shalt  }
0x61: {  	_ =	shalt  }
0x62: {  	_ =	shalt  }
0x63: {  	_ =	shalt  }
0x64: {  	_ =	shalt  }
0x65: {  	_ =	shalt  }
0x66: {  	_ =	shalt  }
0x67: {  	_ =	shalt  }
0x68: {  	_ =	shalt  }
0x69: {  	_ =	shalt  }
0x6a: {  	_ =	shalt  }
0x6b: {  	_ =	shalt  }
0x6c: {  	_ =	shalt  }
0x6d: {  	_ =	shalt  }
0x6e: {  	_ =	shalt  }
0x6f: {  	_ =	shalt  }
0x70: {  	_ =	shalt  }
0x71: {  	_ =	shalt  }
0x72: {  	_ =	shalt  }
0x73: {  	_ =	shalt  }
0x74: {  	_ =	shalt  }
0x75: {  	_ =	shalt  }
0x76: {  	_ =	shalt  }
0x77: {  	_ =	shalt  }
0x78: {  	_ =	shalt  }
0x79: {  	_ =	shalt  }
0x7a: {  	_ =	shalt  }
0x7b: {  	_ =	shalt  }
0x7c: {  	_ =	shalt  }
0x7d: {  	_ =	shalt  }
0x7e: {  	_ =	shalt  }
0x7f: {  	_ =	shalt  }
0x80: {  	_ =	shalt  }
0x81: {  	_ =	shalt  }
0x82: {  	_ =	shalt  }
0x83: {  	_ =	shalt  }
0x84: {  	_ =	shalt  }
0x85: {  	_ =	shalt  }
0x86: {  	_ =	shalt  }
0x87: {  	_ =	shalt  }
.Lfunc_end0:
.L_simem_size_0:
called_computation_lowered:
.L_overlay_start_0:
0x88: {  	s2 =	sld [smem:$0x3FD9]  }
0x89: {  	s3 =	sld [smem:$0x3FFE];
	_ =	sdelay $0x1  }
0x8a: {  	s1 =	srdreg.scid  }
0x8b: {  	s0 =	sand.u32 $0x1, s1  }
0x8c: {  	s17 =	sshll.u32 s0, $0xA;
	s2 =	sadd.s32 s3, s2  }
0x8d: {  	s2 =	sadd.s32 s2, s17  }
0x8e: {  	[smem:$0x3FBE] =	sst s2  }
0x8f: {  	_ = 	snop  }
0x90: {  	s2 =	sld [smem:$0x3FD0];
	(tm) =	ssettm $0x1  }
0x91: {  	s18 =	sld [smem:$0x3FFB];
	_ =	sdelay $0x3  }
0x92: {  	_ =	strace s18  }
0x93: {  	s3 =	sld [smem:$0x3FFC];
	_ =	sdelay $0x3  }
0x94: {  	_ =	strace s3  }
0x95: {  	s3 =	sld [smem:$0x3FFD];
	_ =	sdelay $0x3  }
0x96: {  	_ =	strace s3  }
0x97: {  	_ =	strace $0x8FFFFFFF  }
0x98: {  	s19 =	sld [smem:$0x3FDB];
	_ =	sdelay $0x1  }
0x99: {  	s4 =	simm.s32 $_scs_section_size  }
0x9a: {  	s5 =	simm.s32 $_size__tile_overlayer_lowered;
	s6 =	simm.s32 $_tile_overlayer_lowered  }
0x9b: {  	s22 =	simm.s32 $0x1BFF;
	s21 =	sshll.u32 s6, $0x1;
	s3 =	sadd.s32 s4, s19  }
0x9c: {  	s7 =	simm.s32 $0x0;
	s20 =	sshll.u32 s5, $0x1;
	s5 =	sadd.s32 s21, s3  }
0x9d: {  	[timem:s7], [sflag:s22] =	dma.local [hbm:s5], s20  }
0x9e: {  	_ =	swait.ge [sflag:s22], s20  }
0x9f: {  	s4 =	ssub.s32 $0x0, s20;
	[sflag:s22] =	ssyncset.done $0x0  }
0xa0: {  	[sflag:s22] =	ssyncadd.s32 s4;
	_ =	sdelay $0x1  }
0xa1: {  	s23 =	simm.s32 $0x1B8B  }
0xa2: {  	_ =	swait.ge [sflag:s23], $0x1  }
0xa3: {  	[sflag:s23] =	ssyncset.done $0x0  }
0xa4: {  	s25 =	simm.s32 $0x1B8E;
	s24 =	sld [smem:$0x3FFE];
	[sflag:s23] =	ssyncadd.s32 $0xFFFFFFFF  }
0xa5: {  	s26 =	simm.s32 $execute0_lowered;
	[smem:$0x3FD2] =	sst s25  }
0xa6: {  	s5 =	sshll.u32 s26, $0x1;
	_ =	strace $0x80000046;
	[dreg:$0x1] =	wrdreg $0xFFFFFFFF  }
0xa7: {  	s28 =	simm.s32 $_size_execute0_lowered;
	s3 =	sadd.s32 s3, s5;
	[dreg:$0x0] =	wrdreg $0x0  }
0xa8: {  	s5 =	sshll.u32 s28, $0x1;
	[dreg:$0x2] =	wrdreg s3  }
0xa9: {  	[dreg:$0x3] =	wrdreg s5  }
0xaa: {  	[dreg:$0x4] =	wrdreg $0xC0  }
0xab: {  	_ =	task [dreg:s7], $0x5FFFF  }
0xac: {  	[dreg:$0x1] =	wrdreg $0xFFFFFFFF  }
0xad: {  	[dreg:$0x0] =	wrdreg $0x60  }
0xae: {  	[dreg:$0x2] =	wrdreg s24  }
0xaf: {  	[dreg:$0x3] =	wrdreg s2  }
0xb0: {  	[dreg:$0x4] =	wrdreg $0x2B000  }
0xb1: {  	[dreg:$0x5] =	wrdreg $0x9  }
0xb2: {  	_ =	task.clear_ibuf [dreg:s7], $0x6FFFF;
	_ =	strace $0x90000046  }
0xb3: {  	s29 =	simm.s32 $0x9;
	_ =	strace $0x80000048  }
0xb4: {  	_ =	swait.ge [sflag:s29], $0x1  }
0xb5: {  	[sflag:s29] =	ssyncadd.s32 $0xFFFFFFFF  }
0xb6: {  	_ =	strace $0x90000048  }
0xb7: {  	_ =	sfence  }
0xb8: {  	s30 =	sld [smem:$0x0];
	_ =	sdelay $0x2  }
0xb9: {  	s31 =	sshll.u32 s1, $0xD;
	s1 =	sshrl.u32 s1, $0x2  }
0xba: {  	s3 =	sand.u32 $0x4000, s31;
	s1 =	sadd.s32 s1, s30  }
0xbb: {  	s0 =	sor.u32 s3, s0;
	s1 =	sshll.u32 s1, $0x11  }
0xbc: {  	s0 =	sor.u32 s1, s0  }
0xbd: {  	s0 =	sadd.s32 $0x8F2B, s0  }
0xbe: {  	[sflag:s0] =	ssyncadd.remote.s32 $0x1  }
0xbf: {  	_ =	sfence.sel $0xFFFF  }
0xc0: {  	[dreg:$0x0] =	wrdreg $0xFFFFFFFF;
	(pc) =	sbr.abs _section_cstart, $3  }
0xc1: {  	[dreg:$0x1] =	wrdreg $0xFFFFFFFF  }
0xc2: {  	_ =	task.clear_ibuf [dreg:s7], $0x2FFFF;
	_ =	strace $0x9FFFFFFF  }
0xc3: {  	(tm) =	ssettm $0x7FFFFFFF  }
tec
execute0_lowered:
.L_overlay_start_1:
0x0: {  	(tag) =	ssettag $0x1  }
0x1: {  	s4 =	rddreg [dreg:$0x0]  }
0x2: {  	s7 =	rddreg [dreg:$0x1]  }
0x3: {  	s0 =	srdreg.scid;
	s2 =	rddreg [dreg:$0x2]  }
0x4: {  	s3 =	simm.s32 $0x0;
	s6 =	sand.u32 $0x1, s0;
	s0 =	rddreg [dreg:$0x3]  }
0x5: {  	s1 =	stileid.u32;
	s14 =	simm.s32 $0x0;
	[smem:$0x7FF] =	sst s3  }
0x6: {  	s10 =	smul.u32 $0x280, s1;
	s11 =	sadd.s32 $0xC800, s4;
	s12 =	sshll.u32 s1, $0x6  }
0x7: {  	s5 =	sshll.u32 s6, $0x4;
	s8 =	ssub.s32 $0x2, s6;
	_ =	strace $0x80000047  }
0x8: {  	p0 =	seq.s32 s6, $0x1;
	s12 =	sor.u32 $0x1C01, s12;
	s5 =	sor.u32 s1, s5  }
0x9: {  	s9 =	sshrl.u32 s8, $0x1;
	s31 =	sshrl.u32 s10, $0x3;
	s7 =	smov.u32 @p0 s11  }
0xa: {  	s11 =	simm.s32 $0x2800;
	s5 =	smul.u32 $0x500, s5;
	s8 =	ssub.s32 s8, s9  }
0xb: {  	s7 =	sadd.s32 s7, s31;
	s9 =	simm.s32 $0x1;
	s6 =	smax.u32 s8, $0x1  }
0xc: {  	s8 =	simm.s32 $0x2880;
	s5 =	sadd.s32 s5, s4;
	s4 =	sadd.s32 s10, s2  }
0xd: {  	v0 =	vimm.f32 $0.0e+00;
	v1 =	vimm.f32 $1.000000000e+00;
	s10 =	simm.s32 $0x80;
	s5 =	sadd.s32 $0x2800, s5;
	s13 =	sshrl.u32 s4, $0x3  }
.LBB2_1:
0xe: {  	[tilespmem:$0x2880] =	vst v0  }
0xf: {  	[tilespmem:$0x2890] =	vst v0  }
0x10: {  	[tilespmem:$0x28A0] =	vst v0  }
0x11: {  	[tilespmem:$0x28B0] =	vst v0  }
0x12: {  	[tilespmem:$0x28C0] =	vst v0  }
0x13: {  	[tilespmem:$0x28D0] =	vst v0  }
0x14: {  	[tilespmem:$0x28E0] =	vst v0  }
0x15: {  	[tilespmem:$0x28F0] =	vst v0  }
0x16: {  	[tilespmem:$0x2900] =	vst v0  }
0x17: {  	[tilespmem:$0x2910] =	vst v0  }
0x18: {  	[tilespmem:$0x2920] =	vst v0  }
0x19: {  	[tilespmem:$0x2930] =	vst v0  }
0x1a: {  	[tilespmem:$0x2940] =	vst v0  }
0x1b: {  	[tilespmem:$0x2950] =	vst v0  }
0x1c: {  	[tilespmem:$0x2960] =	vst v0  }
0x1d: {  	[tilespmem:$0x2970] =	vst v0  }
0x1e: {  	[tilespmem:$0x2980] =	vst v0  }
0x1f: {  	[tilespmem:$0x2990] =	vst v0  }
0x20: {  	[tilespmem:$0x29A0] =	vst v0  }
0x21: {  	[tilespmem:$0x29B0] =	vst v0  }
0x22: {  	[tilespmem:$0x29C0] =	vst v0  }
0x23: {  	[tilespmem:$0x29D0] =	vst v0  }
0x24: {  	[tilespmem:$0x29E0] =	vst v0  }
0x25: {  	[tilespmem:$0x29F0] =	vst v0  }
0x26: {  	[tilespmem:$0x2A00] =	vst v0  }
0x27: {  	[tilespmem:$0x2A10] =	vst v0  }
0x28: {  	[tilespmem:$0x2A20] =	vst v0  }
0x29: {  	[tilespmem:$0x2A30] =	vst v0  }
0x2a: {  	[tilespmem:$0x2A40] =	vst v0  }
0x2b: {  	[tilespmem:$0x2A50] =	vst v0  }
0x2c: {  	[tilespmem:$0x2A60] =	vst v0  }
0x2d: {  	[tilespmem:$0x2A70] =	vst v0  }
0x2e: {  	[tilespmem:$0x2A80] =	vst v0  }
0x2f: {  	[tilespmem:$0x2A90] =	vst v0  }
0x30: {  	[tilespmem:$0x2AA0] =	vst v0  }
0x31: {  	[tilespmem:$0x2AB0] =	vst v0  }
0x32: {  	[tilespmem:$0x2AC0] =	vst v0  }
0x33: {  	[tilespmem:$0x2AD0] =	vst v0  }
0x34: {  	[tilespmem:$0x2AE0] =	vst v0  }
0x35: {  	[tilespmem:$0x2AF0] =	vst v0  }
0x36: {  	[spmem:s4] =	stream.linear.scatter [tilespmem:s8], [sflag:$0x1], $0x280, $0x38;
	[tilespmem:$0x2D80] =	vst v63  }
0x37: {  	_ =	swait.ge [sflag:s9], $0x280  }
0x38: {  	[sflag:s9] =	ssyncset.done $0x0  }
0x39: {  	[sflag:s9] =	ssyncadd.s32 $0xFFFFFD80  }
0x3a: {  	[tilespmem:$0x2800] =	vst v1  }
0x3b: {  	[tilespmem:$0x2810] =	vst v1  }
0x3c: {  	[tilespmem:$0x2820] =	vst v1  }
0x3d: {  	[tilespmem:$0x2830] =	vst v1  }
0x3e: {  	[tilespmem:$0x2840] =	vst v1  }
0x3f: {  	[tilespmem:$0x2850] =	vst v1  }
0x40: {  	[tilespmem:$0x2860] =	vst v1  }
0x41: {  	[tilespmem:$0x2870] =	vst v1  }
0x42: {  	[tilespmem:s3], [sflag:$0x1] =	stream.linear.gather [hbm4b:s5+s3], $0x2800, $0x38;
	[tilespmem:$0x2D80] =	vst v63  }
0x43: {  	_ =	swait.ge [sflag:s9], $0x2800  }
0x44: {  	[sflag:s9] =	ssyncset.done $0x0  }
0x45: {  	[sflag:s9] =	ssyncadd.s32 $0xFFFFD800  }
0x46: {  	s15 =	simm.s32 $0x0;
	[bflag:$0x0] =	sbarrier.arrive $0xFFFF  }
0x47: {  	[spmem:s2] =	stream.indirect.scatter.add.f32 [tilespmem:s11], [sflag:$0x1], $0x1, s15, s10, $0xb8;
	[tilespmem:$0x2D80] =	vst v63  }
0x48: {  	_ =	swait.ge [sflag:s9], $0x80  }
0x49: {  	s15 =	simm.s32 $0x200;
	[sflag:s9] =	ssyncset.done $0x0  }
.LBB2_2:
0x4a: {  	s16 =	sshra.s32 s15, $0x2;
	[sflag:s9] =	ssyncadd.s32 $0xFFFFFF80;
	p0 =	sne.s32 s15, $0x9E00  }
0x4b: {  	[spmem:s2] =	stream.indirect.scatter.add.f32 [tilespmem:s11], [sflag:$0x1], $0x1, s16, s10, $0xb8;
	[tilespmem:$0x2D80] =	vst v63  }
.Ltmp0:
0x4c: {  	_ = 	snop;
	(pc) =	sbr.rel @p0 .LBB2_2-.Ltmp0, $4  }
0x4d: {  	_ = 	snop  }
0x4e: {  	s15 =	sadd.s32 $0x200, s15  }
0x4f: {  	_ =	swait.ge [sflag:s9], $0x80  }
0x50: {  	[sflag:s9] =	ssyncset.done $0x0  }
0x51: {  	s14 =	sadd.s32 $0x1, s14  }
0x52: {  	[sflag:s9] =	ssyncadd.s32 $0xFFFFFF80;
	p0 =	sne.s32 s14, s6  }
.Ltmp1:
0x53: {  	[bflag:$0x0] =	sbarrier.arrive $0xFFFF;
	(pc) =	sbr.rel @p0 .LBB2_1-.Ltmp1, $4  }
0x54: {  	[hbm:s7], [sflag:s12] =	dma.local [spmem:s13], $0x50  }
0x55: {  	_ =	swait.ge [sflag:s9], $0x50  }
0x56: {  	[sflag:s9] =	ssyncset.done $0x0  }
0x57: {  	[sflag:s9] =	ssyncadd.s32 $0xFFFFFFB0  }
0x58: {  	_ =	sfence.sel $0x180000  }
0x59: {  	[bflag:$0x0] =	sbarrier.arrive $0xFFFF  }
0x5a: {  	p0 =	sne.s32 s1, $0x0;
	_ =	strace $0x90000047  }
0x5b: {  	s0 =	sadd.s32 @!p0 $0x100000, s0;
	[bflag:$0x2] =	sbarrier.arrive $0xFFFF  }
0x5c: {  	[sflag:s0] =	ssyncadd.tile.s32 @!p0 $0x1;
	_ =	shalt  }
.Lfunc_end2:
_tile_overlayer_lowered:
.L_overlay_start_2:
0x5d: {  	(tag) =	ssettag $0x2  }
0x5e: {  	s0 =	rddreg [dreg:$0x0];
	s2 =	stileid.u32  }
0x5f: {  	s1 =	rddreg [dreg:$0x1];
	p0 =	sne.s32 s2, $0x0  }
0x60: {  	s3 =	rddreg [dreg:$0x2];
	[bflag:$0x3] =	sbarrier.arrive $0xFFFF;
	s2 =	simm.s32 @!p0 $0x1C01  }
0x61: {  	[timem:s3], [sflag:s2] =	dma.local @!p0 [hbm:s0], s1  }
0x62: {  	s0 =	simm.s32 @!p0 $0x1  }
0x63: {  	_ =	swait.ge @!p0 [sflag:s0], s1  }
0x64: {  	s1 =	ssub.s32 @!p0 $0x0, s1;
	[sflag:s0] =	ssyncset.done @!p0 $0x0  }
0x65: {  	[sflag:s0] =	ssyncadd.s32 @!p0 s1  }
0x66: {  	[bflag:$0x3] =	sbarrier.arrive $0xFFFF  }
0x67: {  	_ =	shalt  }

// kernel: kernel.9.cloned.1.call-start
scs
__scs_entry_jumppad:
0x0: {  	(pc) =	sbr.rel $0x88, $3  }
0x1: {  	(tag) =	ssettag $0x0;
	lr =	simm.s32 $0x1  }
0x2: {  	[smem:$0x3F97] =	sst lr;
	_ =	strace $0xD0000000  }
0x3: {  	_ = 	snop  }
0x4: {  	_ = 	snop  }
0x5: {  	_ = 	snop  }
0x6: {  	_ = 	snop  }
0x7: {  	_ = 	snop  }
__scs_overlays_trampoline_lowered:
0x8: {  	[smem:$0x3FA6] =	sst s0  }
0x9: {  	[smem:$0x3FA7] =	sst s1  }
0xa: {  	[smem:$0x3FA8] =	sst s2  }
0xb: {  	[smem:$0x3FA9] =	sst s3  }
0xc: {  	[smem:$0x3FAA] =	sst s4  }
0xd: {  	[smem:$0x3FAB] =	sst s5  }
0xe: {  	[smem:$0x3FAC] =	sst s6  }
0xf: {  	[smem:$0x3FAD] =	sst s7  }
0x10: {  	[smem:$0x3FAE] =	sst s8  }
0x11: {  	[smem:$0x3FAF] =	sst s9;
	s0 =	simm.s32 @!p0 $0x0  }
0x12: {  	s1 =	sld [smem:$0x3F95];
	s0 =	simm.s32 @p0 $0x1  }
0x13: {  	[smem:$0x3FB0] =	sst s0;
	s0 =	simm.s32 @!p1 $0x0  }
0x14: {  	s2 =	sld [smem:$0x3F94];
	s0 =	simm.s32 @p1 $0x1  }
0x15: {  	[smem:$0x3FB1] =	sst s0;
	s0 =	simm.s32 @!p2 $0x0  }
0x16: {  	s3 =	sld [smem:$0x3FDB];
	s0 =	simm.s32 @p2 $0x1  }
0x17: {  	s4 =	simm.s32 $0x1BF5;
	[smem:$0x3FB3] =	sst s0  }
0x18: {  	s0 =	sld [smem:$0x3F96];
	_ =	swait.ge [sflag:s4], $0x0  }
0x19: {  	s7 =	sld [smem:$0x3F97]  }
0x1a: {  	s8 =	sadd.s32 $0xFFFFE003, lr  }
0x1b: {  	s9 =	sadd.s32 $0xFFFFFEF7, lr;
	s5 =	simm.s32 $0xFFFFFFFF;
	p2 =	slt.u32 s8, $0xFFFFF086  }
0x1c: {  	p1 =	slt.u32 s9, $0xF7A;
	s5 =	simm.s32 @!p2 $0x0  }
0x1d: {  	s5 =	simm.s32 @p1 $0x1;
	p0 =	seq.s32 s7, s2  }
0x1e: {  	s7 =	smul.u32 @!p0 $0xF7A, s2;
	p2 =	seq.s32 @!p0 s5, $0x0  }
0x1f: {  	s9 =	smul.u32 $0xF7A, s1;
	s8 =	simm.s32 @!p0 $0x1BF5;
	p2 =	por !p2, p0  }
0x20: {  	[sflag:s8] =	ssyncset.s32 @!p0 $0xFFFFF086;
	s6 =	sadd.s32 @!p0 s3, s7;
	s7 =	simm.s32 @!p0 $0x108  }
0x21: {  	s3 =	sadd.s32 s3, s9;
	s6 =	sadd.s32 @!p0 $0x88, s6;
	s7 =	simm.s32 @p2 $0x1082  }
0x22: {  	[simem:s7], [sflag:s8] =	dma.local @!p0 [hbm:s6], $0xF7A  }
0x23: {  	s9 =	sor.u32 $0xD0000000, s2;
	s6 =	simm.s32 $0x108;
	_ =	swait.ge @!p0 [sflag:s8], $0x0  }
0x24: {  	s3 =	sadd.s32 $0x88, s3;
	s6 =	simm.s32 @!p1 $0x1082;
	[sflag:s4] =	ssyncset.s32 $0xFFFFF086  }
0x25: {  	[simem:s6], [sflag:s4] =	dma.local [hbm:s3], $0xF7A  }
0x26: {  	[smem:$0x3F97] =	sst s1;
	(tag) =	ssettag s2;
	_ =	strace s9  }
0x27: {  	s1 =	sld [smem:$0x3FA7]  }
0x28: {  	s2 =	sld [smem:$0x3FA8]  }
0x29: {  	s4 =	sld [smem:$0x3FAA]  }
0x2a: {  	p0 =	seq.s32 s5, $0x0;
	s5 =	sld [smem:$0x3FAB]  }
0x2b: {  	s6 =	sld [smem:$0x3FAC]  }
0x2c: {  	s7 =	sld [smem:$0x3FAD]  }
0x2d: {  	s3 =	simm.s32 $0x108;
	s8 =	sld [smem:$0x3FAE]  }
0x2e: {  	s3 =	simm.s32 @!p0 $0x1082;
	s9 =	sld [smem:$0x3FAF]  }
0x2f: {  	lr =	sadd.s32 s0, s3;
	s0 =	sld [smem:$0x3FA6]  }
0x30: {  	s3 =	sld [smem:$0x3FA9]  }
0x31: {  	[smem:$0x3FB2] =	sst s10  }
0x32: {  	s10 =	sld [smem:$0x3FB0];
	_ =	sdelay $0x3  }
0x33: {  	p0 =	seq.s32 s10, $0x1;
	s10 =	sld [smem:$0x3FB2];
	_ =	sdelay $0x3  }
0x34: {  	[smem:$0x3FB2] =	sst s10  }
0x35: {  	s10 =	sld [smem:$0x3FB1];
	_ =	sdelay $0x3  }
0x36: {  	p1 =	seq.s32 s10, $0x1;
	s10 =	sld [smem:$0x3FB2];
	_ =	sdelay $0x3  }
0x37: {  	[smem:$0x3FB2] =	sst s10  }
0x38: {  	s10 =	sld [smem:$0x3FB3]  }
0x39: {  	_ = 	snop;
	(pc) =	sbr.ind lr, $3  }
0x3a: {  	_ = 	snop  }
0x3b: {  	_ = 	snop  }
0x3c: {  	p2 =	seq.s32 s10, $0x1;
	s10 =	sld [smem:$0x3FB2]  }
0x3d: {  	_ =	shalt  }
0x3e: {  	_ =	shalt  }
0x3f: {  	_ =	shalt  }
0x40: {  	_ =	shalt  }
0x41: {  	_ =	shalt  }
0x42: {  	_ =	shalt  }
0x43: {  	_ =	shalt  }
0x44: {  	_ =	shalt  }
0x45: {  	_ =	shalt  }
0x46: {  	_ =	shalt  }
0x47: {  	_ =	shalt  }
0x48: {  	_ =	shalt  }
0x49: {  	_ =	shalt  }
0x4a: {  	_ =	shalt  }
0x4b: {  	_ =	shalt  }
0x4c: {  	_ =	shalt  }
0x4d: {  	_ =	shalt  }
0x4e: {  	_ =	shalt  }
0x4f: {  	_ =	shalt  }
0x50: {  	_ =	shalt  }
0x51: {  	_ =	shalt  }
0x52: {  	_ =	shalt  }
0x53: {  	_ =	shalt  }
0x54: {  	_ =	shalt  }
0x55: {  	_ =	shalt  }
0x56: {  	_ =	shalt  }
0x57: {  	_ =	shalt  }
0x58: {  	_ =	shalt  }
0x59: {  	_ =	shalt  }
0x5a: {  	_ =	shalt  }
0x5b: {  	_ =	shalt  }
0x5c: {  	_ =	shalt  }
0x5d: {  	_ =	shalt  }
0x5e: {  	_ =	shalt  }
0x5f: {  	_ =	shalt  }
0x60: {  	_ =	shalt  }
0x61: {  	_ =	shalt  }
0x62: {  	_ =	shalt  }
0x63: {  	_ =	shalt  }
0x64: {  	_ =	shalt  }
0x65: {  	_ =	shalt  }
0x66: {  	_ =	shalt  }
0x67: {  	_ =	shalt  }
0x68: {  	_ =	shalt  }
0x69: {  	_ =	shalt  }
0x6a: {  	_ =	shalt  }
0x6b: {  	_ =	shalt  }
0x6c: {  	_ =	shalt  }
0x6d: {  	_ =	shalt  }
0x6e: {  	_ =	shalt  }
0x6f: {  	_ =	shalt  }
0x70: {  	_ =	shalt  }
0x71: {  	_ =	shalt  }
0x72: {  	_ =	shalt  }
0x73: {  	_ =	shalt  }
0x74: {  	_ =	shalt  }
0x75: {  	_ =	shalt  }
0x76: {  	_ =	shalt  }
0x77: {  	_ =	shalt  }
0x78: {  	_ =	shalt  }
0x79: {  	_ =	shalt  }
0x7a: {  	_ =	shalt  }
0x7b: {  	_ =	shalt  }
0x7c: {  	_ =	shalt  }
0x7d: {  	_ =	shalt  }
0x7e: {  	_ =	shalt  }
0x7f: {  	_ =	shalt  }
0x80: {  	_ =	shalt  }
0x81: {  	_ =	shalt  }
0x82: {  	_ =	shalt  }
0x83: {  	_ =	shalt  }
0x84: {  	_ =	shalt  }
0x85: {  	_ =	shalt  }
0x86: {  	_ =	shalt  }
0x87: {  	_ =	shalt  }
.Lfunc_end0:
.L_simem_size_0:
called_computation.1_lowered:
.L_overlay_start_0:
0x88: {  	s2 =	sld [smem:$0x3FD9]  }
0x89: {  	s3 =	sld [smem:$0x3FFE];
	_ =	sdelay $0x1  }
0x8a: {  	s1 =	srdreg.scid  }
0x8b: {  	s0 =	sand.u32 $0x1, s1  }
0x8c: {  	s16 =	sshll.u32 s0, $0xA;
	s2 =	sadd.s32 s3, s2  }
0x8d: {  	s2 =	sadd.s32 s2, s16  }
0x8e: {  	[smem:$0x3FBE] =	sst s2  }
0x8f: {  	_ = 	snop  }
0x90: {  	(tm) =	ssettm $0x1  }
0x91: {  	s17 =	sld [smem:$0x3FFB];
	_ =	sdelay $0x3  }
0x92: {  	_ =	strace s17  }
0x93: {  	s2 =	sld [smem:$0x3FFC];
	_ =	sdelay $0x3  }
0x94: {  	_ =	strace s2  }
0x95: {  	s2 =	sld [smem:$0x3FFD];
	_ =	sdelay $0x3  }
0x96: {  	_ =	strace s2  }
0x97: {  	_ =	strace $0x8FFFFFFF  }
0x98: {  	s18 =	sld [smem:$0x3FDB];
	_ =	sdelay $0x1  }
0x99: {  	s19 =	simm.s32 $_scs_section_size  }
0x9a: {  	s4 =	simm.s32 $_size__tile_overlayer_lowered;
	s5 =	simm.s32 $_tile_overlayer_lowered  }
0x9b: {  	s22 =	simm.s32 $0x1BFF;
	s21 =	sshll.u32 s5, $0x1;
	s2 =	sadd.s32 s19, s18  }
0x9c: {  	s6 =	simm.s32 $0x0;
	s20 =	sshll.u32 s4, $0x1;
	s4 =	sadd.s32 s21, s2  }
0x9d: {  	[timem:s6], [sflag:s22] =	dma.local [hbm:s4], s20  }
0x9e: {  	_ =	swait.ge [sflag:s22], s20  }
0x9f: {  	s3 =	ssub.s32 $0x0, s20;
	[sflag:s22] =	ssyncset.done $0x0  }
0xa0: {  	[sflag:s22] =	ssyncadd.s32 s3;
	_ =	sdelay $0x1  }
0xa1: {  	s23 =	simm.s32 $0x1B8B  }
0xa2: {  	_ =	swait.ge [sflag:s23], $0x1  }
0xa3: {  	[sflag:s23] =	ssyncset.done $0x0  }
0xa4: {  	s25 =	simm.s32 $0x1B8E;
	s24 =	sld [smem:$0x3FFE];
	[sflag:s23] =	ssyncadd.s32 $0xFFFFFFFF  }
0xa5: {  	s26 =	simm.s32 $execute0_lowered;
	[smem:$0x3FD2] =	sst s25  }
0xa6: {  	s4 =	sshll.u32 s26, $0x1;
	_ =	strace $0x80000049;
	[dreg:$0x1] =	wrdreg $0xFFFFFFFF  }
0xa7: {  	s28 =	simm.s32 $_size_execute0_lowered;
	s2 =	sadd.s32 s2, s4;
	[dreg:$0x0] =	wrdreg $0x0  }
0xa8: {  	s4 =	sshll.u32 s28, $0x1;
	[dreg:$0x2] =	wrdreg s2  }
0xa9: {  	[dreg:$0x3] =	wrdreg s4  }
0xaa: {  	[dreg:$0x4] =	wrdreg $0xC0  }
0xab: {  	_ =	task [dreg:s6], $0x5FFFF  }
0xac: {  	[dreg:$0x1] =	wrdreg $0xFFFFFFFF  }
0xad: {  	[dreg:$0x0] =	wrdreg $0x60  }
0xae: {  	[dreg:$0x2] =	wrdreg s24  }
0xaf: {  	[dreg:$0x3] =	wrdreg $0xA8000  }
0xb0: {  	[dreg:$0x4] =	wrdreg $0x9  }
0xb1: {  	_ =	task.clear_ibuf [dreg:s6], $0x5FFFF;
	_ =	strace $0x90000049  }
0xb2: {  	s29 =	simm.s32 $0x9;
	_ =	strace $0x8000004B  }
0xb3: {  	_ =	swait.ge [sflag:s29], $0x1  }
0xb4: {  	[sflag:s29] =	ssyncadd.s32 $0xFFFFFFFF  }
0xb5: {  	_ =	strace $0x9000004B  }
0xb6: {  	_ =	sfence  }
0xb7: {  	s30 =	sld [smem:$0x0];
	_ =	sdelay $0x2  }
0xb8: {  	s31 =	sshll.u32 s1, $0xD;
	s1 =	sshrl.u32 s1, $0x2  }
0xb9: {  	s3 =	sand.u32 $0x4000, s31;
	s1 =	sadd.s32 s1, s30  }
0xba: {  	s0 =	sor.u32 s3, s0;
	s1 =	sshll.u32 s1, $0x11  }
0xbb: {  	s0 =	sor.u32 s1, s0  }
0xbc: {  	s0 =	sadd.s32 $0x8F2B, s0  }
0xbd: {  	[sflag:s0] =	ssyncadd.remote.s32 $0x1  }
0xbe: {  	_ =	sfence.sel $0xFFFF  }
0xbf: {  	[dreg:$0x0] =	wrdreg $0xFFFFFFFF;
	(pc) =	sbr.abs _section_cstart, $3  }
0xc0: {  	[dreg:$0x1] =	wrdreg $0xFFFFFFFF  }
0xc1: {  	_ =	task.clear_ibuf [dreg:s6], $0x2FFFF;
	_ =	strace $0x9FFFFFFF  }
0xc2: {  	(tm) =	ssettm $0x7FFFFFFF  }
0xc3: {  	_ =	shalt  }
tec
execute0_lowered:
.L_overlay_start_1:
0x0: {  	(tag) =	ssettag $0x1  }
0x1: {  	s0 =	rddreg [dreg:$0x0]  }
0x2: {  	s1 =	rddreg [dreg:$0x1];
	s3 =	simm.s32 $0x0;
	s12 =	stileid.u32  }
0x3: {  	s2 =	srdreg.scid;
	s28 =	simm.s32 $0x4800;
	s29 =	simm.s32 $0x1400  }
0x4: {  	s30 =	simm.s32 $0x40;
	s31 =	simm.s32 $0x80;
	[smem:$0x7FF] =	sst s3  }
0x5: {  	s4 =	sadd.s32 $0x34E00, s0;
	s5 =	smul.u32 $0x50000, s12;
	s6 =	sadd.s32 $0x20E00, s0  }
0x6: {  	s7 =	sadd.s32 $0xCE00, s0;
	s2 =	sand.u32 $0x1, s2;
	s26 =	smul.u32 $0x2800, s12  }
0x7: {  	_ =	strace $0x8000004A;
	s8 =	ssub.s32 $0x2, s2;
	s5 =	sshrl.u32 s5, $0x2  }
0x8: {  	s9 =	sshll.u32 s2, $0x4;
	p0 =	seq.s32 s2, $0x1;
	s5 =	sadd.s32 s5, s1  }
0x9: {  	s2 =	simm.s32 $0x84000;
	s10 =	sshrl.u32 s8, $0x1;
	s13 =	sadd.s32 $0x2000, s5  }
0xa: {  	s9 =	sor.u32 s12, s9;
	s14 =	sadd.s32 $0x4000, s5;
	[dreg:$0x3] =	wrdreg s13  }
0xb: {  	s2 =	simm.s32 @!p0 $0x5C000;
	s15 =	sadd.s32 $0x6000, s5;
	[dreg:$0x4] =	wrdreg s14  }
0xc: {  	s12 =	simm.s32 $0x2600;
	s16 =	sadd.s32 $0x8000, s5;
	[dreg:$0x5] =	wrdreg s15  }
0xd: {  	s8 =	ssub.s32 s8, s10;
	s17 =	sadd.s32 $0xA000, s5;
	[dreg:$0x6] =	wrdreg s16  }
0xe: {  	s9 =	smul.u32 $0x5000, s9;
	s18 =	sadd.s32 $0xC000, s5;
	[dreg:$0x7] =	wrdreg s17  }
0xf: {  	s0 =	sadd.s32 s2, s0;
	s19 =	sadd.s32 $0xE000, s5;
	[dreg:$0x8] =	wrdreg s18  }
0x10: {  	s2 =	simm.s32 $0x6800;
	s9 =	sshrl.u32 s9, $0x3;
	[dreg:$0x9] =	wrdreg s19  }
0x11: {  	s13 =	simm.s32 $0x2680;
	s14 =	simm.s32 $0x2700;
	s15 =	simm.s32 $0x2780  }
0x12: {  	s20 =	sadd.s32 s6, s9;
	s21 =	sadd.s32 $0x280, s9;
	s11 =	sadd.s32 s7, s9  }
0x13: {  	s23 =	sadd.s32 $0x500, s9;
	s9 =	sadd.s32 $0x780, s9;
	[dreg:$0xa] =	wrdreg s20  }
0x14: {  	[dreg:$0xb] =	wrdreg s11;
	s22 =	sadd.s32 s6, s21;
	s10 =	sadd.s32 s7, s21  }
0x15: {  	s24 =	sadd.s32 s6, s23;
	s25 =	sadd.s32 s7, s23;
	s19 =	sadd.s32 s6, s9  }
0x16: {  	s20 =	sadd.s32 s7, s9;
	s21 =	sadd.s32 $0x10000, s5;
	[dreg:$0xc] =	wrdreg s22  }
0x17: {  	s23 =	smax.u32 s8, $0x1;
	s6 =	simm.s32 $0x180;
	[dreg:$0xd] =	wrdreg s10  }
0x18: {  	s7 =	simm.s32 $0x8800;
	s8 =	simm.s32 $0x1;
	[dreg:$0xe] =	wrdreg s24  }
0x19: {  	s9 =	simm.s32 $0x2;
	s11 =	simm.s32 $0x4;
	[dreg:$0xf] =	wrdreg s25  }
0x1a: {  	s22 =	sadd.s32 $0x12000, s5;
	s24 =	sadd.s32 s0, s26;
	s25 =	simm.s32 $0x2800  }
0x1b: {  	v0 =	vimm.f32 $0.0e+00;
	s26 =	simm.s32 $0x5;
	s0 =	simm.s32 $0x100;
	s10 =	simm.s32 $0x3  }
.LBB2_1:
0x1c: {  	s16 =	simm.s32 $0x0;
	s17 =	simm.s32 $0x200  }
.LBB2_2:
0x1d: {  	p0 =	sne.s32 s17, $0x7E00;
	[tilespmem:s16+$0x4870] =	vst v0  }
0x1e: {  	[tilespmem:s16+$0x2800] =	vst v0  }
0x1f: {  	[tilespmem:s16+$0x4800] =	vst v0  }
0x20: {  	[tilespmem:s16+$0x2810] =	vst v0  }
0x21: {  	[tilespmem:s16+$0x4810] =	vst v0  }
0x22: {  	[tilespmem:s16+$0x2820] =	vst v0  }
0x23: {  	[tilespmem:s16+$0x4820] =	vst v0  }
0x24: {  	[tilespmem:s16+$0x2830] =	vst v0  }
0x25: {  	[tilespmem:s16+$0x4830] =	vst v0  }
0x26: {  	[tilespmem:s16+$0x2840] =	vst v0  }
0x27: {  	[tilespmem:s16+$0x4840] =	vst v0  }
.Ltmp0:
0x28: {  	[tilespmem:s16+$0x2850] =	vst v0;
	(pc) =	sbr.rel @p0 .LBB2_2-.Ltmp0, $4  }
0x29: {  	[tilespmem:s16+$0x4850] =	vst v0  }
0x2a: {  	[tilespmem:s16+$0x2860] =	vst v0  }
0x2b: {  	[tilespmem:s16+$0x4860] =	vst v0  }
0x2c: {  	[tilespmem:s16+$0x2870] =	vst v0;
	s16 =	sshra.s32 s17, $0x2;
	s17 =	sadd.s32 $0x200, s17  }
0x2d: {  	[tilespmem:s16+$0x4870] =	vst v0  }
0x2e: {  	[tilespmem:s16+$0x2800] =	vst v0  }
0x2f: {  	[tilespmem:s16+$0x4800] =	vst v0  }
0x30: {  	[tilespmem:s16+$0x2810] =	vst v0  }
0x31: {  	[tilespmem:s16+$0x4810] =	vst v0  }
0x32: {  	[tilespmem:s16+$0x2820] =	vst v0  }
0x33: {  	[tilespmem:s16+$0x4820] =	vst v0  }
0x34: {  	[tilespmem:s16+$0x2830] =	vst v0  }
0x35: {  	[tilespmem:s16+$0x4830] =	vst v0  }
0x36: {  	[tilespmem:s16+$0x2840] =	vst v0  }
0x37: {  	[tilespmem:s16+$0x4840] =	vst v0  }
0x38: {  	[tilespmem:s16+$0x2850] =	vst v0  }
0x39: {  	[tilespmem:s16+$0x4850] =	vst v0  }
0x3a: {  	[tilespmem:s16+$0x2860] =	vst v0  }
0x3b: {  	[tilespmem:s16+$0x4860] =	vst v0  }
0x3c: {  	[tilespmem:s16+$0x2870] =	vst v0  }
0x3d: {  	[spmem:s5] =	stream.linear.scatter [tilespmem:s25], [sflag:$0x5], $0x2000, $0x38;
	[tilespmem:$0x1E800] =	vst v63  }
0x3e: {  	_ =	swait.ge [sflag:s26], $0x2000  }
0x3f: {  	[sflag:s26] =	ssyncset.done $0x0  }
0x40: {  	s17 =	rddreg [dreg:$0x3];
	[sflag:s26] =	ssyncadd.s32 $0xFFFFE000  }
0x41: {  	[spmem:s17] =	stream.linear.scatter [tilespmem:s28], [sflag:$0x5], $0x2000, $0x38;
	[tilespmem:$0x1E800] =	vst v63  }
0x42: {  	_ =	swait.ge [sflag:s26], $0x2000  }
0x43: {  	[sflag:s26] =	ssyncset.done $0x0  }
0x44: {  	s18 =	rddreg [dreg:$0x4];
	[sflag:s26] =	ssyncadd.s32 $0xFFFFE000  }
0x45: {  	[spmem:s18] =	stream.linear.scatter [tilespmem:s25], [sflag:$0x5], $0x2000, $0x38;
	[tilespmem:$0x1E800] =	vst v63  }
0x46: {  	_ =	swait.ge [sflag:s26], $0x2000  }
0x47: {  	[sflag:s26] =	ssyncset.done $0x0  }
0x48: {  	s17 =	rddreg [dreg:$0x5];
	[sflag:s26] =	ssyncadd.s32 $0xFFFFE000  }
0x49: {  	[spmem:s17] =	stream.linear.scatter [tilespmem:s28], [sflag:$0x5], $0x2000, $0x38;
	[tilespmem:$0x1E800] =	vst v63  }
0x4a: {  	_ =	swait.ge [sflag:s26], $0x2000  }
0x4b: {  	[sflag:s26] =	ssyncset.done $0x0  }
0x4c: {  	s18 =	rddreg [dreg:$0x6];
	[sflag:s26] =	ssyncadd.s32 $0xFFFFE000  }
0x4d: {  	[spmem:s18] =	stream.linear.scatter [tilespmem:s25], [sflag:$0x5], $0x2000, $0x38;
	[tilespmem:$0x1E800] =	vst v63  }
0x4e: {  	_ =	swait.ge [sflag:s26], $0x2000  }
0x4f: {  	[sflag:s26] =	ssyncset.done $0x0  }
0x50: {  	s17 =	rddreg [dreg:$0x7];
	[sflag:s26] =	ssyncadd.s32 $0xFFFFE000  }
0x51: {  	[spmem:s17] =	stream.linear.scatter [tilespmem:s28], [sflag:$0x5], $0x2000, $0x38;
	[tilespmem:$0x1E800] =	vst v63  }
0x52: {  	_ =	swait.ge [sflag:s26], $0x2000  }
0x53: {  	[sflag:s26] =	ssyncset.done $0x0  }
0x54: {  	s18 =	rddreg [dreg:$0x8];
	[sflag:s26] =	ssyncadd.s32 $0xFFFFE000  }
0x55: {  	[spmem:s18] =	stream.linear.scatter [tilespmem:s25], [sflag:$0x5], $0x2000, $0x38;
	[tilespmem:$0x1E800] =	vst v63  }
0x56: {  	_ =	swait.ge [sflag:s26], $0x2000  }
0x57: {  	[sflag:s26] =	ssyncset.done $0x0  }
0x58: {  	s17 =	rddreg [dreg:$0x9];
	[sflag:s26] =	ssyncadd.s32 $0xFFFFE000  }
0x59: {  	[spmem:s17] =	stream.linear.scatter [tilespmem:s28], [sflag:$0x5], $0x2000, $0x38;
	[tilespmem:$0x1E800] =	vst v63  }
0x5a: {  	_ =	swait.ge [sflag:s26], $0x2000  }
0x5b: {  	[sflag:s26] =	ssyncset.done $0x0  }
0x5c: {  	[sflag:s26] =	ssyncadd.s32 $0xFFFFE000  }
0x5d: {  	[spmem:s21] =	stream.linear.scatter [tilespmem:s25], [sflag:$0x5], $0x2000, $0x38;
	[tilespmem:$0x1E800] =	vst v63  }
0x5e: {  	_ =	swait.ge [sflag:s26], $0x2000  }
0x5f: {  	[sflag:s26] =	ssyncset.done $0x0  }
0x60: {  	[sflag:s26] =	ssyncadd.s32 $0xFFFFE000  }
0x61: {  	[spmem:s22] =	stream.linear.scatter [tilespmem:s28], [sflag:$0x5], $0x2000, $0x38;
	[tilespmem:$0x1E800] =	vst v63  }
0x62: {  	_ =	swait.ge [sflag:s26], $0x2000  }
0x63: {  	[sflag:s26] =	ssyncset.done $0x0  }
0x64: {  	[sflag:s26] =	ssyncadd.s32 $0xFFFFE000  }
0x65: {  	[bflag:$0x0] =	sbarrier.arrive $0xFFFF  }
0x66: {  	s16 =	simm.s32 $0x0;
	s17 =	rddreg [dreg:$0xa]  }
0x67: {  	[tilespmem:s16], [sflag:$0x5] =	stream.linear.gather [hbm4b:s17+s16], $0x1400, $0x38;
	[tilespmem:$0x1E800] =	vst v63  }
0x68: {  	_ =	swait.ge [sflag:s26], $0x1400  }
0x69: {  	[sflag:s26] =	ssyncset.done $0x0  }
0x6a: {  	s18 =	rddreg [dreg:$0xb];
	[sflag:s26] =	ssyncadd.s32 $0xFFFFEC00  }
0x6b: {  	[tilespmem:s29], [sflag:$0x5] =	stream.linear.gather [hbm4b:s18+s16], $0x1400, $0x38;
	[tilespmem:$0x1E800] =	vst v63  }
0x6c: {  	_ =	swait.ge [sflag:s26], $0x1400  }
0x6d: {  	[sflag:s26] =	ssyncset.done $0x0  }
0x6e: {  	[sflag:s26] =	ssyncadd.s32 $0xFFFFEC00  }
0x6f: {  	[tilespmem:s25], [sflag:$0x1] =	stream.indirect.gather [hbm4b:s4+s30], $0x80, s16, s30, $0xb8;
	[tilespmem:$0x1E800] =	vst v63  }
0x70: {  	_ = 	snop  }
0x71: {  	[tilespmem:s28], [sflag:$0x2] =	stream.indirect.gather [hbm4b:s4+s30], $0x80, s31, s30, $0xb8;
	[tilespmem:$0x1E800] =	vst v63  }
0x72: {  	_ = 	snop  }
0x73: {  	[tilespmem:s2], [sflag:$0x3] =	stream.indirect.gather [hbm4b:s4+s30], $0x80, s0, s30, $0xb8;
	[tilespmem:$0x1E800] =	vst v63  }
0x74: {  	_ = 	snop  }
0x75: {  	[tilespmem:s7], [sflag:$0x4] =	stream.indirect.gather [hbm4b:s4+s30], $0x80, s6, s30, $0xb8;
	[tilespmem:$0x1E800] =	vst v63  }
0x76: {  	_ =	swait.ge [sflag:s8], $0x2000  }
0x77: {  	[sflag:s8] =	ssyncset.done $0x0  }
0x78: {  	s18 =	simm.s32 $0x1400;
	[sflag:s8] =	ssyncadd.s32 $0xFFFFE000  }
0x79: {  	[spmem:s1] =	stream.indirect.scatter.add.f32 [tilespmem:s25], [sflag:$0x5], $0x80, s18, s30, $0xb8;
	[tilespmem:$0x1E800] =	vst v63  }
0x7a: {  	_ =	swait.ge [sflag:s26], $0x2000  }
0x7b: {  	[sflag:s26] =	ssyncset.done $0x0  }
0x7c: {  	s17 =	simm.s32 $0x200;
	[sflag:s26] =	ssyncadd.s32 $0xFFFFE000  }
0x7d: {  	[tilespmem:s25], [sflag:$0x1] =	stream.indirect.gather [hbm4b:s4+s30], $0x80, s17, s30, $0xb8;
	[tilespmem:$0x1E800] =	vst v63  }
0x7e: {  	_ =	swait.ge [sflag:s9], $0x2000  }
0x7f: {  	[sflag:s9] =	ssyncset.done $0x0  }
0x80: {  	s18 =	simm.s32 $0x1480;
	[sflag:s9] =	ssyncadd.s32 $0xFFFFE000  }
0x81: {  	[spmem:s1] =	stream.indirect.scatter.add.f32 [tilespmem:s28], [sflag:$0x5], $0x80, s18, s30, $0xb8;
	[tilespmem:$0x1E800] =	vst v63  }
0x82: {  	_ =	swait.ge [sflag:s26], $0x2000  }
0x83: {  	[sflag:s26] =	ssyncset.done $0x0  }
0x84: {  	s17 =	simm.s32 $0x280;
	[sflag:s26] =	ssyncadd.s32 $0xFFFFE000  }
0x85: {  	[tilespmem:s28], [sflag:$0x2] =	stream.indirect.gather [hbm4b:s4+s30], $0x80, s17, s30, $0xb8;
	[tilespmem:$0x1E800] =	vst v63  }
0x86: {  	_ =	swait.ge [sflag:s10], $0x2000  }
0x87: {  	[sflag:s10] =	ssyncset.done $0x0  }
0x88: {  	s18 =	simm.s32 $0x1500;
	[sflag:s10] =	ssyncadd.s32 $0xFFFFE000  }
0x89: {  	[spmem:s1] =	stream.indirect.scatter.add.f32 [tilespmem:s2], [sflag:$0x5], $0x80, s18, s30, $0xb8;
	[tilespmem:$0x1E800] =	vst v63  }
0x8a: {  	_ =	swait.ge [sflag:s26], $0x2000  }
0x8b: {  	[sflag:s26] =	ssyncset.done $0x0  }
0x8c: {  	s17 =	simm.s32 $0x300;
	[sflag:s26] =	ssyncadd.s32 $0xFFFFE000  }
0x8d: {  	[tilespmem:s2], [sflag:$0x3] =	stream.indirect.gather [hbm4b:s4+s30], $0x80, s17, s30, $0xb8;
	[tilespmem:$0x1E800] =	vst v63  }
0x8e: {  	_ =	swait.ge [sflag:s11], $0x2000  }
0x8f: {  	[sflag:s11] =	ssyncset.done $0x0  }
0x90: {  	s18 =	simm.s32 $0x1580;
	[sflag:s11] =	ssyncadd.s32 $0xFFFFE000  }
0x91: {  	[spmem:s1] =	stream.indirect.scatter.add.f32 [tilespmem:s7], [sflag:$0x5], $0x80, s18, s30, $0xb8;
	[tilespmem:$0x1E800] =	vst v63  }
0x92: {  	_ =	swait.ge [sflag:s26], $0x2000  }
0x93: {  	[sflag:s26] =	ssyncset.done $0x0  }
0x94: {  	s16 =	simm.s32 $0x800;
	s17 =	simm.s32 $0x380;
	[sflag:s26] =	ssyncadd.s32 $0xFFFFE000  }
.LBB2_4:
0x95: {  	[tilespmem:s7], [sflag:$0x4] =	stream.indirect.gather [hbm4b:s4+s30], $0x80, s17, s30, $0xb8;
	[tilespmem:$0x1E800] =	vst v63  }
0x96: {  	s17 =	smov.u32 s16  }
0x97: {  	p0 =	sne.s32 s16, $0x4000;
	s16 =	sadd.s32 $0x800, s16;
	_ =	swait.ge [sflag:s8], $0x2000  }
0x98: {  	s17 =	sshra.s32 s17, $0x2;
	[sflag:s8] =	ssyncset.done $0x0  }
0x99: {  	s18 =	sadd.s32 $0x1400, s17;
	[sflag:s8] =	ssyncadd.s32 $0xFFFFE000  }
0x9a: {  	[spmem:s1] =	stream.indirect.scatter.add.f32 [tilespmem:s25], [sflag:$0x5], $0x80, s18, s30, $0xb8;
	[tilespmem:$0x1E800] =	vst v63  }
0x9b: {  	_ =	swait.ge [sflag:s26], $0x2000  }
0x9c: {  	[sflag:s26] =	ssyncset.done $0x0  }
0x9d: {  	s18 =	sadd.s32 $0x200, s17;
	[sflag:s26] =	ssyncadd.s32 $0xFFFFE000  }
0x9e: {  	[tilespmem:s25], [sflag:$0x1] =	stream.indirect.gather [hbm4b:s4+s30], $0x80, s18, s30, $0xb8;
	[tilespmem:$0x1E800] =	vst v63  }
0x9f: {  	_ =	swait.ge [sflag:s9], $0x2000  }
0xa0: {  	[sflag:s9] =	ssyncset.done $0x0  }
0xa1: {  	s18 =	sadd.s32 $0x1480, s17;
	[sflag:s9] =	ssyncadd.s32 $0xFFFFE000  }
0xa2: {  	[spmem:s1] =	stream.indirect.scatter.add.f32 [tilespmem:s28], [sflag:$0x5], $0x80, s18, s30, $0xb8;
	[tilespmem:$0x1E800] =	vst v63  }
0xa3: {  	_ =	swait.ge [sflag:s26], $0x2000  }
0xa4: {  	[sflag:s26] =	ssyncset.done $0x0  }
0xa5: {  	s18 =	sadd.s32 $0x280, s17;
	[sflag:s26] =	ssyncadd.s32 $0xFFFFE000  }
0xa6: {  	[tilespmem:s28], [sflag:$0x2] =	stream.indirect.gather [hbm4b:s4+s30], $0x80, s18, s30, $0xb8;
	[tilespmem:$0x1E800] =	vst v63  }
0xa7: {  	_ =	swait.ge [sflag:s10], $0x2000  }
0xa8: {  	[sflag:s10] =	ssyncset.done $0x0  }
0xa9: {  	s18 =	sadd.s32 $0x1500, s17;
	[sflag:s10] =	ssyncadd.s32 $0xFFFFE000  }
0xaa: {  	[spmem:s1] =	stream.indirect.scatter.add.f32 [tilespmem:s2], [sflag:$0x5], $0x80, s18, s30, $0xb8;
	[tilespmem:$0x1E800] =	vst v63  }
0xab: {  	_ =	swait.ge [sflag:s26], $0x2000  }
0xac: {  	[sflag:s26] =	ssyncset.done $0x0  }
0xad: {  	s18 =	sadd.s32 $0x300, s17;
	[sflag:s26] =	ssyncadd.s32 $0xFFFFE000  }
0xae: {  	[tilespmem:s2], [sflag:$0x3] =	stream.indirect.gather [hbm4b:s4+s30], $0x80, s18, s30, $0xb8;
	[tilespmem:$0x1E800] =	vst v63  }
0xaf: {  	_ =	swait.ge [sflag:s11], $0x2000  }
0xb0: {  	[sflag:s11] =	ssyncset.done $0x0  }
.Ltmp1:
0xb1: {  	s18 =	sadd.s32 $0x1580, s17;
	[sflag:s11] =	ssyncadd.s32 $0xFFFFE000;
	(pc) =	sbr.rel @p0 .LBB2_4-.Ltmp1, $4  }
0xb2: {  	[spmem:s1] =	stream.indirect.scatter.add.f32 [tilespmem:s7], [sflag:$0x5], $0x80, s18, s30, $0xb8;
	[tilespmem:$0x1E800] =	vst v63  }
0xb3: {  	_ =	swait.ge [sflag:s26], $0x2000  }
0xb4: {  	[sflag:s26] =	ssyncset.done $0x0  }
0xb5: {  	s17 =	sadd.s32 $0x380, s17;
	[sflag:s26] =	ssyncadd.s32 $0xFFFFE000  }
0xb6: {  	[tilespmem:s7], [sflag:$0x4] =	stream.indirect.gather [hbm4b:s4+s30], $0x80, s17, s30, $0xb8;
	[tilespmem:$0x1E800] =	vst v63  }
0xb7: {  	_ =	swait.ge [sflag:s8], $0x2000  }
0xb8: {  	[sflag:s8] =	ssyncset.done $0x0  }
0xb9: {  	[sflag:s8] =	ssyncadd.s32 $0xFFFFE000  }
0xba: {  	[spmem:s1] =	stream.indirect.scatter.add.f32 [tilespmem:s25], [sflag:$0x5], $0x80, s12, s30, $0xb8;
	[tilespmem:$0x1E800] =	vst v63  }
0xbb: {  	_ =	swait.ge [sflag:s26], $0x2000  }
0xbc: {  	[sflag:s26] =	ssyncset.done $0x0  }
0xbd: {  	[sflag:s26] =	ssyncadd.s32 $0xFFFFE000  }
0xbe: {  	_ =	swait.ge [sflag:s9], $0x2000  }
0xbf: {  	[sflag:s9] =	ssyncset.done $0x0  }
0xc0: {  	[sflag:s9] =	ssyncadd.s32 $0xFFFFE000  }
0xc1: {  	[spmem:s1] =	stream.indirect.scatter.add.f32 [tilespmem:s28], [sflag:$0x5], $0x80, s13, s30, $0xb8;
	[tilespmem:$0x1E800] =	vst v63  }
0xc2: {  	_ =	swait.ge [sflag:s26], $0x2000  }
0xc3: {  	[sflag:s26] =	ssyncset.done $0x0  }
0xc4: {  	[sflag:s26] =	ssyncadd.s32 $0xFFFFE000  }
0xc5: {  	_ =	swait.ge [sflag:s10], $0x2000  }
0xc6: {  	[sflag:s10] =	ssyncset.done $0x0  }
0xc7: {  	[sflag:s10] =	ssyncadd.s32 $0xFFFFE000  }
0xc8: {  	[spmem:s1] =	stream.indirect.scatter.add.f32 [tilespmem:s2], [sflag:$0x5], $0x80, s14, s30, $0xb8;
	[tilespmem:$0x1E800] =	vst v63  }
0xc9: {  	_ =	swait.ge [sflag:s26], $0x2000  }
0xca: {  	[sflag:s26] =	ssyncset.done $0x0  }
0xcb: {  	[sflag:s26] =	ssyncadd.s32 $0xFFFFE000  }
0xcc: {  	_ =	swait.ge [sflag:s11], $0x2000  }
0xcd: {  	[sflag:s11] =	ssyncset.done $0x0  }
0xce: {  	[sflag:s11] =	ssyncadd.s32 $0xFFFFE000  }
0xcf: {  	[spmem:s1] =	stream.indirect.scatter.add.f32 [tilespmem:s7], [sflag:$0x5], $0x80, s15, s30, $0xb8;
	[tilespmem:$0x1E800] =	vst v63  }
0xd0: {  	_ =	swait.ge [sflag:s26], $0x2000  }
0xd1: {  	[sflag:s26] =	ssyncset.done $0x0  }
0xd2: {  	s16 =	simm.s32 $0x0;
	s18 =	rddreg [dreg:$0xc];
	[sflag:s26] =	ssyncadd.s32 $0xFFFFE000  }
0xd3: {  	[tilespmem:s16], [sflag:$0x5] =	stream.linear.gather [hbm4b:s18+s16], $0x1400, $0x38;
	[tilespmem:$0x1E800] =	vst v63  }
0xd4: {  	_ =	swait.ge [sflag:s26], $0x1400  }
0xd5: {  	[sflag:s26] =	ssyncset.done $0x0  }
0xd6: {  	s18 =	rddreg [dreg:$0xd];
	[sflag:s26] =	ssyncadd.s32 $0xFFFFEC00  }
0xd7: {  	[tilespmem:s29], [sflag:$0x5] =	stream.linear.gather [hbm4b:s18+s16], $0x1400, $0x38;
	[tilespmem:$0x1E800] =	vst v63  }
0xd8: {  	_ =	swait.ge [sflag:s26], $0x1400  }
0xd9: {  	[sflag:s26] =	ssyncset.done $0x0  }
0xda: {  	[sflag:s26] =	ssyncadd.s32 $0xFFFFEC00  }
0xdb: {  	[tilespmem:s25], [sflag:$0x1] =	stream.indirect.gather [hbm4b:s4+s30], $0x80, s16, s30, $0xb8;
	[tilespmem:$0x1E800] =	vst v63  }
0xdc: {  	_ = 	snop  }
0xdd: {  	[tilespmem:s28], [sflag:$0x2] =	stream.indirect.gather [hbm4b:s4+s30], $0x80, s31, s30, $0xb8;
	[tilespmem:$0x1E800] =	vst v63  }
0xde: {  	_ = 	snop  }
0xdf: {  	[tilespmem:s2], [sflag:$0x3] =	stream.indirect.gather [hbm4b:s4+s30], $0x80, s0, s30, $0xb8;
	[tilespmem:$0x1E800] =	vst v63  }
0xe0: {  	_ = 	snop  }
0xe1: {  	[tilespmem:s7], [sflag:$0x4] =	stream.indirect.gather [hbm4b:s4+s30], $0x80, s6, s30, $0xb8;
	[tilespmem:$0x1E800] =	vst v63  }
0xe2: {  	_ =	swait.ge [sflag:s8], $0x2000  }
0xe3: {  	[sflag:s8] =	ssyncset.done $0x0  }
0xe4: {  	s18 =	simm.s32 $0x1400;
	[sflag:s8] =	ssyncadd.s32 $0xFFFFE000  }
0xe5: {  	[spmem:s1] =	stream.indirect.scatter.add.f32 [tilespmem:s25], [sflag:$0x5], $0x80, s18, s30, $0xb8;
	[tilespmem:$0x1E800] =	vst v63  }
0xe6: {  	_ =	swait.ge [sflag:s26], $0x2000  }
0xe7: {  	[sflag:s26] =	ssyncset.done $0x0  }
0xe8: {  	s17 =	simm.s32 $0x200;
	[sflag:s26] =	ssyncadd.s32 $0xFFFFE000  }
0xe9: {  	[tilespmem:s25], [sflag:$0x1] =	stream.indirect.gather [hbm4b:s4+s30], $0x80, s17, s30, $0xb8;
	[tilespmem:$0x1E800] =	vst v63  }
0xea: {  	_ =	swait.ge [sflag:s9], $0x2000  }
0xeb: {  	[sflag:s9] =	ssyncset.done $0x0  }
0xec: {  	s18 =	simm.s32 $0x1480;
	[sflag:s9] =	ssyncadd.s32 $0xFFFFE000  }
0xed: {  	[spmem:s1] =	stream.indirect.scatter.add.f32 [tilespmem:s28], [sflag:$0x5], $0x80, s18, s30, $0xb8;
	[tilespmem:$0x1E800] =	vst v63  }
0xee: {  	_ =	swait.ge [sflag:s26], $0x2000  }
0xef: {  	[sflag:s26] =	ssyncset.done $0x0  }
0xf0: {  	s17 =	simm.s32 $0x280;
	[sflag:s26] =	ssyncadd.s32 $0xFFFFE000  }
0xf1: {  	[tilespmem:s28], [sflag:$0x2] =	stream.indirect.gather [hbm4b:s4+s30], $0x80, s17, s30, $0xb8;
	[tilespmem:$0x1E800] =	vst v63  }
0xf2: {  	_ =	swait.ge [sflag:s10], $0x2000  }
0xf3: {  	[sflag:s10] =	ssyncset.done $0x0  }
0xf4: {  	s18 =	simm.s32 $0x1500;
	[sflag:s10] =	ssyncadd.s32 $0xFFFFE000  }
0xf5: {  	[spmem:s1] =	stream.indirect.scatter.add.f32 [tilespmem:s2], [sflag:$0x5], $0x80, s18, s30, $0xb8;
	[tilespmem:$0x1E800] =	vst v63  }
0xf6: {  	_ =	swait.ge [sflag:s26], $0x2000  }
0xf7: {  	[sflag:s26] =	ssyncset.done $0x0  }
0xf8: {  	s17 =	simm.s32 $0x300;
	[sflag:s26] =	ssyncadd.s32 $0xFFFFE000  }
0xf9: {  	[tilespmem:s2], [sflag:$0x3] =	stream.indirect.gather [hbm4b:s4+s30], $0x80, s17, s30, $0xb8;
	[tilespmem:$0x1E800] =	vst v63  }
0xfa: {  	_ =	swait.ge [sflag:s11], $0x2000  }
0xfb: {  	[sflag:s11] =	ssyncset.done $0x0  }
0xfc: {  	s18 =	simm.s32 $0x1580;
	[sflag:s11] =	ssyncadd.s32 $0xFFFFE000  }
0xfd: {  	[spmem:s1] =	stream.indirect.scatter.add.f32 [tilespmem:s7], [sflag:$0x5], $0x80, s18, s30, $0xb8;
	[tilespmem:$0x1E800] =	vst v63  }
0xfe: {  	_ =	swait.ge [sflag:s26], $0x2000  }
0xff: {  	[sflag:s26] =	ssyncset.done $0x0  }
0x100: {  	s16 =	simm.s32 $0x800;
	s17 =	simm.s32 $0x380;
	[sflag:s26] =	ssyncadd.s32 $0xFFFFE000  }
.LBB2_6:
0x101: {  	[tilespmem:s7], [sflag:$0x4] =	stream.indirect.gather [hbm4b:s4+s30], $0x80, s17, s30, $0xb8;
	[tilespmem:$0x1E800] =	vst v63  }
0x102: {  	s17 =	smov.u32 s16  }
0x103: {  	p0 =	sne.s32 s16, $0x4000;
	s16 =	sadd.s32 $0x800, s16;
	_ =	swait.ge [sflag:s8], $0x2000  }
0x104: {  	s17 =	sshra.s32 s17, $0x2;
	[sflag:s8] =	ssyncset.done $0x0  }
0x105: {  	s18 =	sadd.s32 $0x1400, s17;
	[sflag:s8] =	ssyncadd.s32 $0xFFFFE000  }
0x106: {  	[spmem:s1] =	stream.indirect.scatter.add.f32 [tilespmem:s25], [sflag:$0x5], $0x80, s18, s30, $0xb8;
	[tilespmem:$0x1E800] =	vst v63  }
0x107: {  	_ =	swait.ge [sflag:s26], $0x2000  }
0x108: {  	[sflag:s26] =	ssyncset.done $0x0  }
0x109: {  	s18 =	sadd.s32 $0x200, s17;
	[sflag:s26] =	ssyncadd.s32 $0xFFFFE000  }
0x10a: {  	[tilespmem:s25], [sflag:$0x1] =	stream.indirect.gather [hbm4b:s4+s30], $0x80, s18, s30, $0xb8;
	[tilespmem:$0x1E800] =	vst v63  }
0x10b: {  	_ =	swait.ge [sflag:s9], $0x2000  }
0x10c: {  	[sflag:s9] =	ssyncset.done $0x0  }
0x10d: {  	s18 =	sadd.s32 $0x1480, s17;
	[sflag:s9] =	ssyncadd.s32 $0xFFFFE000  }
0x10e: {  	[spmem:s1] =	stream.indirect.scatter.add.f32 [tilespmem:s28], [sflag:$0x5], $0x80, s18, s30, $0xb8;
	[tilespmem:$0x1E800] =	vst v63  }
0x10f: {  	_ =	swait.ge [sflag:s26], $0x2000  }
0x110: {  	[sflag:s26] =	ssyncset.done $0x0  }
0x111: {  	s18 =	sadd.s32 $0x280, s17;
	[sflag:s26] =	ssyncadd.s32 $0xFFFFE000  }
0x112: {  	[tilespmem:s28], [sflag:$0x2] =	stream.indirect.gather [hbm4b:s4+s30], $0x80, s18, s30, $0xb8;
	[tilespmem:$0x1E800] =	vst v63  }
0x113: {  	_ =	swait.ge [sflag:s10], $0x2000  }
0x114: {  	[sflag:s10] =	ssyncset.done $0x0  }
0x115: {  	s18 =	sadd.s32 $0x1500, s17;
	[sflag:s10] =	ssyncadd.s32 $0xFFFFE000  }
0x116: {  	[spmem:s1] =	stream.indirect.scatter.add.f32 [tilespmem:s2], [sflag:$0x5], $0x80, s18, s30, $0xb8;
	[tilespmem:$0x1E800] =	vst v63  }
0x117: {  	_ =	swait.ge [sflag:s26], $0x2000  }
0x118: {  	[sflag:s26] =	ssyncset.done $0x0  }
0x119: {  	s18 =	sadd.s32 $0x300, s17;
	[sflag:s26] =	ssyncadd.s32 $0xFFFFE000  }
0x11a: {  	[tilespmem:s2], [sflag:$0x3] =	stream.indirect.gather [hbm4b:s4+s30], $0x80, s18, s30, $0xb8;
	[tilespmem:$0x1E800] =	vst v63  }
0x11b: {  	_ =	swait.ge [sflag:s11], $0x2000  }
0x11c: {  	[sflag:s11] =	ssyncset.done $0x0  }
.Ltmp2:
0x11d: {  	s18 =	sadd.s32 $0x1580, s17;
	[sflag:s11] =	ssyncadd.s32 $0xFFFFE000;
	(pc) =	sbr.rel @p0 .LBB2_6-.Ltmp2, $4  }
0x11e: {  	[spmem:s1] =	stream.indirect.scatter.add.f32 [tilespmem:s7], [sflag:$0x5], $0x80, s18, s30, $0xb8;
	[tilespmem:$0x1E800] =	vst v63  }
0x11f: {  	_ =	swait.ge [sflag:s26], $0x2000  }
0x120: {  	[sflag:s26] =	ssyncset.done $0x0  }
0x121: {  	s17 =	sadd.s32 $0x380, s17;
	[sflag:s26] =	ssyncadd.s32 $0xFFFFE000  }
0x122: {  	[tilespmem:s7], [sflag:$0x4] =	stream.indirect.gather [hbm4b:s4+s30], $0x80, s17, s30, $0xb8;
	[tilespmem:$0x1E800] =	vst v63  }
0x123: {  	_ =	swait.ge [sflag:s8], $0x2000  }
0x124: {  	[sflag:s8] =	ssyncset.done $0x0  }
0x125: {  	[sflag:s8] =	ssyncadd.s32 $0xFFFFE000  }
0x126: {  	[spmem:s1] =	stream.indirect.scatter.add.f32 [tilespmem:s25], [sflag:$0x5], $0x80, s12, s30, $0xb8;
	[tilespmem:$0x1E800] =	vst v63  }
0x127: {  	_ =	swait.ge [sflag:s26], $0x2000  }
0x128: {  	[sflag:s26] =	ssyncset.done $0x0  }
0x129: {  	[sflag:s26] =	ssyncadd.s32 $0xFFFFE000  }
0x12a: {  	_ =	swait.ge [sflag:s9], $0x2000  }
0x12b: {  	[sflag:s9] =	ssyncset.done $0x0  }
0x12c: {  	[sflag:s9] =	ssyncadd.s32 $0xFFFFE000  }
0x12d: {  	[spmem:s1] =	stream.indirect.scatter.add.f32 [tilespmem:s28], [sflag:$0x5], $0x80, s13, s30, $0xb8;
	[tilespmem:$0x1E800] =	vst v63  }
0x12e: {  	_ =	swait.ge [sflag:s26], $0x2000  }
0x12f: {  	[sflag:s26] =	ssyncset.done $0x0  }
0x130: {  	[sflag:s26] =	ssyncadd.s32 $0xFFFFE000  }
0x131: {  	_ =	swait.ge [sflag:s10], $0x2000  }
0x132: {  	[sflag:s10] =	ssyncset.done $0x0  }
0x133: {  	[sflag:s10] =	ssyncadd.s32 $0xFFFFE000  }
0x134: {  	[spmem:s1] =	stream.indirect.scatter.add.f32 [tilespmem:s2], [sflag:$0x5], $0x80, s14, s30, $0xb8;
	[tilespmem:$0x1E800] =	vst v63  }
0x135: {  	_ =	swait.ge [sflag:s26], $0x2000  }
0x136: {  	[sflag:s26] =	ssyncset.done $0x0  }
0x137: {  	[sflag:s26] =	ssyncadd.s32 $0xFFFFE000  }
0x138: {  	_ =	swait.ge [sflag:s11], $0x2000  }
0x139: {  	[sflag:s11] =	ssyncset.done $0x0  }
0x13a: {  	[sflag:s11] =	ssyncadd.s32 $0xFFFFE000  }
0x13b: {  	[spmem:s1] =	stream.indirect.scatter.add.f32 [tilespmem:s7], [sflag:$0x5], $0x80, s15, s30, $0xb8;
	[tilespmem:$0x1E800] =	vst v63  }
0x13c: {  	_ =	swait.ge [sflag:s26], $0x2000  }
0x13d: {  	[sflag:s26] =	ssyncset.done $0x0  }
0x13e: {  	s16 =	simm.s32 $0x0;
	s18 =	rddreg [dreg:$0xe];
	[sflag:s26] =	ssyncadd.s32 $0xFFFFE000  }
0x13f: {  	[tilespmem:s16], [sflag:$0x5] =	stream.linear.gather [hbm4b:s18+s16], $0x1400, $0x38;
	[tilespmem:$0x1E800] =	vst v63  }
0x140: {  	_ =	swait.ge [sflag:s26], $0x1400  }
0x141: {  	[sflag:s26] =	ssyncset.done $0x0  }
0x142: {  	s18 =	rddreg [dreg:$0xf];
	[sflag:s26] =	ssyncadd.s32 $0xFFFFEC00  }
0x143: {  	[tilespmem:s29], [sflag:$0x5] =	stream.linear.gather [hbm4b:s18+s16], $0x1400, $0x38;
	[tilespmem:$0x1E800] =	vst v63  }
0x144: {  	_ =	swait.ge [sflag:s26], $0x1400  }
0x145: {  	[sflag:s26] =	ssyncset.done $0x0  }
0x146: {  	[sflag:s26] =	ssyncadd.s32 $0xFFFFEC00  }
0x147: {  	[tilespmem:s25], [sflag:$0x1] =	stream.indirect.gather [hbm4b:s4+s30], $0x80, s16, s30, $0xb8;
	[tilespmem:$0x1E800] =	vst v63  }
0x148: {  	_ = 	snop  }
0x149: {  	[tilespmem:s28], [sflag:$0x2] =	stream.indirect.gather [hbm4b:s4+s30], $0x80, s31, s30, $0xb8;
	[tilespmem:$0x1E800] =	vst v63  }
0x14a: {  	_ = 	snop  }
0x14b: {  	[tilespmem:s2], [sflag:$0x3] =	stream.indirect.gather [hbm4b:s4+s30], $0x80, s0, s30, $0xb8;
	[tilespmem:$0x1E800] =	vst v63  }
0x14c: {  	_ = 	snop  }
0x14d: {  	[tilespmem:s7], [sflag:$0x4] =	stream.indirect.gather [hbm4b:s4+s30], $0x80, s6, s30, $0xb8;
	[tilespmem:$0x1E800] =	vst v63  }
0x14e: {  	_ =	swait.ge [sflag:s8], $0x2000  }
0x14f: {  	[sflag:s8] =	ssyncset.done $0x0  }
0x150: {  	s18 =	simm.s32 $0x1400;
	[sflag:s8] =	ssyncadd.s32 $0xFFFFE000  }
0x151: {  	[spmem:s1] =	stream.indirect.scatter.add.f32 [tilespmem:s25], [sflag:$0x5], $0x80, s18, s30, $0xb8;
	[tilespmem:$0x1E800] =	vst v63  }
0x152: {  	_ =	swait.ge [sflag:s26], $0x2000  }
0x153: {  	[sflag:s26] =	ssyncset.done $0x0  }
0x154: {  	s17 =	simm.s32 $0x200;
	[sflag:s26] =	ssyncadd.s32 $0xFFFFE000  }
0x155: {  	[tilespmem:s25], [sflag:$0x1] =	stream.indirect.gather [hbm4b:s4+s30], $0x80, s17, s30, $0xb8;
	[tilespmem:$0x1E800] =	vst v63  }
0x156: {  	_ =	swait.ge [sflag:s9], $0x2000  }
0x157: {  	[sflag:s9] =	ssyncset.done $0x0  }
0x158: {  	s18 =	simm.s32 $0x1480;
	[sflag:s9] =	ssyncadd.s32 $0xFFFFE000  }
0x159: {  	[spmem:s1] =	stream.indirect.scatter.add.f32 [tilespmem:s28], [sflag:$0x5], $0x80, s18, s30, $0xb8;
	[tilespmem:$0x1E800] =	vst v63  }
0x15a: {  	_ =	swait.ge [sflag:s26], $0x2000  }
0x15b: {  	[sflag:s26] =	ssyncset.done $0x0  }
0x15c: {  	s17 =	simm.s32 $0x280;
	[sflag:s26] =	ssyncadd.s32 $0xFFFFE000  }
0x15d: {  	[tilespmem:s28], [sflag:$0x2] =	stream.indirect.gather [hbm4b:s4+s30], $0x80, s17, s30, $0xb8;
	[tilespmem:$0x1E800] =	vst v63  }
0x15e: {  	_ =	swait.ge [sflag:s10], $0x2000  }
0x15f: {  	[sflag:s10] =	ssyncset.done $0x0  }
0x160: {  	s18 =	simm.s32 $0x1500;
	[sflag:s10] =	ssyncadd.s32 $0xFFFFE000  }
0x161: {  	[spmem:s1] =	stream.indirect.scatter.add.f32 [tilespmem:s2], [sflag:$0x5], $0x80, s18, s30, $0xb8;
	[tilespmem:$0x1E800] =	vst v63  }
0x162: {  	_ =	swait.ge [sflag:s26], $0x2000  }
0x163: {  	[sflag:s26] =	ssyncset.done $0x0  }
0x164: {  	s17 =	simm.s32 $0x300;
	[sflag:s26] =	ssyncadd.s32 $0xFFFFE000  }
0x165: {  	[tilespmem:s2], [sflag:$0x3] =	stream.indirect.gather [hbm4b:s4+s30], $0x80, s17, s30, $0xb8;
	[tilespmem:$0x1E800] =	vst v63  }
0x166: {  	_ =	swait.ge [sflag:s11], $0x2000  }
0x167: {  	[sflag:s11] =	ssyncset.done $0x0  }
0x168: {  	s18 =	simm.s32 $0x1580;
	[sflag:s11] =	ssyncadd.s32 $0xFFFFE000  }
0x169: {  	[spmem:s1] =	stream.indirect.scatter.add.f32 [tilespmem:s7], [sflag:$0x5], $0x80, s18, s30, $0xb8;
	[tilespmem:$0x1E800] =	vst v63  }
0x16a: {  	_ =	swait.ge [sflag:s26], $0x2000  }
0x16b: {  	[sflag:s26] =	ssyncset.done $0x0  }
0x16c: {  	s16 =	simm.s32 $0x800;
	s17 =	simm.s32 $0x380;
	[sflag:s26] =	ssyncadd.s32 $0xFFFFE000  }
.LBB2_8:
0x16d: {  	[tilespmem:s7], [sflag:$0x4] =	stream.indirect.gather [hbm4b:s4+s30], $0x80, s17, s30, $0xb8;
	[tilespmem:$0x1E800] =	vst v63  }
0x16e: {  	s17 =	smov.u32 s16  }
0x16f: {  	p0 =	sne.s32 s16, $0x4000;
	s16 =	sadd.s32 $0x800, s16;
	_ =	swait.ge [sflag:s8], $0x2000  }
0x170: {  	s17 =	sshra.s32 s17, $0x2;
	[sflag:s8] =	ssyncset.done $0x0  }
0x171: {  	s18 =	sadd.s32 $0x1400, s17;
	[sflag:s8] =	ssyncadd.s32 $0xFFFFE000  }
0x172: {  	[spmem:s1] =	stream.indirect.scatter.add.f32 [tilespmem:s25], [sflag:$0x5], $0x80, s18, s30, $0xb8;
	[tilespmem:$0x1E800] =	vst v63  }
0x173: {  	_ =	swait.ge [sflag:s26], $0x2000  }
0x174: {  	[sflag:s26] =	ssyncset.done $0x0  }
0x175: {  	s18 =	sadd.s32 $0x200, s17;
	[sflag:s26] =	ssyncadd.s32 $0xFFFFE000  }
0x176: {  	[tilespmem:s25], [sflag:$0x1] =	stream.indirect.gather [hbm4b:s4+s30], $0x80, s18, s30, $0xb8;
	[tilespmem:$0x1E800] =	vst v63  }
0x177: {  	_ =	swait.ge [sflag:s9], $0x2000  }
0x178: {  	[sflag:s9] =	ssyncset.done $0x0  }
0x179: {  	s18 =	sadd.s32 $0x1480, s17;
	[sflag:s9] =	ssyncadd.s32 $0xFFFFE000  }
0x17a: {  	[spmem:s1] =	stream.indirect.scatter.add.f32 [tilespmem:s28], [sflag:$0x5], $0x80, s18, s30, $0xb8;
	[tilespmem:$0x1E800] =	vst v63  }
0x17b: {  	_ =	swait.ge [sflag:s26], $0x2000  }
0x17c: {  	[sflag:s26] =	ssyncset.done $0x0  }
0x17d: {  	s18 =	sadd.s32 $0x280, s17;
	[sflag:s26] =	ssyncadd.s32 $0xFFFFE000  }
0x17e: {  	[tilespmem:s28], [sflag:$0x2] =	stream.indirect.gather [hbm4b:s4+s30], $0x80, s18, s30, $0xb8;
	[tilespmem:$0x1E800] =	vst v63  }
0x17f: {  	_ =	swait.ge [sflag:s10], $0x2000  }
0x180: {  	[sflag:s10] =	ssyncset.done $0x0  }
0x181: {  	s18 =	sadd.s32 $0x1500, s17;
	[sflag:s10] =	ssyncadd.s32 $0xFFFFE000  }
0x182: {  	[spmem:s1] =	stream.indirect.scatter.add.f32 [tilespmem:s2], [sflag:$0x5], $0x80, s18, s30, $0xb8;
	[tilespmem:$0x1E800] =	vst v63  }
0x183: {  	_ =	swait.ge [sflag:s26], $0x2000  }
0x184: {  	[sflag:s26] =	ssyncset.done $0x0  }
0x185: {  	s18 =	sadd.s32 $0x300, s17;
	[sflag:s26] =	ssyncadd.s32 $0xFFFFE000  }
0x186: {  	[tilespmem:s2], [sflag:$0x3] =	stream.indirect.gather [hbm4b:s4+s30], $0x80, s18, s30, $0xb8;
	[tilespmem:$0x1E800] =	vst v63  }
0x187: {  	_ =	swait.ge [sflag:s11], $0x2000  }
0x188: {  	[sflag:s11] =	ssyncset.done $0x0  }
.Ltmp3:
0x189: {  	s18 =	sadd.s32 $0x1580, s17;
	[sflag:s11] =	ssyncadd.s32 $0xFFFFE000;
	(pc) =	sbr.rel @p0 .LBB2_8-.Ltmp3, $4  }
0x18a: {  	[spmem:s1] =	stream.indirect.scatter.add.f32 [tilespmem:s7], [sflag:$0x5], $0x80, s18, s30, $0xb8;
	[tilespmem:$0x1E800] =	vst v63  }
0x18b: {  	_ =	swait.ge [sflag:s26], $0x2000  }
0x18c: {  	[sflag:s26] =	ssyncset.done $0x0  }
0x18d: {  	s17 =	sadd.s32 $0x380, s17;
	[sflag:s26] =	ssyncadd.s32 $0xFFFFE000  }
0x18e: {  	[tilespmem:s7], [sflag:$0x4] =	stream.indirect.gather [hbm4b:s4+s30], $0x80, s17, s30, $0xb8;
	[tilespmem:$0x1E800] =	vst v63  }
0x18f: {  	_ =	swait.ge [sflag:s8], $0x2000  }
0x190: {  	[sflag:s8] =	ssyncset.done $0x0  }
0x191: {  	[sflag:s8] =	ssyncadd.s32 $0xFFFFE000  }
0x192: {  	[spmem:s1] =	stream.indirect.scatter.add.f32 [tilespmem:s25], [sflag:$0x5], $0x80, s12, s30, $0xb8;
	[tilespmem:$0x1E800] =	vst v63  }
0x193: {  	_ =	swait.ge [sflag:s26], $0x2000  }
0x194: {  	[sflag:s26] =	ssyncset.done $0x0  }
0x195: {  	[sflag:s26] =	ssyncadd.s32 $0xFFFFE000  }
0x196: {  	_ =	swait.ge [sflag:s9], $0x2000  }
0x197: {  	[sflag:s9] =	ssyncset.done $0x0  }
0x198: {  	[sflag:s9] =	ssyncadd.s32 $0xFFFFE000  }
0x199: {  	[spmem:s1] =	stream.indirect.scatter.add.f32 [tilespmem:s28], [sflag:$0x5], $0x80, s13, s30, $0xb8;
	[tilespmem:$0x1E800] =	vst v63  }
0x19a: {  	_ =	swait.ge [sflag:s26], $0x2000  }
0x19b: {  	[sflag:s26] =	ssyncset.done $0x0  }
0x19c: {  	[sflag:s26] =	ssyncadd.s32 $0xFFFFE000  }
0x19d: {  	_ =	swait.ge [sflag:s10], $0x2000  }
0x19e: {  	[sflag:s10] =	ssyncset.done $0x0  }
0x19f: {  	[sflag:s10] =	ssyncadd.s32 $0xFFFFE000  }
0x1a0: {  	[spmem:s1] =	stream.indirect.scatter.add.f32 [tilespmem:s2], [sflag:$0x5], $0x80, s14, s30, $0xb8;
	[tilespmem:$0x1E800] =	vst v63  }
0x1a1: {  	_ =	swait.ge [sflag:s26], $0x2000  }
0x1a2: {  	[sflag:s26] =	ssyncset.done $0x0  }
0x1a3: {  	[sflag:s26] =	ssyncadd.s32 $0xFFFFE000  }
0x1a4: {  	_ =	swait.ge [sflag:s11], $0x2000  }
0x1a5: {  	[sflag:s11] =	ssyncset.done $0x0  }
0x1a6: {  	[sflag:s11] =	ssyncadd.s32 $0xFFFFE000  }
0x1a7: {  	[spmem:s1] =	stream.indirect.scatter.add.f32 [tilespmem:s7], [sflag:$0x5], $0x80, s15, s30, $0xb8;
	[tilespmem:$0x1E800] =	vst v63  }
0x1a8: {  	_ =	swait.ge [sflag:s26], $0x2000  }
0x1a9: {  	[sflag:s26] =	ssyncset.done $0x0  }
0x1aa: {  	s16 =	simm.s32 $0x0;
	[sflag:s26] =	ssyncadd.s32 $0xFFFFE000  }
0x1ab: {  	[tilespmem:s16], [sflag:$0x5] =	stream.linear.gather [hbm4b:s19+s16], $0x1400, $0x38;
	[tilespmem:$0x1E800] =	vst v63  }
0x1ac: {  	_ =	swait.ge [sflag:s26], $0x1400  }
0x1ad: {  	[sflag:s26] =	ssyncset.done $0x0  }
0x1ae: {  	[sflag:s26] =	ssyncadd.s32 $0xFFFFEC00  }
0x1af: {  	[tilespmem:s29], [sflag:$0x5] =	stream.linear.gather [hbm4b:s20+s16], $0x1400, $0x38;
	[tilespmem:$0x1E800] =	vst v63  }
0x1b0: {  	_ =	swait.ge [sflag:s26], $0x1400  }
0x1b1: {  	[sflag:s26] =	ssyncset.done $0x0  }
0x1b2: {  	[sflag:s26] =	ssyncadd.s32 $0xFFFFEC00  }
0x1b3: {  	[tilespmem:s25], [sflag:$0x1] =	stream.indirect.gather [hbm4b:s4+s30], $0x80, s16, s30, $0xb8;
	[tilespmem:$0x1E800] =	vst v63  }
0x1b4: {  	_ = 	snop  }
0x1b5: {  	[tilespmem:s28], [sflag:$0x2] =	stream.indirect.gather [hbm4b:s4+s30], $0x80, s31, s30, $0xb8;
	[tilespmem:$0x1E800] =	vst v63  }
0x1b6: {  	_ = 	snop  }
0x1b7: {  	[tilespmem:s2], [sflag:$0x3] =	stream.indirect.gather [hbm4b:s4+s30], $0x80, s0, s30, $0xb8;
	[tilespmem:$0x1E800] =	vst v63  }
0x1b8: {  	_ = 	snop  }
0x1b9: {  	[tilespmem:s7], [sflag:$0x4] =	stream.indirect.gather [hbm4b:s4+s30], $0x80, s6, s30, $0xb8;
	[tilespmem:$0x1E800] =	vst v63  }
0x1ba: {  	_ =	swait.ge [sflag:s8], $0x2000  }
0x1bb: {  	[sflag:s8] =	ssyncset.done $0x0  }
0x1bc: {  	s18 =	simm.s32 $0x1400;
	[sflag:s8] =	ssyncadd.s32 $0xFFFFE000  }
0x1bd: {  	[spmem:s1] =	stream.indirect.scatter.add.f32 [tilespmem:s25], [sflag:$0x5], $0x80, s18, s30, $0xb8;
	[tilespmem:$0x1E800] =	vst v63  }
0x1be: {  	_ =	swait.ge [sflag:s26], $0x2000  }
0x1bf: {  	[sflag:s26] =	ssyncset.done $0x0  }
0x1c0: {  	s17 =	simm.s32 $0x200;
	[sflag:s26] =	ssyncadd.s32 $0xFFFFE000  }
0x1c1: {  	[tilespmem:s25], [sflag:$0x1] =	stream.indirect.gather [hbm4b:s4+s30], $0x80, s17, s30, $0xb8;
	[tilespmem:$0x1E800] =	vst v63  }
0x1c2: {  	_ =	swait.ge [sflag:s9], $0x2000  }
0x1c3: {  	[sflag:s9] =	ssyncset.done $0x0  }
0x1c4: {  	s18 =	simm.s32 $0x1480;
	[sflag:s9] =	ssyncadd.s32 $0xFFFFE000  }
0x1c5: {  	[spmem:s1] =	stream.indirect.scatter.add.f32 [tilespmem:s28], [sflag:$0x5], $0x80, s18, s30, $0xb8;
	[tilespmem:$0x1E800] =	vst v63  }
0x1c6: {  	_ =	swait.ge [sflag:s26], $0x2000  }
0x1c7: {  	[sflag:s26] =	ssyncset.done $0x0  }
0x1c8: {  	s17 =	simm.s32 $0x280;
	[sflag:s26] =	ssyncadd.s32 $0xFFFFE000  }
0x1c9: {  	[tilespmem:s28], [sflag:$0x2] =	stream.indirect.gather [hbm4b:s4+s30], $0x80, s17, s30, $0xb8;
	[tilespmem:$0x1E800] =	vst v63  }
0x1ca: {  	_ =	swait.ge [sflag:s10], $0x2000  }
0x1cb: {  	[sflag:s10] =	ssyncset.done $0x0  }
0x1cc: {  	s18 =	simm.s32 $0x1500;
	[sflag:s10] =	ssyncadd.s32 $0xFFFFE000  }
0x1cd: {  	[spmem:s1] =	stream.indirect.scatter.add.f32 [tilespmem:s2], [sflag:$0x5], $0x80, s18, s30, $0xb8;
	[tilespmem:$0x1E800] =	vst v63  }
0x1ce: {  	_ =	swait.ge [sflag:s26], $0x2000  }
0x1cf: {  	[sflag:s26] =	ssyncset.done $0x0  }
0x1d0: {  	s17 =	simm.s32 $0x300;
	[sflag:s26] =	ssyncadd.s32 $0xFFFFE000  }
0x1d1: {  	[tilespmem:s2], [sflag:$0x3] =	stream.indirect.gather [hbm4b:s4+s30], $0x80, s17, s30, $0xb8;
	[tilespmem:$0x1E800] =	vst v63  }
0x1d2: {  	_ =	swait.ge [sflag:s11], $0x2000  }
0x1d3: {  	[sflag:s11] =	ssyncset.done $0x0  }
0x1d4: {  	s18 =	simm.s32 $0x1580;
	[sflag:s11] =	ssyncadd.s32 $0xFFFFE000  }
0x1d5: {  	[spmem:s1] =	stream.indirect.scatter.add.f32 [tilespmem:s7], [sflag:$0x5], $0x80, s18, s30, $0xb8;
	[tilespmem:$0x1E800] =	vst v63  }
0x1d6: {  	_ =	swait.ge [sflag:s26], $0x2000  }
0x1d7: {  	[sflag:s26] =	ssyncset.done $0x0  }
0x1d8: {  	s16 =	simm.s32 $0x800;
	s17 =	simm.s32 $0x380;
	[sflag:s26] =	ssyncadd.s32 $0xFFFFE000  }
.LBB2_10:
0x1d9: {  	[tilespmem:s7], [sflag:$0x4] =	stream.indirect.gather [hbm4b:s4+s30], $0x80, s17, s30, $0xb8;
	[tilespmem:$0x1E800] =	vst v63  }
0x1da: {  	s17 =	smov.u32 s16  }
0x1db: {  	p0 =	sne.s32 s16, $0x4000;
	s16 =	sadd.s32 $0x800, s16;
	_ =	swait.ge [sflag:s8], $0x2000  }
0x1dc: {  	s17 =	sshra.s32 s17, $0x2;
	[sflag:s8] =	ssyncset.done $0x0  }
0x1dd: {  	s18 =	sadd.s32 $0x1400, s17;
	[sflag:s8] =	ssyncadd.s32 $0xFFFFE000  }
0x1de: {  	[spmem:s1] =	stream.indirect.scatter.add.f32 [tilespmem:s25], [sflag:$0x5], $0x80, s18, s30, $0xb8;
	[tilespmem:$0x1E800] =	vst v63  }
0x1df: {  	_ =	swait.ge [sflag:s26], $0x2000  }
0x1e0: {  	[sflag:s26] =	ssyncset.done $0x0  }
0x1e1: {  	s18 =	sadd.s32 $0x200, s17;
	[sflag:s26] =	ssyncadd.s32 $0xFFFFE000  }
0x1e2: {  	[tilespmem:s25], [sflag:$0x1] =	stream.indirect.gather [hbm4b:s4+s30], $0x80, s18, s30, $0xb8;
	[tilespmem:$0x1E800] =	vst v63  }
0x1e3: {  	_ =	swait.ge [sflag:s9], $0x2000  }
0x1e4: {  	[sflag:s9] =	ssyncset.done $0x0  }
0x1e5: {  	s18 =	sadd.s32 $0x1480, s17;
	[sflag:s9] =	ssyncadd.s32 $0xFFFFE000  }
0x1e6: {  	[spmem:s1] =	stream.indirect.scatter.add.f32 [tilespmem:s28], [sflag:$0x5], $0x80, s18, s30, $0xb8;
	[tilespmem:$0x1E800] =	vst v63  }
0x1e7: {  	_ =	swait.ge [sflag:s26], $0x2000  }
0x1e8: {  	[sflag:s26] =	ssyncset.done $0x0  }
0x1e9: {  	s18 =	sadd.s32 $0x280, s17;
	[sflag:s26] =	ssyncadd.s32 $0xFFFFE000  }
0x1ea: {  	[tilespmem:s28], [sflag:$0x2] =	stream.indirect.gather [hbm4b:s4+s30], $0x80, s18, s30, $0xb8;
	[tilespmem:$0x1E800] =	vst v63  }
0x1eb: {  	_ =	swait.ge [sflag:s10], $0x2000  }
0x1ec: {  	[sflag:s10] =	ssyncset.done $0x0  }
0x1ed: {  	s18 =	sadd.s32 $0x1500, s17;
	[sflag:s10] =	ssyncadd.s32 $0xFFFFE000  }
0x1ee: {  	[spmem:s1] =	stream.indirect.scatter.add.f32 [tilespmem:s2], [sflag:$0x5], $0x80, s18, s30, $0xb8;
	[tilespmem:$0x1E800] =	vst v63  }
0x1ef: {  	_ =	swait.ge [sflag:s26], $0x2000  }
0x1f0: {  	[sflag:s26] =	ssyncset.done $0x0  }
0x1f1: {  	s18 =	sadd.s32 $0x300, s17;
	[sflag:s26] =	ssyncadd.s32 $0xFFFFE000  }
0x1f2: {  	[tilespmem:s2], [sflag:$0x3] =	stream.indirect.gather [hbm4b:s4+s30], $0x80, s18, s30, $0xb8;
	[tilespmem:$0x1E800] =	vst v63  }
0x1f3: {  	_ =	swait.ge [sflag:s11], $0x2000  }
0x1f4: {  	[sflag:s11] =	ssyncset.done $0x0  }
.Ltmp4:
0x1f5: {  	s18 =	sadd.s32 $0x1580, s17;
	[sflag:s11] =	ssyncadd.s32 $0xFFFFE000;
	(pc) =	sbr.rel @p0 .LBB2_10-.Ltmp4, $4  }
0x1f6: {  	[spmem:s1] =	stream.indirect.scatter.add.f32 [tilespmem:s7], [sflag:$0x5], $0x80, s18, s30, $0xb8;
	[tilespmem:$0x1E800] =	vst v63  }
0x1f7: {  	_ =	swait.ge [sflag:s26], $0x2000  }
0x1f8: {  	[sflag:s26] =	ssyncset.done $0x0  }
0x1f9: {  	s17 =	sadd.s32 $0x380, s17;
	[sflag:s26] =	ssyncadd.s32 $0xFFFFE000  }
0x1fa: {  	[tilespmem:s7], [sflag:$0x4] =	stream.indirect.gather [hbm4b:s4+s30], $0x80, s17, s30, $0xb8;
	[tilespmem:$0x1E800] =	vst v63  }
0x1fb: {  	_ =	swait.ge [sflag:s8], $0x2000  }
0x1fc: {  	[sflag:s8] =	ssyncset.done $0x0  }
0x1fd: {  	[sflag:s8] =	ssyncadd.s32 $0xFFFFE000  }
0x1fe: {  	[spmem:s1] =	stream.indirect.scatter.add.f32 [tilespmem:s25], [sflag:$0x5], $0x80, s12, s30, $0xb8;
	[tilespmem:$0x1E800] =	vst v63  }
0x1ff: {  	_ =	swait.ge [sflag:s26], $0x2000  }
0x200: {  	[sflag:s26] =	ssyncset.done $0x0  }
0x201: {  	[sflag:s26] =	ssyncadd.s32 $0xFFFFE000  }
0x202: {  	_ =	swait.ge [sflag:s9], $0x2000  }
0x203: {  	[sflag:s9] =	ssyncset.done $0x0  }
0x204: {  	[sflag:s9] =	ssyncadd.s32 $0xFFFFE000  }
0x205: {  	[spmem:s1] =	stream.indirect.scatter.add.f32 [tilespmem:s28], [sflag:$0x5], $0x80, s13, s30, $0xb8;
	[tilespmem:$0x1E800] =	vst v63  }
0x206: {  	_ =	swait.ge [sflag:s26], $0x2000  }
0x207: {  	[sflag:s26] =	ssyncset.done $0x0  }
0x208: {  	[sflag:s26] =	ssyncadd.s32 $0xFFFFE000  }
0x209: {  	_ =	swait.ge [sflag:s10], $0x2000  }
0x20a: {  	[sflag:s10] =	ssyncset.done $0x0  }
0x20b: {  	[sflag:s10] =	ssyncadd.s32 $0xFFFFE000  }
0x20c: {  	[spmem:s1] =	stream.indirect.scatter.add.f32 [tilespmem:s2], [sflag:$0x5], $0x80, s14, s30, $0xb8;
	[tilespmem:$0x1E800] =	vst v63  }
0x20d: {  	_ =	swait.ge [sflag:s26], $0x2000  }
0x20e: {  	[sflag:s26] =	ssyncset.done $0x0  }
0x20f: {  	[sflag:s26] =	ssyncadd.s32 $0xFFFFE000  }
0x210: {  	_ =	swait.ge [sflag:s11], $0x2000  }
0x211: {  	[sflag:s11] =	ssyncset.done $0x0  }
0x212: {  	[sflag:s11] =	ssyncadd.s32 $0xFFFFE000  }
0x213: {  	[spmem:s1] =	stream.indirect.scatter.add.f32 [tilespmem:s7], [sflag:$0x5], $0x80, s15, s30, $0xb8;
	[tilespmem:$0x1E800] =	vst v63  }
0x214: {  	s16 =	stileid.u32;
	_ =	swait.ge [sflag:s26], $0x2000  }
0x215: {  	s18 =	sshrl.u32 s5, $0x3;
	s3 =	sadd.s32 $0x1, s3;
	[sflag:s26] =	ssyncset.done $0x0  }
0x216: {  	s16 =	sshll.u32 s16, $0x6;
	p0 =	sne.s32 s3, s23;
	[sflag:s26] =	ssyncadd.s32 $0xFFFFE000  }
.Ltmp5:
0x217: {  	s16 =	sor.u32 $0x1C05, s16;
	[bflag:$0x0] =	sbarrier.arrive $0xFFFF;
	(pc) =	sbr.rel @p0 .LBB2_1-.Ltmp5, $4  }
0x218: {  	[hbm:s24], [sflag:s16] =	dma.local [spmem:s18], $0x2800  }
0x219: {  	_ =	swait.ge [sflag:s26], $0x2800  }
0x21a: {  	[sflag:s26] =	ssyncset.done $0x0  }
0x21b: {  	[sflag:s26] =	ssyncadd.s32 $0xFFFFD800  }
0x21c: {  	_ =	sfence.sel $0x180000  }
0x21d: {  	[bflag:$0x0] =	sbarrier.arrive $0xFFFF  }
0x21e: {  	_ =	strace $0x9000004A  }
0x21f: {  	s0 =	stileid.u32;
	[bflag:$0x2] =	sbarrier.arrive $0xFFFF  }
0x220: {  	p0 =	sne.s32 s0, $0x0;
	s0 =	rddreg [dreg:$0x2]  }
0x221: {  	s0 =	sadd.s32 @!p0 $0x100000, s0  }
0x222: {  	[sflag:s0] =	ssyncadd.tile.s32 @!p0 $0x1;
	_ =	shalt  }
.Lfunc_end2:
_tile_overlayer_lowered:
.L_overlay_start_2:
0x223: {  	(tag) =	ssettag $0x2  }
0x224: {  	s0 =	rddreg [dreg:$0x0];
	s2 =	stileid.u32  }
0x225: {  	s1 =	rddreg [dreg:$0x1];
	p0 =	sne.s32 s2, $0x0  }
0x226: {  	s3 =	rddreg [dreg:$0x2];
	[bflag:$0x3] =	sbarrier.arrive $0xFFFF;
	s2 =	simm.s32 @!p0 $0x1C05  }
0x227: {  	[timem:s3], [sflag:s2] =	dma.local @!p0 [hbm:s0], s1  }
0x228: {  	s0 =	simm.s32 @!p0 $0x5  }
0x229: {  	_ =	swait.ge @!p0 [sflag:s0], s1  }
0x22a: {  	s1 =	ssub.s32 @!p0 $0x0, s1;
	[sflag:s0] =	ssyncset.done @!p0 $0x0  }
0x22b: {  	[sflag:s0] =	ssyncadd.s32 @!p0 s1  }
0x22c: {  	[bflag:$0x3] =	sbarrier.arrive $0xFFFF  }
0x22d: {  	_ =	shalt  }

</sc_bundles>
